<compile_context>
chip_gen: v7x
topology: tpu7x:2x2x1
jax: 0.10.2.dev20260603
libtpu: 0.0.44.dev20260713+nightly
codegen_flags: <defaults>
</compile_context>

<pallas_src>
import functools
import jax
import jax.numpy as jnp
from jax import lax
from jax.experimental import pallas as pl
from jax.experimental.pallas import tpu as pltpu
from jax.experimental.pallas import tpu_sc as plsc

BATCH = 16384
SEQ = 50
SEQ_PAD = 56
EMBED_DIM = 64
LANE_PAD = 128
NUM_INDICES = BATCH * SEQ
NUM_WORKERS = 32
BPC = 16
CHUNK = BPC * SEQ
BATCH_PER_WORKER = BATCH // NUM_WORKERS
NUM_CHUNKS = BATCH_PER_WORKER // BPC


def _sc_gather(table, idx):
    mesh = plsc.VectorSubcoreMesh(core_axis_name="c", subcore_axis_name="s")

    @functools.partial(
        pl.kernel,
        mesh=mesh,
        out_type=jax.ShapeDtypeStruct((BATCH, SEQ_PAD, LANE_PAD), table.dtype),
        scratch_types=[
            pltpu.VMEM((2, CHUNK), jnp.int32),
            pltpu.VMEM((2, CHUNK, EMBED_DIM), jnp.float32),
            pltpu.SemaphoreType.DMA,
            pltpu.SemaphoreType.DMA,
            pltpu.SemaphoreType.DMA,
        ],
        compiler_params=pltpu.CompilerParams(use_tc_tiling_on_sc=False),
    )
    def sc_gather(table_hbm, idx_hbm, out_hbm, idx_v, rows_v, sem_i, sem_g, sem_w):
        wid = lax.axis_index("s") * 2 + lax.axis_index("c")
        base_row = wid * BATCH_PER_WORKER * SEQ
        base_batch = wid * BATCH_PER_WORKER

        def writeback_descs(buf, c):
            descs = []
            for b in range(BPC):
                bid = base_batch + c * BPC + b
                descs.append(
                    pltpu.make_async_copy(
                        rows_v.at[buf, pl.ds(b * SEQ, SEQ)],
                        out_hbm.at[bid, pl.ds(0, SEQ), pl.ds(0, EMBED_DIM)],
                        sem_w,
                    )
                )
            return descs

        pltpu.sync_copy(idx_hbm.at[pl.ds(base_row, CHUNK)], idx_v.at[0])

        @pl.loop(0, NUM_CHUNKS // 2)
        def _(g):
            for parity in (0, 1):
                c = g * 2 + parity
                buf = parity
                nxt = 1 - parity
                if parity == 0:
                    pltpu.async_copy(
                        idx_hbm.at[pl.ds(base_row + (c + 1) * CHUNK, CHUNK)],
                        idx_v.at[nxt],
                        sem_i,
                    )
                else:
                    @pl.when(g < NUM_CHUNKS // 2 - 1)
                    def _():
                        pltpu.async_copy(
                            idx_hbm.at[pl.ds(base_row + (c + 1) * CHUNK, CHUNK)],
                            idx_v.at[nxt],
                            sem_i,
                        )

                @pl.when(g >= 1)
                def _():
                    for d in writeback_descs(buf, c - 2):
                        d.wait()

                pltpu.async_copy(
                    table_hbm.at[idx_v.at[buf]], rows_v.at[buf], sem_g
                ).wait()

                for d in writeback_descs(buf, c):
                    d.start()

                if parity == 0:
                    pltpu.make_async_copy(
                        idx_hbm.at[pl.ds(0, CHUNK)], idx_v.at[nxt], sem_i
                    ).wait()
                else:
                    @pl.when(g < NUM_CHUNKS // 2 - 1)
                    def _():
                        pltpu.make_async_copy(
                            idx_hbm.at[pl.ds(0, CHUNK)], idx_v.at[nxt], sem_i
                        ).wait()

        for c in (NUM_CHUNKS - 2, NUM_CHUNKS - 1):
            for d in writeback_descs(c % 2, c):
                d.wait()

    return sc_gather(table, idx)


def kernel(x, table):
    idx = x.reshape(NUM_INDICES)

    @jax.jit
    def run(table, idx):
        mid = _sc_gather(table, idx)
        return mid[:, :SEQ, :EMBED_DIM]

    return run(table, idx)

# --- scband reference (transcript-rebuilt; emitter-appended) ---
"""Pipeline reference for scband-simple-model-9655086481748 (READ-ONLY COPY).

The authoritative reference and input builder live on the scoring server;
editing this copy changes nothing except your own understanding.
"""

import jax, jax.numpy as jnp
import numpy as np

VOCAB = 100000
EMBED_DIM = 64

def setup_inputs(seed: int = 0) -> dict:
    key = jax.random.key(seed)
    k1, k2 = jax.random.split(key)
    x = jax.random.randint(k1, (16384, 50), 0, VOCAB, dtype=jnp.int64 if jax.config.jax_enable_x64 else jnp.int32)
    table = jax.random.normal(k2, (VOCAB, EMBED_DIM), dtype=jnp.float32)
    return {"x": x, "table": table}

def reference(x, table):
    # nn.Embedding forward: row gather from the embedding table
    return jnp.take(table, x, axis=0)

if __name__ == "__main__":
    import jax
    _d = setup_inputs()
    print(jax.jit(kernel)(*tuple(_d.values())))

</pallas_src>

<mosaic_0001>
#map = affine_map<(d0, d1) -> (0, 0)>
#map1 = affine_map<(d0, d1) -> (0)>
#map2 = affine_map<(d0, d1) -> (0, 0, 0)>
module attributes {stable_mosaic.version = 14 : i64} {
  func.func @sc_gather(%arg0: i32, %arg1: i32, %arg2: memref<100000x64xf32, #tpu.memory_space<hbm>>, %arg3: memref<819200xi32, #tpu.memory_space<hbm>>, %arg4: memref<16384x56x128xf32, #tpu.memory_space<hbm>>, %arg5: memref<2x800xi32, #tpu.memory_space<vmem>>, %arg6: memref<2x800x64xf32, #tpu.memory_space<vmem>>, %arg7: memref<!tpu.dma_semaphore, #tpu.memory_space<semaphore_mem>>, %arg8: memref<!tpu.dma_semaphore, #tpu.memory_space<semaphore_mem>>, %arg9: memref<!tpu.dma_semaphore, #tpu.memory_space<semaphore_mem>>) attributes {dimension_semantics = [#tpu.dimension_semantics<core_parallel>, #tpu.dimension_semantics<subcore_parallel>], iteration_bounds = array<i64: 2, 16>, scalar_prefetch = 0 : i64, scratch_operands = 5 : i64, tpu.core_type = #tpu.core_type<sc_vector_subcore>, window_params = [{transform_indices = #map}, {transform_indices = #map1}, {transform_indices = #map2}]} {
    %mul3A = arith.constant 2 : i32
    %mul3A_0 = arith.muli %arg1, %mul3A : i32
    %add3A = arith.addi %mul3A_0, %arg0 : i32
    %mul3A_1 = arith.constant 512 : i32
    %mul3A_2 = arith.muli %add3A, %mul3A_1 : i32
    %mul3A_3 = arith.constant 50 : i32
    %mul3A_4 = arith.muli %mul3A_2, %mul3A_3 : i32
    %mul3A_5 = arith.constant 512 : i32
    %mul3A_6 = arith.muli %add3A, %mul3A_5 : i32
    %run_scoped3A = arith.constant 0 : i32
    "tpu.region"() ({
      %run_scoped3A_682 = tpu.sem_alloc : memref<!tpu.dma_semaphore, #tpu.memory_space<semaphore_mem>>
      %dma_start3A = arith.constant 0 : i32
      %dma_start3A_683 = tpu.memref_slice %arg5[%run_scoped3A, %dma_start3A] : memref<2x800xi32, #tpu.memory_space<vmem>> -> memref<1x800xi32, #tpu.memory_space<vmem>>
      %dma_start3A_684 = tpu.memref_squeeze %dma_start3A_683 : memref<1x800xi32, #tpu.memory_space<vmem>> -> memref<800xi32, #tpu.memory_space<vmem>>
      %dma_start3A_685 = tpu.memref_slice %arg3[%mul3A_4] : memref<819200xi32, #tpu.memory_space<hbm>> -> memref<800xi32, #tpu.memory_space<hbm>>
      %dma_start3A_686 = arith.constant 0 : i32
      %dma_start3A_687 = tpu.memref_slice %arg5[%run_scoped3A, %dma_start3A_686] : memref<2x800xi32, #tpu.memory_space<vmem>> -> memref<1x800xi32, #tpu.memory_space<vmem>>
      %dma_start3A_688 = tpu.memref_squeeze %dma_start3A_687 : memref<1x800xi32, #tpu.memory_space<vmem>> -> memref<800xi32, #tpu.memory_space<vmem>>
      %dma_start3A_689 = tpu.memref_slice %arg3[%mul3A_4] : memref<819200xi32, #tpu.memory_space<hbm>> -> memref<800xi32, #tpu.memory_space<hbm>>
      tpu.enqueue_dma source(%dma_start3A_689 : memref<800xi32, #tpu.memory_space<hbm>>) target(%dma_start3A_688 : memref<800xi32, #tpu.memory_space<vmem>>) target_semaphore(%run_scoped3A_682 : memref<!tpu.dma_semaphore, #tpu.memory_space<semaphore_mem>>)
      %dma_wait3A_690 = arith.constant 0 : i32
      %dma_wait3A_691 = tpu.memref_slice %arg5[%run_scoped3A, %dma_wait3A_690] : memref<2x800xi32, #tpu.memory_space<vmem>> -> memref<1x800xi32, #tpu.memory_space<vmem>>
      %dma_wait3A_692 = tpu.memref_squeeze %dma_wait3A_691 : memref<1x800xi32, #tpu.memory_space<vmem>> -> memref<800xi32, #tpu.memory_space<vmem>>
      %dma_wait3A_693 = tpu.memref_slice %arg3[%mul3A_4] : memref<819200xi32, #tpu.memory_space<hbm>> -> memref<800xi32, #tpu.memory_space<hbm>>
      %dma_wait3A_694 = arith.constant 0 : i32
      %dma_wait3A_695 = tpu.memref_slice %arg5[%run_scoped3A, %dma_wait3A_694] : memref<2x800xi32, #tpu.memory_space<vmem>> -> memref<1x800xi32, #tpu.memory_space<vmem>>
      %dma_wait3A_696 = tpu.memref_squeeze %dma_wait3A_695 : memref<1x800xi32, #tpu.memory_space<vmem>> -> memref<800xi32, #tpu.memory_space<vmem>>
      %dma_wait3A_697 = tpu.memref_slice %arg3[%mul3A_4] : memref<819200xi32, #tpu.memory_space<hbm>> -> memref<800xi32, #tpu.memory_space<hbm>>
      tpu.wait_dma2 semaphore(%run_scoped3A_682 : memref<!tpu.dma_semaphore, #tpu.memory_space<semaphore_mem>>) src(%dma_wait3A_697 : memref<800xi32, #tpu.memory_space<hbm>>) dst(%dma_wait3A_696 : memref<800xi32, #tpu.memory_space<vmem>>)
      tpu.yield
    }) : () -> ()
    %scan3A = arith.constant 0 : i32
    %scan3A_7 = arith.constant 16 : i32
    %scan3A_8 = arith.addi %scan3A, %scan3A_7 : i32
    %scan3A_9 = arith.constant 1 : i32
    scf.for %scan3A_682 = %scan3A to %scan3A_8 step %scan3A_9  : i32 {
      %mul3A_683 = arith.constant 1 : i32
      %mul3A_684 = arith.muli %scan3A_682, %mul3A_683 : i32
      %add3A_685 = arith.constant 0 : i32
      %add3A_686 = arith.addi %add3A_685, %mul3A_684 : i32
      %mul3A_687 = arith.constant 2 : i32
      %mul3A_688 = arith.muli %add3A_686, %mul3A_687 : i32
      %add3A_689 = arith.constant 0 : i32
      %add3A_690 = arith.addi %mul3A_688, %add3A_689 : i32
      %add3A_691 = arith.constant 1 : i32
      %add3A_692 = arith.addi %add3A_690, %add3A_691 : i32
      %mul3A_693 = arith.constant 800 : i32
      %mul3A_694 = arith.muli %add3A_692, %mul3A_693 : i32
      %add3A_695 = arith.addi %mul3A_4, %mul3A_694 : i32
      %dma_start3A = arith.constant 1 : i32
      %dma_start3A_696 = arith.constant 0 : i32
      %dma_start3A_697 = tpu.memref_slice %arg5[%dma_start3A, %dma_start3A_696] : memref<2x800xi32, #tpu.memory_space<vmem>> -> memref<1x800xi32, #tpu.memory_space<vmem>>
      %dma_start3A_698 = tpu.memref_squeeze %dma_start3A_697 : memref<1x800xi32, #tpu.memory_space<vmem>> -> memref<800xi32, #tpu.memory_space<vmem>>
      %dma_start3A_699 = tpu.memref_slice %arg3[%add3A_695] : memref<819200xi32, #tpu.memory_space<hbm>> -> memref<800xi32, #tpu.memory_space<hbm>>
      %dma_start3A_700 = arith.constant 0 : i32
      %dma_start3A_701 = tpu.memref_slice %arg5[%dma_start3A, %dma_start3A_700] : memref<2x800xi32, #tpu.memory_space<vmem>> -> memref<1x800xi32, #tpu.memory_space<vmem>>
      %dma_start3A_702 = tpu.memref_squeeze %dma_start3A_701 : memref<1x800xi32, #tpu.memory_space<vmem>> -> memref<800xi32, #tpu.memory_space<vmem>>
      %dma_start3A_703 = tpu.memref_slice %arg3[%add3A_695] : memref<819200xi32, #tpu.memory_space<hbm>> -> memref<800xi32, #tpu.memory_space<hbm>>
      tpu.enqueue_dma source(%dma_start3A_703 : memref<800xi32, #tpu.memory_space<hbm>>) target(%dma_start3A_702 : memref<800xi32, #tpu.memory_space<vmem>>) target_semaphore(%arg7 : memref<!tpu.dma_semaphore, #tpu.memory_space<semaphore_mem>>)
      %ge3A = arith.constant 1 : i32
      %ge3A_704 = arith.cmpi sge, %add3A_686, %ge3A : i32
      %convert_element_type3A = arith.extui %ge3A_704 : i1 to i32
      %cond3A = arith.constant 0 : i32
      %cond3A_705 = arith.cmpi ne, %convert_element_type3A, %cond3A : i32
      scf.if %cond3A_705 {
        %sub3A = arith.constant 2 : i32
        %sub3A_1487 = arith.subi %add3A_690, %sub3A : i32
        %mul3A_1488 = arith.constant 16 : i32
        %mul3A_1489 = arith.muli %sub3A_1487, %mul3A_1488 : i32
        %add3A_1490 = arith.addi %mul3A_6, %mul3A_1489 : i32
        %add3A_1491 = arith.constant 0 : i32
        %add3A_1492 = arith.addi %add3A_1490, %add3A_1491 : i32
        %mul3A_1493 = arith.constant 16 : i32
        %mul3A_1494 = arith.muli %sub3A_1487, %mul3A_1493 : i32
        %add3A_1495 = arith.addi %mul3A_6, %mul3A_1494 : i32
        %add3A_1496 = arith.constant 1 : i32
        %add3A_1497 = arith.addi %add3A_1495, %add3A_1496 : i32
        %mul3A_1498 = arith.constant 16 : i32
        %mul3A_1499 = arith.muli %sub3A_1487, %mul3A_1498 : i32
        %add3A_1500 = arith.addi %mul3A_6, %mul3A_1499 : i32
        %add3A_1501 = arith.constant 2 : i32
        %add3A_1502 = arith.addi %add3A_1500, %add3A_1501 : i32
        %mul3A_1503 = arith.constant 16 : i32
        %mul3A_1504 = arith.muli %sub3A_1487, %mul3A_1503 : i32
        %add3A_1505 = arith.addi %mul3A_6, %mul3A_1504 : i32
        %add3A_1506 = arith.constant 3 : i32
        %add3A_1507 = arith.addi %add3A_1505, %add3A_1506 : i32
        %mul3A_1508 = arith.constant 16 : i32
        %mul3A_1509 = arith.muli %sub3A_1487, %mul3A_1508 : i32
        %add3A_1510 = arith.addi %mul3A_6, %mul3A_1509 : i32
        %add3A_1511 = arith.constant 4 : i32
        %add3A_1512 = arith.addi %add3A_1510, %add3A_1511 : i32
        %mul3A_1513 = arith.constant 16 : i32
        %mul3A_1514 = arith.muli %sub3A_1487, %mul3A_1513 : i32
        %add3A_1515 = arith.addi %mul3A_6, %mul3A_1514 : i32
        %add3A_1516 = arith.constant 5 : i32
        %add3A_1517 = arith.addi %add3A_1515, %add3A_1516 : i32
        %mul3A_1518 = arith.constant 16 : i32
        %mul3A_1519 = arith.muli %sub3A_1487, %mul3A_1518 : i32
        %add3A_1520 = arith.addi %mul3A_6, %mul3A_1519 : i32
        %add3A_1521 = arith.constant 6 : i32
        %add3A_1522 = arith.addi %add3A_1520, %add3A_1521 : i32
        %mul3A_1523 = arith.constant 16 : i32
        %mul3A_1524 = arith.muli %sub3A_1487, %mul3A_1523 : i32
        %add3A_1525 = arith.addi %mul3A_6, %mul3A_1524 : i32
        %add3A_1526 = arith.constant 7 : i32
        %add3A_1527 = arith.addi %add3A_1525, %add3A_1526 : i32
        %mul3A_1528 = arith.constant 16 : i32
        %mul3A_1529 = arith.muli %sub3A_1487, %mul3A_1528 : i32
        %add3A_1530 = arith.addi %mul3A_6, %mul3A_1529 : i32
        %add3A_1531 = arith.constant 8 : i32
        %add3A_1532 = arith.addi %add3A_1530, %add3A_1531 : i32
        %mul3A_1533 = arith.constant 16 : i32
        %mul3A_1534 = arith.muli %sub3A_1487, %mul3A_1533 : i32
        %add3A_1535 = arith.addi %mul3A_6, %mul3A_1534 : i32
        %add3A_1536 = arith.constant 9 : i32
        %add3A_1537 = arith.addi %add3A_1535, %add3A_1536 : i32
        %mul3A_1538 = arith.constant 16 : i32
        %mul3A_1539 = arith.muli %sub3A_1487, %mul3A_1538 : i32
        %add3A_1540 = arith.addi %mul3A_6, %mul3A_1539 : i32
        %add3A_1541 = arith.constant 10 : i32
        %add3A_1542 = arith.addi %add3A_1540, %add3A_1541 : i32
        %mul3A_1543 = arith.constant 16 : i32
        %mul3A_1544 = arith.muli %sub3A_1487, %mul3A_1543 : i32
        %add3A_1545 = arith.addi %mul3A_6, %mul3A_1544 : i32
        %add3A_1546 = arith.constant 11 : i32
        %add3A_1547 = arith.addi %add3A_1545, %add3A_1546 : i32
        %mul3A_1548 = arith.constant 16 : i32
        %mul3A_1549 = arith.muli %sub3A_1487, %mul3A_1548 : i32
        %add3A_1550 = arith.addi %mul3A_6, %mul3A_1549 : i32
        %add3A_1551 = arith.constant 12 : i32
        %add3A_1552 = arith.addi %add3A_1550, %add3A_1551 : i32
        %mul3A_1553 = arith.constant 16 : i32
        %mul3A_1554 = arith.muli %sub3A_1487, %mul3A_1553 : i32
        %add3A_1555 = arith.addi %mul3A_6, %mul3A_1554 : i32
        %add3A_1556 = arith.constant 13 : i32
        %add3A_1557 = arith.addi %add3A_1555, %add3A_1556 : i32
        %mul3A_1558 = arith.constant 16 : i32
        %mul3A_1559 = arith.muli %sub3A_1487, %mul3A_1558 : i32
        %add3A_1560 = arith.addi %mul3A_6, %mul3A_1559 : i32
        %add3A_1561 = arith.constant 14 : i32
        %add3A_1562 = arith.addi %add3A_1560, %add3A_1561 : i32
        %mul3A_1563 = arith.constant 16 : i32
        %mul3A_1564 = arith.muli %sub3A_1487, %mul3A_1563 : i32
        %add3A_1565 = arith.addi %mul3A_6, %mul3A_1564 : i32
        %add3A_1566 = arith.constant 15 : i32
        %add3A_1567 = arith.addi %add3A_1565, %add3A_1566 : i32
        %dma_wait3A_1568 = arith.constant 0 : i32
        %dma_wait3A_1569 = arith.constant 0 : i32
        %dma_wait3A_1570 = arith.constant 0 : i32
        %dma_wait3A_1571 = tpu.memref_slice %arg6[%dma_wait3A_1568, %dma_wait3A_1569, %dma_wait3A_1570] : memref<2x800x64xf32, #tpu.memory_space<vmem>> -> memref<1x50x64xf32, #tpu.memory_space<vmem>>
        %dma_wait3A_1572 = tpu.memref_squeeze %dma_wait3A_1571 : memref<1x50x64xf32, #tpu.memory_space<vmem>> -> memref<50x64xf32, #tpu.memory_space<vmem>>
        %dma_wait3A_1573 = arith.constant 0 : i32
        %dma_wait3A_1574 = arith.constant 0 : i32
        %dma_wait3A_1575 = tpu.memref_slice %arg4[%add3A_1492, %dma_wait3A_1573, %dma_wait3A_1574] : memref<16384x56x128xf32, #tpu.memory_space<hbm>> -> memref<1x50x64xf32, #tpu.memory_space<hbm>>
        %dma_wait3A_1576 = tpu.memref_squeeze %dma_wait3A_1575 : memref<1x50x64xf32, #tpu.memory_space<hbm>> -> memref<50x64xf32, #tpu.memory_space<hbm>>
        %dma_wait3A_1577 = arith.constant 0 : i32
        %dma_wait3A_1578 = arith.constant 0 : i32
        %dma_wait3A_1579 = tpu.memref_slice %arg4[%add3A_1492, %dma_wait3A_1577, %dma_wait3A_1578] : memref<16384x56x128xf32, #tpu.memory_space<hbm>> -> memref<1x50x64xf32, #tpu.memory_space<hbm>>
        %dma_wait3A_1580 = tpu.memref_squeeze %dma_wait3A_1579 : memref<1x50x64xf32, #tpu.memory_space<hbm>> -> memref<50x64xf32, #tpu.memory_space<hbm>>
        %dma_wait3A_1581 = arith.constant 0 : i32
        %dma_wait3A_1582 = arith.constant 0 : i32
        %dma_wait3A_1583 = tpu.memref_slice %arg6[%dma_wait3A_1568, %dma_wait3A_1581, %dma_wait3A_1582] : memref<2x800x64xf32, #tpu.memory_space<vmem>> -> memref<1x50x64xf32, #tpu.memory_space<vmem>>
        %dma_wait3A_1584 = tpu.memref_squeeze %dma_wait3A_1583 : memref<1x50x64xf32, #tpu.memory_space<vmem>> -> memref<50x64xf32, #tpu.memory_space<vmem>>
        tpu.wait_dma2 semaphore(%arg9 : memref<!tpu.dma_semaphore, #tpu.memory_space<semaphore_mem>>) src(%dma_wait3A_1584 : memref<50x64xf32, #tpu.memory_space<vmem>>) dst(%dma_wait3A_1580 : memref<50x64xf32, #tpu.memory_space<hbm>>)
        %dma_wait3A_1585 = arith.constant 0 : i32
        %dma_wait3A_1586 = arith.constant 50 : i32
        %dma_wait3A_1587 = arith.constant 0 : i32
        %dma_wait3A_1588 = tpu.memref_slice %arg6[%dma_wait3A_1585, %dma_wait3A_1586, %dma_wait3A_1587] : memref<2x800x64xf32, #tpu.memory_space<vmem>> -> memref<1x50x64xf32, #tpu.memory_space<vmem>>
        %dma_wait3A_1589 = tpu.memref_squeeze %dma_wait3A_1588 : memref<1x50x64xf32, #tpu.memory_space<vmem>> -> memref<50x64xf32, #tpu.memory_space<vmem>>
        %dma_wait3A_1590 = arith.constant 0 : i32
        %dma_wait3A_1591 = arith.constant 0 : i32
        %dma_wait3A_1592 = tpu.memref_slice %arg4[%add3A_1497, %dma_wait3A_1590, %dma_wait3A_1591] : memref<16384x56x128xf32, #tpu.memory_space<hbm>> -> memref<1x50x64xf32, #tpu.memory_space<hbm>>
        %dma_wait3A_1593 = tpu.memref_squeeze %dma_wait3A_1592 : memref<1x50x64xf32, #tpu.memory_space<hbm>> -> memref<50x64xf32, #tpu.memory_space<hbm>>
        %dma_wait3A_1594 = arith.constant 0 : i32
        %dma_wait3A_1595 = arith.constant 0 : i32
        %dma_wait3A_1596 = tpu.memref_slice %arg4[%add3A_1497, %dma_wait3A_1594, %dma_wait3A_1595] : memref<16384x56x128xf32, #tpu.memory_space<hbm>> -> memref<1x50x64xf32, #tpu.memory_space<hbm>>
        %dma_wait3A_1597 = tpu.memref_squeeze %dma_wait3A_1596 : memref<1x50x64xf32, #tpu.memory_space<hbm>> -> memref<50x64xf32, #tpu.memory_space<hbm>>
        %dma_wait3A_1598 = arith.constant 50 : i32
        %dma_wait3A_1599 = arith.constant 0 : i32
        %dma_wait3A_1600 = tpu.memref_slice %arg6[%dma_wait3A_1585, %dma_wait3A_1598, %dma_wait3A_1599] : memref<2x800x64xf32, #tpu.memory_space<vmem>> -> memref<1x50x64xf32, #tpu.memory_space<vmem>>
        %dma_wait3A_1601 = tpu.memref_squeeze %dma_wait3A_1600 : memref<1x50x64xf32, #tpu.memory_space<vmem>> -> memref<50x64xf32, #tpu.memory_space<vmem>>
        tpu.wait_dma2 semaphore(%arg9 : memref<!tpu.dma_semaphore, #tpu.memory_space<semaphore_mem>>) src(%dma_wait3A_1601 : memref<50x64xf32, #tpu.memory_space<vmem>>) dst(%dma_wait3A_1597 : memref<50x64xf32, #tpu.memory_space<hbm>>)
        %dma_wait3A_1602 = arith.constant 0 : i32
        %dma_wait3A_1603 = arith.constant 100 : i32
        %dma_wait3A_1604 = arith.constant 0 : i32
        %dma_wait3A_1605 = tpu.memref_slice %arg6[%dma_wait3A_1602, %dma_wait3A_1603, %dma_wait3A_1604] : memref<2x800x64xf32, #tpu.memory_space<vmem>> -> memref<1x50x64xf32, #tpu.memory_space<vmem>>
        %dma_wait3A_1606 = tpu.memref_squeeze %dma_wait3A_1605 : memref<1x50x64xf32, #tpu.memory_space<vmem>> -> memref<50x64xf32, #tpu.memory_space<vmem>>
        %dma_wait3A_1607 = arith.constant 0 : i32
        %dma_wait3A_1608 = arith.constant 0 : i32
        %dma_wait3A_1609 = tpu.memref_slice %arg4[%add3A_1502, %dma_wait3A_1607, %dma_wait3A_1608] : memref<16384x56x128xf32, #tpu.memory_space<hbm>> -> memref<1x50x64xf32, #tpu.memory_space<hbm>>
        %dma_wait3A_1610 = tpu.memref_squeeze %dma_wait3A_1609 : memref<1x50x64xf32, #tpu.memory_space<hbm>> -> memref<50x64xf32, #tpu.memory_space<hbm>>
        %dma_wait3A_1611 = arith.constant 0 : i32
        %dma_wait3A_1612 = arith.constant 0 : i32
        %dma_wait3A_1613 = tpu.memref_slice %arg4[%add3A_1502, %dma_wait3A_1611, %dma_wait3A_1612] : memref<16384x56x128xf32, #tpu.memory_space<hbm>> -> memref<1x50x64xf32, #tpu.memory_space<hbm>>
        %dma_wait3A_1614 = tpu.memref_squeeze %dma_wait3A_1613 : memref<1x50x64xf32, #tpu.memory_space<hbm>> -> memref<50x64xf32, #tpu.memory_space<hbm>>
        %dma_wait3A_1615 = arith.constant 100 : i32
        %dma_wait3A_1616 = arith.constant 0 : i32
        %dma_wait3A_1617 = tpu.memref_slice %arg6[%dma_wait3A_1602, %dma_wait3A_1615, %dma_wait3A_1616] : memref<2x800x64xf32, #tpu.memory_space<vmem>> -> memref<1x50x64xf32, #tpu.memory_space<vmem>>
        %dma_wait3A_1618 = tpu.memref_squeeze %dma_wait3A_1617 : memref<1x50x64xf32, #tpu.memory_space<vmem>> -> memref<50x64xf32, #tpu.memory_space<vmem>>
        tpu.wait_dma2 semaphore(%arg9 : memref<!tpu.dma_semaphore, #tpu.memory_space<semaphore_mem>>) src(%dma_wait3A_1618 : memref<50x64xf32, #tpu.memory_space<vmem>>) dst(%dma_wait3A_1614 : memref<50x64xf32, #tpu.memory_space<hbm>>)
        %dma_wait3A_1619 = arith.constant 0 : i32
        %dma_wait3A_1620 = arith.constant 150 : i32
        %dma_wait3A_1621 = arith.constant 0 : i32
        %dma_wait3A_1622 = tpu.memref_slice %arg6[%dma_wait3A_1619, %dma_wait3A_1620, %dma_wait3A_1621] : memref<2x800x64xf32, #tpu.memory_space<vmem>> -> memref<1x50x64xf32, #tpu.memory_space<vmem>>
        %dma_wait3A_1623 = tpu.memref_squeeze %dma_wait3A_1622 : memref<1x50x64xf32, #tpu.memory_space<vmem>> -> memref<50x64xf32, #tpu.memory_space<vmem>>
        %dma_wait3A_1624 = arith.constant 0 : i32
        %dma_wait3A_1625 = arith.constant 0 : i32
        %dma_wait3A_1626 = tpu.memref_slice %arg4[%add3A_1507, %dma_wait3A_1624, %dma_wait3A_1625] : memref<16384x56x128xf32, #tpu.memory_space<hbm>> -> memref<1x50x64xf32, #tpu.memory_space<hbm>>
        %dma_wait3A_1627 = tpu.memref_squeeze %dma_wait3A_1626 : memref<1x50x64xf32, #tpu.memory_space<hbm>> -> memref<50x64xf32, #tpu.memory_space<hbm>>
        %dma_wait3A_1628 = arith.constant 0 : i32
        %dma_wait3A_1629 = arith.constant 0 : i32
        %dma_wait3A_1630 = tpu.memref_slice %arg4[%add3A_1507, %dma_wait3A_1628, %dma_wait3A_1629] : memref<16384x56x128xf32, #tpu.memory_space<hbm>> -> memref<1x50x64xf32, #tpu.memory_space<hbm>>
        %dma_wait3A_1631 = tpu.memref_squeeze %dma_wait3A_1630 : memref<1x50x64xf32, #tpu.memory_space<hbm>> -> memref<50x64xf32, #tpu.memory_space<hbm>>
        %dma_wait3A_1632 = arith.constant 150 : i32
        %dma_wait3A_1633 = arith.constant 0 : i32
        %dma_wait3A_1634 = tpu.memref_slice %arg6[%dma_wait3A_1619, %dma_wait3A_1632, %dma_wait3A_1633] : memref<2x800x64xf32, #tpu.memory_space<vmem>> -> memref<1x50x64xf32, #tpu.memory_space<vmem>>
        %dma_wait3A_1635 = tpu.memref_squeeze %dma_wait3A_1634 : memref<1x50x64xf32, #tpu.memory_space<vmem>> -> memref<50x64xf32, #tpu.memory_space<vmem>>
        tpu.wait_dma2 semaphore(%arg9 : memref<!tpu.dma_semaphore, #tpu.memory_space<semaphore_mem>>) src(%dma_wait3A_1635 : memref<50x64xf32, #tpu.memory_space<vmem>>) dst(%dma_wait3A_1631 : memref<50x64xf32, #tpu.memory_space<hbm>>)
        %dma_wait3A_1636 = arith.constant 0 : i32
        %dma_wait3A_1637 = arith.constant 200 : i32
        %dma_wait3A_1638 = arith.constant 0 : i32
        %dma_wait3A_1639 = tpu.memref_slice %arg6[%dma_wait3A_1636, %dma_wait3A_1637, %dma_wait3A_1638] : memref<2x800x64xf32, #tpu.memory_space<vmem>> -> memref<1x50x64xf32, #tpu.memory_space<vmem>>
        %dma_wait3A_1640 = tpu.memref_squeeze %dma_wait3A_1639 : memref<1x50x64xf32, #tpu.memory_space<vmem>> -> memref<50x64xf32, #tpu.memory_space<vmem>>
        %dma_wait3A_1641 = arith.constant 0 : i32
        %dma_wait3A_1642 = arith.constant 0 : i32
        %dma_wait3A_1643 = tpu.memref_slice %arg4[%add3A_1512, %dma_wait3A_1641, %dma_wait3A_1642] : memref<16384x56x128xf32, #tpu.memory_space<hbm>> -> memref<1x50x64xf32, #tpu.memory_space<hbm>>
        %dma_wait3A_1644 = tpu.memref_squeeze %dma_wait3A_1643 : memref<1x50x64xf32, #tpu.memory_space<hbm>> -> memref<50x64xf32, #tpu.memory_space<hbm>>
        %dma_wait3A_1645 = arith.constant 0 : i32
        %dma_wait3A_1646 = arith.constant 0 : i32
        %dma_wait3A_1647 = tpu.memref_slice %arg4[%add3A_1512, %dma_wait3A_1645, %dma_wait3A_1646] : memref<16384x56x128xf32, #tpu.memory_space<hbm>> -> memref<1x50x64xf32, #tpu.memory_space<hbm>>
        %dma_wait3A_1648 = tpu.memref_squeeze %dma_wait3A_1647 : memref<1x50x64xf32, #tpu.memory_space<hbm>> -> memref<50x64xf32, #tpu.memory_space<hbm>>
        %dma_wait3A_1649 = arith.constant 200 : i32
        %dma_wait3A_1650 = arith.constant 0 : i32
        %dma_wait3A_1651 = tpu.memref_slice %arg6[%dma_wait3A_1636, %dma_wait3A_1649, %dma_wait3A_1650] : memref<2x800x64xf32, #tpu.memory_space<vmem>> -> memref<1x50x64xf32, #tpu.memory_space<vmem>>
        %dma_wait3A_1652 = tpu.memref_squeeze %dma_wait3A_1651 : memref<1x50x64xf32, #tpu.memory_space<vmem>> -> memref<50x64xf32, #tpu.memory_space<vmem>>
        tpu.wait_dma2 semaphore(%arg9 : memref<!tpu.dma_semaphore, #tpu.memory_space<semaphore_mem>>) src(%dma_wait3A_1652 : memref<50x64xf32, #tpu.memory_space<vmem>>) dst(%dma_wait3A_1648 : memref<50x64xf32, #tpu.memory_space<hbm>>)
        %dma_wait3A_1653 = arith.constant 0 : i32
        %dma_wait3A_1654 = arith.constant 250 : i32
        %dma_wait3A_1655 = arith.constant 0 : i32
        %dma_wait3A_1656 = tpu.memref_slice %arg6[%dma_wait3A_1653, %dma_wait3A_1654, %dma_wait3A_1655] : memref<2x800x64xf32, #tpu.memory_space<vmem>> -> memref<1x50x64xf32, #tpu.memory_space<vmem>>
        %dma_wait3A_1657 = tpu.memref_squeeze %dma_wait3A_1656 : memref<1x50x64xf32, #tpu.memory_space<vmem>> -> memref<50x64xf32, #tpu.memory_space<vmem>>
        %dma_wait3A_1658 = arith.constant 0 : i32
        %dma_wait3A_1659 = arith.constant 0 : i32
        %dma_wait3A_1660 = tpu.memref_slice %arg4[%add3A_1517, %dma_wait3A_1658, %dma_wait3A_1659] : memref<16384x56x128xf32, #tpu.memory_space<hbm>> -> memref<1x50x64xf32, #tpu.memory_space<hbm>>
        %dma_wait3A_1661 = tpu.memref_squeeze %dma_wait3A_1660 : memref<1x50x64xf32, #tpu.memory_space<hbm>> -> memref<50x64xf32, #tpu.memory_space<hbm>>
        %dma_wait3A_1662 = arith.constant 0 : i32
        %dma_wait3A_1663 = arith.constant 0 : i32
        %dma_wait3A_1664 = tpu.memref_slice %arg4[%add3A_1517, %dma_wait3A_1662, %dma_wait3A_1663] : memref<16384x56x128xf32, #tpu.memory_space<hbm>> -> memref<1x50x64xf32, #tpu.memory_space<hbm>>
        %dma_wait3A_1665 = tpu.memref_squeeze %dma_wait3A_1664 : memref<1x50x64xf32, #tpu.memory_space<hbm>> -> memref<50x64xf32, #tpu.memory_space<hbm>>
        %dma_wait3A_1666 = arith.constant 250 : i32
        %dma_wait3A_1667 = arith.constant 0 : i32
        %dma_wait3A_1668 = tpu.memref_slice %arg6[%dma_wait3A_1653, %dma_wait3A_1666, %dma_wait3A_1667] : memref<2x800x64xf32, #tpu.memory_space<vmem>> -> memref<1x50x64xf32, #tpu.memory_space<vmem>>
        %dma_wait3A_1669 = tpu.memref_squeeze %dma_wait3A_1668 : memref<1x50x64xf32, #tpu.memory_space<vmem>> -> memref<50x64xf32, #tpu.memory_space<vmem>>
        tpu.wait_dma2 semaphore(%arg9 : memref<!tpu.dma_semaphore, #tpu.memory_space<semaphore_mem>>) src(%dma_wait3A_1669 : memref<50x64xf32, #tpu.memory_space<vmem>>) dst(%dma_wait3A_1665 : memref<50x64xf32, #tpu.memory_space<hbm>>)
        %dma_wait3A_1670 = arith.constant 0 : i32
        %dma_wait3A_1671 = arith.constant 300 : i32
        %dma_wait3A_1672 = arith.constant 0 : i32
        %dma_wait3A_1673 = tpu.memref_slice %arg6[%dma_wait3A_1670, %dma_wait3A_1671, %dma_wait3A_1672] : memref<2x800x64xf32, #tpu.memory_space<vmem>> -> memref<1x50x64xf32, #tpu.memory_space<vmem>>
        %dma_wait3A_1674 = tpu.memref_squeeze %dma_wait3A_1673 : memref<1x50x64xf32, #tpu.memory_space<vmem>> -> memref<50x64xf32, #tpu.memory_space<vmem>>
        %dma_wait3A_1675 = arith.constant 0 : i32
        %dma_wait3A_1676 = arith.constant 0 : i32
        %dma_wait3A_1677 = tpu.memref_slice %arg4[%add3A_1522, %dma_wait3A_1675, %dma_wait3A_1676] : memref<16384x56x128xf32, #tpu.memory_space<hbm>> -> memref<1x50x64xf32, #tpu.memory_space<hbm>>
        %dma_wait3A_1678 = tpu.memref_squeeze %dma_wait3A_1677 : memref<1x50x64xf32, #tpu.memory_space<hbm>> -> memref<50x64xf32, #tpu.memory_space<hbm>>
        %dma_wait3A_1679 = arith.constant 0 : i32
        %dma_wait3A_1680 = arith.constant 0 : i32
        %dma_wait3A_1681 = tpu.memref_slice %arg4[%add3A_1522, %dma_wait3A_1679, %dma_wait3A_1680] : memref<16384x56x128xf32, #tpu.memory_space<hbm>> -> memref<1x50x64xf32, #tpu.memory_space<hbm>>
        %dma_wait3A_1682 = tpu.memref_squeeze %dma_wait3A_1681 : memref<1x50x64xf32, #tpu.memory_space<hbm>> -> memref<50x64xf32, #tpu.memory_space<hbm>>
        %dma_wait3A_1683 = arith.constant 300 : i32
        %dma_wait3A_1684 = arith.constant 0 : i32
        %dma_wait3A_1685 = tpu.memref_slice %arg6[%dma_wait3A_1670, %dma_wait3A_1683, %dma_wait3A_1684] : memref<2x800x64xf32, #tpu.memory_space<vmem>> -> memref<1x50x64xf32, #tpu.memory_space<vmem>>
        %dma_wait3A_1686 = tpu.memref_squeeze %dma_wait3A_1685 : memref<1x50x64xf32, #tpu.memory_space<vmem>> -> memref<50x64xf32, #tpu.memory_space<vmem>>
        tpu.wait_dma2 semaphore(%arg9 : memref<!tpu.dma_semaphore, #tpu.memory_space<semaphore_mem>>) src(%dma_wait3A_1686 : memref<50x64xf32, #tpu.memory_space<vmem>>) dst(%dma_wait3A_1682 : memref<50x64xf32, #tpu.memory_space<hbm>>)
        %dma_wait3A_1687 = arith.constant 0 : i32
        %dma_wait3A_1688 = arith.constant 350 : i32
        %dma_wait3A_1689 = arith.constant 0 : i32
        %dma_wait3A_1690 = tpu.memref_slice %arg6[%dma_wait3A_1687, %dma_wait3A_1688, %dma_wait3A_1689] : memref<2x800x64xf32, #tpu.memory_space<vmem>> -> memref<1x50x64xf32, #tpu.memory_space<vmem>>
        %dma_wait3A_1691 = tpu.memref_squeeze %dma_wait3A_1690 : memref<1x50x64xf32, #tpu.memory_space<vmem>> -> memref<50x64xf32, #tpu.memory_space<vmem>>
        %dma_wait3A_1692 = arith.constant 0 : i32
        %dma_wait3A_1693 = arith.constant 0 : i32
        %dma_wait3A_1694 = tpu.memref_slice %arg4[%add3A_1527, %dma_wait3A_1692, %dma_wait3A_1693] : memref<16384x56x128xf32, #tpu.memory_space<hbm>> -> memref<1x50x64xf32, #tpu.memory_space<hbm>>
        %dma_wait3A_1695 = tpu.memref_squeeze %dma_wait3A_1694 : memref<1x50x64xf32, #tpu.memory_space<hbm>> -> memref<50x64xf32, #tpu.memory_space<hbm>>
        %dma_wait3A_1696 = arith.constant 0 : i32
        %dma_wait3A_1697 = arith.constant 0 : i32
        %dma_wait3A_1698 = tpu.memref_slice %arg4[%add3A_1527, %dma_wait3A_1696, %dma_wait3A_1697] : memref<16384x56x128xf32, #tpu.memory_space<hbm>> -> memref<1x50x64xf32, #tpu.memory_space<hbm>>
        %dma_wait3A_1699 = tpu.memref_squeeze %dma_wait3A_1698 : memref<1x50x64xf32, #tpu.memory_space<hbm>> -> memref<50x64xf32, #tpu.memory_space<hbm>>
        %dma_wait3A_1700 = arith.constant 350 : i32
        %dma_wait3A_1701 = arith.constant 0 : i32
        %dma_wait3A_1702 = tpu.memref_slice %arg6[%dma_wait3A_1687, %dma_wait3A_1700, %dma_wait3A_1701] : memref<2x800x64xf32, #tpu.memory_space<vmem>> -> memref<1x50x64xf32, #tpu.memory_space<vmem>>
        %dma_wait3A_1703 = tpu.memref_squeeze %dma_wait3A_1702 : memref<1x50x64xf32, #tpu.memory_space<vmem>> -> memref<50x64xf32, #tpu.memory_space<vmem>>
        tpu.wait_dma2 semaphore(%arg9 : memref<!tpu.dma_semaphore, #tpu.memory_space<semaphore_mem>>) src(%dma_wait3A_1703 : memref<50x64xf32, #tpu.memory_space<vmem>>) dst(%dma_wait3A_1699 : memref<50x64xf32, #tpu.memory_space<hbm>>)
        %dma_wait3A_1704 = arith.constant 0 : i32
        %dma_wait3A_1705 = arith.constant 400 : i32
        %dma_wait3A_1706 = arith.constant 0 : i32
        %dma_wait3A_1707 = tpu.memref_slice %arg6[%dma_wait3A_1704, %dma_wait3A_1705, %dma_wait3A_1706] : memref<2x800x64xf32, #tpu.memory_space<vmem>> -> memref<1x50x64xf32, #tpu.memory_space<vmem>>
        %dma_wait3A_1708 = tpu.memref_squeeze %dma_wait3A_1707 : memref<1x50x64xf32, #tpu.memory_space<vmem>> -> memref<50x64xf32, #tpu.memory_space<vmem>>
        %dma_wait3A_1709 = arith.constant 0 : i32
        %dma_wait3A_1710 = arith.constant 0 : i32
        %dma_wait3A_1711 = tpu.memref_slice %arg4[%add3A_1532, %dma_wait3A_1709, %dma_wait3A_1710] : memref<16384x56x128xf32, #tpu.memory_space<hbm>> -> memref<1x50x64xf32, #tpu.memory_space<hbm>>
        %dma_wait3A_1712 = tpu.memref_squeeze %dma_wait3A_1711 : memref<1x50x64xf32, #tpu.memory_space<hbm>> -> memref<50x64xf32, #tpu.memory_space<hbm>>
        %dma_wait3A_1713 = arith.constant 0 : i32
        %dma_wait3A_1714 = arith.constant 0 : i32
        %dma_wait3A_1715 = tpu.memref_slice %arg4[%add3A_1532, %dma_wait3A_1713, %dma_wait3A_1714] : memref<16384x56x128xf32, #tpu.memory_space<hbm>> -> memref<1x50x64xf32, #tpu.memory_space<hbm>>
        %dma_wait3A_1716 = tpu.memref_squeeze %dma_wait3A_1715 : memref<1x50x64xf32, #tpu.memory_space<hbm>> -> memref<50x64xf32, #tpu.memory_space<hbm>>
        %dma_wait3A_1717 = arith.constant 400 : i32
        %dma_wait3A_1718 = arith.constant 0 : i32
        %dma_wait3A_1719 = tpu.memref_slice %arg6[%dma_wait3A_1704, %dma_wait3A_1717, %dma_wait3A_1718] : memref<2x800x64xf32, #tpu.memory_space<vmem>> -> memref<1x50x64xf32, #tpu.memory_space<vmem>>
        %dma_wait3A_1720 = tpu.memref_squeeze %dma_wait3A_1719 : memref<1x50x64xf32, #tpu.memory_space<vmem>> -> memref<50x64xf32, #tpu.memory_space<vmem>>
        tpu.wait_dma2 semaphore(%arg9 : memref<!tpu.dma_semaphore, #tpu.memory_space<semaphore_mem>>) src(%dma_wait3A_1720 : memref<50x64xf32, #tpu.memory_space<vmem>>) dst(%dma_wait3A_1716 : memref<50x64xf32, #tpu.memory_space<hbm>>)
        %dma_wait3A_1721 = arith.constant 0 : i32
        %dma_wait3A_1722 = arith.constant 450 : i32
        %dma_wait3A_1723 = arith.constant 0 : i32
        %dma_wait3A_1724 = tpu.memref_slice %arg6[%dma_wait3A_1721, %dma_wait3A_1722, %dma_wait3A_1723] : memref<2x800x64xf32, #tpu.memory_space<vmem>> -> memref<1x50x64xf32, #tpu.memory_space<vmem>>
        %dma_wait3A_1725 = tpu.memref_squeeze %dma_wait3A_1724 : memref<1x50x64xf32, #tpu.memory_space<vmem>> -> memref<50x64xf32, #tpu.memory_space<vmem>>
        %dma_wait3A_1726 = arith.constant 0 : i32
        %dma_wait3A_1727 = arith.constant 0 : i32
        %dma_wait3A_1728 = tpu.memref_slice %arg4[%add3A_1537, %dma_wait3A_1726, %dma_wait3A_1727] : memref<16384x56x128xf32, #tpu.memory_space<hbm>> -> memref<1x50x64xf32, #tpu.memory_space<hbm>>
        %dma_wait3A_1729 = tpu.memref_squeeze %dma_wait3A_1728 : memref<1x50x64xf32, #tpu.memory_space<hbm>> -> memref<50x64xf32, #tpu.memory_space<hbm>>
        %dma_wait3A_1730 = arith.constant 0 : i32
        %dma_wait3A_1731 = arith.constant 0 : i32
        %dma_wait3A_1732 = tpu.memref_slice %arg4[%add3A_1537, %dma_wait3A_1730, %dma_wait3A_1731] : memref<16384x56x128xf32, #tpu.memory_space<hbm>> -> memref<1x50x64xf32, #tpu.memory_space<hbm>>
        %dma_wait3A_1733 = tpu.memref_squeeze %dma_wait3A_1732 : memref<1x50x64xf32, #tpu.memory_space<hbm>> -> memref<50x64xf32, #tpu.memory_space<hbm>>
        %dma_wait3A_1734 = arith.constant 450 : i32
        %dma_wait3A_1735 = arith.constant 0 : i32
        %dma_wait3A_1736 = tpu.memref_slice %arg6[%dma_wait3A_1721, %dma_wait3A_1734, %dma_wait3A_1735] : memref<2x800x64xf32, #tpu.memory_space<vmem>> -> memref<1x50x64xf32, #tpu.memory_space<vmem>>
        %dma_wait3A_1737 = tpu.memref_squeeze %dma_wait3A_1736 : memref<1x50x64xf32, #tpu.memory_space<vmem>> -> memref<50x64xf32, #tpu.memory_space<vmem>>
        tpu.wait_dma2 semaphore(%arg9 : memref<!tpu.dma_semaphore, #tpu.memory_space<semaphore_mem>>) src(%dma_wait3A_1737 : memref<50x64xf32, #tpu.memory_space<vmem>>) dst(%dma_wait3A_1733 : memref<50x64xf32, #tpu.memory_space<hbm>>)
        %dma_wait3A_1738 = arith.constant 0 : i32
        %dma_wait3A_1739 = arith.constant 500 : i32
        %dma_wait3A_1740 = arith.constant 0 : i32
        %dma_wait3A_1741 = tpu.memref_slice %arg6[%dma_wait3A_1738, %dma_wait3A_1739, %dma_wait3A_1740] : memref<2x800x64xf32, #tpu.memory_space<vmem>> -> memref<1x50x64xf32, #tpu.memory_space<vmem>>
        %dma_wait3A_1742 = tpu.memref_squeeze %dma_wait3A_1741 : memref<1x50x64xf32, #tpu.memory_space<vmem>> -> memref<50x64xf32, #tpu.memory_space<vmem>>
        %dma_wait3A_1743 = arith.constant 0 : i32
        %dma_wait3A_1744 = arith.constant 0 : i32
        %dma_wait3A_1745 = tpu.memref_slice %arg4[%add3A_1542, %dma_wait3A_1743, %dma_wait3A_1744] : memref<16384x56x128xf32, #tpu.memory_space<hbm>> -> memref<1x50x64xf32, #tpu.memory_space<hbm>>
        %dma_wait3A_1746 = tpu.memref_squeeze %dma_wait3A_1745 : memref<1x50x64xf32, #tpu.memory_space<hbm>> -> memref<50x64xf32, #tpu.memory_space<hbm>>
        %dma_wait3A_1747 = arith.constant 0 : i32
        %dma_wait3A_1748 = arith.constant 0 : i32
        %dma_wait3A_1749 = tpu.memref_slice %arg4[%add3A_1542, %dma_wait3A_1747, %dma_wait3A_1748] : memref<16384x56x128xf32, #tpu.memory_space<hbm>> -> memref<1x50x64xf32, #tpu.memory_space<hbm>>
        %dma_wait3A_1750 = tpu.memref_squeeze %dma_wait3A_1749 : memref<1x50x64xf32, #tpu.memory_space<hbm>> -> memref<50x64xf32, #tpu.memory_space<hbm>>
        %dma_wait3A_1751 = arith.constant 500 : i32
        %dma_wait3A_1752 = arith.constant 0 : i32
        %dma_wait3A_1753 = tpu.memref_slice %arg6[%dma_wait3A_1738, %dma_wait3A_1751, %dma_wait3A_1752] : memref<2x800x64xf32, #tpu.memory_space<vmem>> -> memref<1x50x64xf32, #tpu.memory_space<vmem>>
        %dma_wait3A_1754 = tpu.memref_squeeze %dma_wait3A_1753 : memref<1x50x64xf32, #tpu.memory_space<vmem>> -> memref<50x64xf32, #tpu.memory_space<vmem>>
        tpu.wait_dma2 semaphore(%arg9 : memref<!tpu.dma_semaphore, #tpu.memory_space<semaphore_mem>>) src(%dma_wait3A_1754 : memref<50x64xf32, #tpu.memory_space<vmem>>) dst(%dma_wait3A_1750 : memref<50x64xf32, #tpu.memory_space<hbm>>)
        %dma_wait3A_1755 = arith.constant 0 : i32
        %dma_wait3A_1756 = arith.constant 550 : i32
        %dma_wait3A_1757 = arith.constant 0 : i32
        %dma_wait3A_1758 = tpu.memref_slice %arg6[%dma_wait3A_1755, %dma_wait3A_1756, %dma_wait3A_1757] : memref<2x800x64xf32, #tpu.memory_space<vmem>> -> memref<1x50x64xf32, #tpu.memory_space<vmem>>
        %dma_wait3A_1759 = tpu.memref_squeeze %dma_wait3A_1758 : memref<1x50x64xf32, #tpu.memory_space<vmem>> -> memref<50x64xf32, #tpu.memory_space<vmem>>
        %dma_wait3A_1760 = arith.constant 0 : i32
        %dma_wait3A_1761 = arith.constant 0 : i32
        %dma_wait3A_1762 = tpu.memref_slice %arg4[%add3A_1547, %dma_wait3A_1760, %dma_wait3A_1761] : memref<16384x56x128xf32, #tpu.memory_space<hbm>> -> memref<1x50x64xf32, #tpu.memory_space<hbm>>
        %dma_wait3A_1763 = tpu.memref_squeeze %dma_wait3A_1762 : memref<1x50x64xf32, #tpu.memory_space<hbm>> -> memref<50x64xf32, #tpu.memory_space<hbm>>
        %dma_wait3A_1764 = arith.constant 0 : i32
        %dma_wait3A_1765 = arith.constant 0 : i32
        %dma_wait3A_1766 = tpu.memref_slice %arg4[%add3A_1547, %dma_wait3A_1764, %dma_wait3A_1765] : memref<16384x56x128xf32, #tpu.memory_space<hbm>> -> memref<1x50x64xf32, #tpu.memory_space<hbm>>
        %dma_wait3A_1767 = tpu.memref_squeeze %dma_wait3A_1766 : memref<1x50x64xf32, #tpu.memory_space<hbm>> -> memref<50x64xf32, #tpu.memory_space<hbm>>
        %dma_wait3A_1768 = arith.constant 550 : i32
        %dma_wait3A_1769 = arith.constant 0 : i32
        %dma_wait3A_1770 = tpu.memref_slice %arg6[%dma_wait3A_1755, %dma_wait3A_1768, %dma_wait3A_1769] : memref<2x800x64xf32, #tpu.memory_space<vmem>> -> memref<1x50x64xf32, #tpu.memory_space<vmem>>
        %dma_wait3A_1771 = tpu.memref_squeeze %dma_wait3A_1770 : memref<1x50x64xf32, #tpu.memory_space<vmem>> -> memref<50x64xf32, #tpu.memory_space<vmem>>
        tpu.wait_dma2 semaphore(%arg9 : memref<!tpu.dma_semaphore, #tpu.memory_space<semaphore_mem>>) src(%dma_wait3A_1771 : memref<50x64xf32, #tpu.memory_space<vmem>>) dst(%dma_wait3A_1767 : memref<50x64xf32, #tpu.memory_space<hbm>>)
        %dma_wait3A_1772 = arith.constant 0 : i32
        %dma_wait3A_1773 = arith.constant 600 : i32
        %dma_wait3A_1774 = arith.constant 0 : i32
        %dma_wait3A_1775 = tpu.memref_slice %arg6[%dma_wait3A_1772, %dma_wait3A_1773, %dma_wait3A_1774] : memref<2x800x64xf32, #tpu.memory_space<vmem>> -> memref<1x50x64xf32, #tpu.memory_space<vmem>>
        %dma_wait3A_1776 = tpu.memref_squeeze %dma_wait3A_1775 : memref<1x50x64xf32, #tpu.memory_space<vmem>> -> memref<50x64xf32, #tpu.memory_space<vmem>>
        %dma_wait3A_1777 = arith.constant 0 : i32
        %dma_wait3A_1778 = arith.constant 0 : i32
        %dma_wait3A_1779 = tpu.memref_slice %arg4[%add3A_1552, %dma_wait3A_1777, %dma_wait3A_1778] : memref<16384x56x128xf32, #tpu.memory_space<hbm>> -> memref<1x50x64xf32, #tpu.memory_space<hbm>>
        %dma_wait3A_1780 = tpu.memref_squeeze %dma_wait3A_1779 : memref<1x50x64xf32, #tpu.memory_space<hbm>> -> memref<50x64xf32, #tpu.memory_space<hbm>>
        %dma_wait3A_1781 = arith.constant 0 : i32
        %dma_wait3A_1782 = arith.constant 0 : i32
        %dma_wait3A_1783 = tpu.memref_slice %arg4[%add3A_1552, %dma_wait3A_1781, %dma_wait3A_1782] : memref<16384x56x128xf32, #tpu.memory_space<hbm>> -> memref<1x50x64xf32, #tpu.memory_space<hbm>>
        %dma_wait3A_1784 = tpu.memref_squeeze %dma_wait3A_1783 : memref<1x50x64xf32, #tpu.memory_space<hbm>> -> memref<50x64xf32, #tpu.memory_space<hbm>>
        %dma_wait3A_1785 = arith.constant 600 : i32
        %dma_wait3A_1786 = arith.constant 0 : i32
        %dma_wait3A_1787 = tpu.memref_slice %arg6[%dma_wait3A_1772, %dma_wait3A_1785, %dma_wait3A_1786] : memref<2x800x64xf32, #tpu.memory_space<vmem>> -> memref<1x50x64xf32, #tpu.memory_space<vmem>>
        %dma_wait3A_1788 = tpu.memref_squeeze %dma_wait3A_1787 : memref<1x50x64xf32, #tpu.memory_space<vmem>> -> memref<50x64xf32, #tpu.memory_space<vmem>>
        tpu.wait_dma2 semaphore(%arg9 : memref<!tpu.dma_semaphore, #tpu.memory_space<semaphore_mem>>) src(%dma_wait3A_1788 : memref<50x64xf32, #tpu.memory_space<vmem>>) dst(%dma_wait3A_1784 : memref<50x64xf32, #tpu.memory_space<hbm>>)
        %dma_wait3A_1789 = arith.constant 0 : i32
        %dma_wait3A_1790 = arith.constant 650 : i32
        %dma_wait3A_1791 = arith.constant 0 : i32
        %dma_wait3A_1792 = tpu.memref_slice %arg6[%dma_wait3A_1789, %dma_wait3A_1790, %dma_wait3A_1791] : memref<2x800x64xf32, #tpu.memory_space<vmem>> -> memref<1x50x64xf32, #tpu.memory_space<vmem>>
        %dma_wait3A_1793 = tpu.memref_squeeze %dma_wait3A_1792 : memref<1x50x64xf32, #tpu.memory_space<vmem>> -> memref<50x64xf32, #tpu.memory_space<vmem>>
        %dma_wait3A_1794 = arith.constant 0 : i32
        %dma_wait3A_1795 = arith.constant 0 : i32
        %dma_wait3A_1796 = tpu.memref_slice %arg4[%add3A_1557, %dma_wait3A_1794, %dma_wait3A_1795] : memref<16384x56x128xf32, #tpu.memory_space<hbm>> -> memref<1x50x64xf32, #tpu.memory_space<hbm>>
        %dma_wait3A_1797 = tpu.memref_squeeze %dma_wait3A_1796 : memref<1x50x64xf32, #tpu.memory_space<hbm>> -> memref<50x64xf32, #tpu.memory_space<hbm>>
        %dma_wait3A_1798 = arith.constant 0 : i32
        %dma_wait3A_1799 = arith.constant 0 : i32
        %dma_wait3A_1800 = tpu.memref_slice %arg4[%add3A_1557, %dma_wait3A_1798, %dma_wait3A_1799] : memref<16384x56x128xf32, #tpu.memory_space<hbm>> -> memref<1x50x64xf32, #tpu.memory_space<hbm>>
        %dma_wait3A_1801 = tpu.memref_squeeze %dma_wait3A_1800 : memref<1x50x64xf32, #tpu.memory_space<hbm>> -> memref<50x64xf32, #tpu.memory_space<hbm>>
        %dma_wait3A_1802 = arith.constant 650 : i32
        %dma_wait3A_1803 = arith.constant 0 : i32
        %dma_wait3A_1804 = tpu.memref_slice %arg6[%dma_wait3A_1789, %dma_wait3A_1802, %dma_wait3A_1803] : memref<2x800x64xf32, #tpu.memory_space<vmem>> -> memref<1x50x64xf32, #tpu.memory_space<vmem>>
        %dma_wait3A_1805 = tpu.memref_squeeze %dma_wait3A_1804 : memref<1x50x64xf32, #tpu.memory_space<vmem>> -> memref<50x64xf32, #tpu.memory_space<vmem>>
        tpu.wait_dma2 semaphore(%arg9 : memref<!tpu.dma_semaphore, #tpu.memory_space<semaphore_mem>>) src(%dma_wait3A_1805 : memref<50x64xf32, #tpu.memory_space<vmem>>) dst(%dma_wait3A_1801 : memref<50x64xf32, #tpu.memory_space<hbm>>)
        %dma_wait3A_1806 = arith.constant 0 : i32
        %dma_wait3A_1807 = arith.constant 700 : i32
        %dma_wait3A_1808 = arith.constant 0 : i32
        %dma_wait3A_1809 = tpu.memref_slice %arg6[%dma_wait3A_1806, %dma_wait3A_1807, %dma_wait3A_1808] : memref<2x800x64xf32, #tpu.memory_space<vmem>> -> memref<1x50x64xf32, #tpu.memory_space<vmem>>
        %dma_wait3A_1810 = tpu.memref_squeeze %dma_wait3A_1809 : memref<1x50x64xf32, #tpu.memory_space<vmem>> -> memref<50x64xf32, #tpu.memory_space<vmem>>
        %dma_wait3A_1811 = arith.constant 0 : i32
        %dma_wait3A_1812 = arith.constant 0 : i32
        %dma_wait3A_1813 = tpu.memref_slice %arg4[%add3A_1562, %dma_wait3A_1811, %dma_wait3A_1812] : memref<16384x56x128xf32, #tpu.memory_space<hbm>> -> memref<1x50x64xf32, #tpu.memory_space<hbm>>
        %dma_wait3A_1814 = tpu.memref_squeeze %dma_wait3A_1813 : memref<1x50x64xf32, #tpu.memory_space<hbm>> -> memref<50x64xf32, #tpu.memory_space<hbm>>
        %dma_wait3A_1815 = arith.constant 0 : i32
        %dma_wait3A_1816 = arith.constant 0 : i32
        %dma_wait3A_1817 = tpu.memref_slice %arg4[%add3A_1562, %dma_wait3A_1815, %dma_wait3A_1816] : memref<16384x56x128xf32, #tpu.memory_space<hbm>> -> memref<1x50x64xf32, #tpu.memory_space<hbm>>
        %dma_wait3A_1818 = tpu.memref_squeeze %dma_wait3A_1817 : memref<1x50x64xf32, #tpu.memory_space<hbm>> -> memref<50x64xf32, #tpu.memory_space<hbm>>
        %dma_wait3A_1819 = arith.constant 700 : i32
        %dma_wait3A_1820 = arith.constant 0 : i32
        %dma_wait3A_1821 = tpu.memref_slice %arg6[%dma_wait3A_1806, %dma_wait3A_1819, %dma_wait3A_1820] : memref<2x800x64xf32, #tpu.memory_space<vmem>> -> memref<1x50x64xf32, #tpu.memory_space<vmem>>
        %dma_wait3A_1822 = tpu.memref_squeeze %dma_wait3A_1821 : memref<1x50x64xf32, #tpu.memory_space<vmem>> -> memref<50x64xf32, #tpu.memory_space<vmem>>
        tpu.wait_dma2 semaphore(%arg9 : memref<!tpu.dma_semaphore, #tpu.memory_space<semaphore_mem>>) src(%dma_wait3A_1822 : memref<50x64xf32, #tpu.memory_space<vmem>>) dst(%dma_wait3A_1818 : memref<50x64xf32, #tpu.memory_space<hbm>>)
        %dma_wait3A_1823 = arith.constant 0 : i32
        %dma_wait3A_1824 = arith.constant 750 : i32
        %dma_wait3A_1825 = arith.constant 0 : i32
        %dma_wait3A_1826 = tpu.memref_slice %arg6[%dma_wait3A_1823, %dma_wait3A_1824, %dma_wait3A_1825] : memref<2x800x64xf32, #tpu.memory_space<vmem>> -> memref<1x50x64xf32, #tpu.memory_space<vmem>>
        %dma_wait3A_1827 = tpu.memref_squeeze %dma_wait3A_1826 : memref<1x50x64xf32, #tpu.memory_space<vmem>> -> memref<50x64xf32, #tpu.memory_space<vmem>>
        %dma_wait3A_1828 = arith.constant 0 : i32
        %dma_wait3A_1829 = arith.constant 0 : i32
        %dma_wait3A_1830 = tpu.memref_slice %arg4[%add3A_1567, %dma_wait3A_1828, %dma_wait3A_1829] : memref<16384x56x128xf32, #tpu.memory_space<hbm>> -> memref<1x50x64xf32, #tpu.memory_space<hbm>>
        %dma_wait3A_1831 = tpu.memref_squeeze %dma_wait3A_1830 : memref<1x50x64xf32, #tpu.memory_space<hbm>> -> memref<50x64xf32, #tpu.memory_space<hbm>>
        %dma_wait3A_1832 = arith.constant 0 : i32
        %dma_wait3A_1833 = arith.constant 0 : i32
        %dma_wait3A_1834 = tpu.memref_slice %arg4[%add3A_1567, %dma_wait3A_1832, %dma_wait3A_1833] : memref<16384x56x128xf32, #tpu.memory_space<hbm>> -> memref<1x50x64xf32, #tpu.memory_space<hbm>>
        %dma_wait3A_1835 = tpu.memref_squeeze %dma_wait3A_1834 : memref<1x50x64xf32, #tpu.memory_space<hbm>> -> memref<50x64xf32, #tpu.memory_space<hbm>>
        %dma_wait3A_1836 = arith.constant 750 : i32
        %dma_wait3A_1837 = arith.constant 0 : i32
        %dma_wait3A_1838 = tpu.memref_slice %arg6[%dma_wait3A_1823, %dma_wait3A_1836, %dma_wait3A_1837] : memref<2x800x64xf32, #tpu.memory_space<vmem>> -> memref<1x50x64xf32, #tpu.memory_space<vmem>>
        %dma_wait3A_1839 = tpu.memref_squeeze %dma_wait3A_1838 : memref<1x50x64xf32, #tpu.memory_space<vmem>> -> memref<50x64xf32, #tpu.memory_space<vmem>>
        tpu.wait_dma2 semaphore(%arg9 : memref<!tpu.dma_semaphore, #tpu.memory_space<semaphore_mem>>) src(%dma_wait3A_1839 : memref<50x64xf32, #tpu.memory_space<vmem>>) dst(%dma_wait3A_1835 : memref<50x64xf32, #tpu.memory_space<hbm>>)
      } else {
      }
      %dma_start3A_706 = arith.constant 0 : i32
      %dma_start3A_707 = arith.constant 0 : i32
      %dma_start3A_708 = arith.constant 0 : i32
      %dma_start3A_709 = arith.constant 0 : i32
      %dma_start3A_710 = tpu.memref_slice %arg6[%dma_start3A_707, %dma_start3A_708, %dma_start3A_709] : memref<2x800x64xf32, #tpu.memory_space<vmem>> -> memref<1x800x64xf32, #tpu.memory_space<vmem>>
      %dma_start3A_711 = tpu.memref_squeeze %dma_start3A_710 : memref<1x800x64xf32, #tpu.memory_space<vmem>> -> memref<800x64xf32, #tpu.memory_space<vmem>>
      %dma_start3A_712 = arith.constant 0 : i32
      %dma_start3A_713 = tpu.memref_slice %arg5[%dma_start3A_706, %dma_start3A_712] : memref<2x800xi32, #tpu.memory_space<vmem>> -> memref<1x800xi32, #tpu.memory_space<vmem>>
      %dma_start3A_714 = tpu.memref_squeeze %dma_start3A_713 : memref<1x800xi32, #tpu.memory_space<vmem>> -> memref<800xi32, #tpu.memory_space<vmem>>
      %dma_start3A_715 = arith.constant 0 : i32
      %dma_start3A_716 = arith.constant 0 : i32
      %dma_start3A_717 = tpu.memref_slice %arg2[%dma_start3A_715, %dma_start3A_716] : memref<100000x64xf32, #tpu.memory_space<hbm>> -> memref<100000x64xf32, #tpu.memory_space<hbm>>
      tpu.enqueue_indirect_dma source(%dma_start3A_717 : memref<100000x64xf32, #tpu.memory_space<hbm>>) target(%dma_start3A_711 : memref<800x64xf32, #tpu.memory_space<vmem>>) offsets(%dma_start3A_714 : memref<800xi32, #tpu.memory_space<vmem>>) semaphore(%arg8 : memref<!tpu.dma_semaphore, #tpu.memory_space<semaphore_mem>>)
      %dma_wait3A_718 = arith.constant 0 : i32
      %dma_wait3A_719 = arith.constant 0 : i32
      %dma_wait3A_720 = arith.constant 0 : i32
      %dma_wait3A_721 = arith.constant 0 : i32
      %dma_wait3A_722 = tpu.memref_slice %arg6[%dma_wait3A_719, %dma_wait3A_720, %dma_wait3A_721] : memref<2x800x64xf32, #tpu.memory_space<vmem>> -> memref<1x800x64xf32, #tpu.memory_space<vmem>>
      %dma_wait3A_723 = tpu.memref_squeeze %dma_wait3A_722 : memref<1x800x64xf32, #tpu.memory_space<vmem>> -> memref<800x64xf32, #tpu.memory_space<vmem>>
      %dma_wait3A_724 = arith.constant 0 : i32
      %dma_wait3A_725 = tpu.memref_slice %arg5[%dma_wait3A_718, %dma_wait3A_724] : memref<2x800xi32, #tpu.memory_space<vmem>> -> memref<1x800xi32, #tpu.memory_space<vmem>>
      %dma_wait3A_726 = tpu.memref_squeeze %dma_wait3A_725 : memref<1x800xi32, #tpu.memory_space<vmem>> -> memref<800xi32, #tpu.memory_space<vmem>>
      %dma_wait3A_727 = arith.constant 0 : i32
      %dma_wait3A_728 = arith.constant 0 : i32
      %dma_wait3A_729 = tpu.memref_slice %arg2[%dma_wait3A_727, %dma_wait3A_728] : memref<100000x64xf32, #tpu.memory_space<hbm>> -> memref<100000x64xf32, #tpu.memory_space<hbm>>
      tpu.wait_indirect_dma semaphore(%arg8 : memref<!tpu.dma_semaphore, #tpu.memory_space<semaphore_mem>>) src(%dma_wait3A_729 : memref<100000x64xf32, #tpu.memory_space<hbm>>) dst(%dma_wait3A_723 : memref<800x64xf32, #tpu.memory_space<vmem>>)
      %mul3A_730 = arith.constant 16 : i32
      %mul3A_731 = arith.muli %add3A_690, %mul3A_730 : i32
      %add3A_732 = arith.addi %mul3A_6, %mul3A_731 : i32
      %add3A_733 = arith.constant 0 : i32
      %add3A_734 = arith.addi %add3A_732, %add3A_733 : i32
      %mul3A_735 = arith.constant 16 : i32
      %mul3A_736 = arith.muli %add3A_690, %mul3A_735 : i32
      %add3A_737 = arith.addi %mul3A_6, %mul3A_736 : i32
      %add3A_738 = arith.constant 1 : i32
      %add3A_739 = arith.addi %add3A_737, %add3A_738 : i32
      %mul3A_740 = arith.constant 16 : i32
      %mul3A_741 = arith.muli %add3A_690, %mul3A_740 : i32
      %add3A_742 = arith.addi %mul3A_6, %mul3A_741 : i32
      %add3A_743 = arith.constant 2 : i32
      %add3A_744 = arith.addi %add3A_742, %add3A_743 : i32
      %mul3A_745 = arith.constant 16 : i32
      %mul3A_746 = arith.muli %add3A_690, %mul3A_745 : i32
      %add3A_747 = arith.addi %mul3A_6, %mul3A_746 : i32
      %add3A_748 = arith.constant 3 : i32
      %add3A_749 = arith.addi %add3A_747, %add3A_748 : i32
      %mul3A_750 = arith.constant 16 : i32
      %mul3A_751 = arith.muli %add3A_690, %mul3A_750 : i32
      %add3A_752 = arith.addi %mul3A_6, %mul3A_751 : i32
      %add3A_753 = arith.constant 4 : i32
      %add3A_754 = arith.addi %add3A_752, %add3A_753 : i32
      %mul3A_755 = arith.constant 16 : i32
      %mul3A_756 = arith.muli %add3A_690, %mul3A_755 : i32
      %add3A_757 = arith.addi %mul3A_6, %mul3A_756 : i32
      %add3A_758 = arith.constant 5 : i32
      %add3A_759 = arith.addi %add3A_757, %add3A_758 : i32
      %mul3A_760 = arith.constant 16 : i32
      %mul3A_761 = arith.muli %add3A_690, %mul3A_760 : i32
      %add3A_762 = arith.addi %mul3A_6, %mul3A_761 : i32
      %add3A_763 = arith.constant 6 : i32
      %add3A_764 = arith.addi %add3A_762, %add3A_763 : i32
      %mul3A_765 = arith.constant 16 : i32
      %mul3A_766 = arith.muli %add3A_690, %mul3A_765 : i32
      %add3A_767 = arith.addi %mul3A_6, %mul3A_766 : i32
      %add3A_768 = arith.constant 7 : i32
      %add3A_769 = arith.addi %add3A_767, %add3A_768 : i32
      %mul3A_770 = arith.constant 16 : i32
      %mul3A_771 = arith.muli %add3A_690, %mul3A_770 : i32
      %add3A_772 = arith.addi %mul3A_6, %mul3A_771 : i32
      %add3A_773 = arith.constant 8 : i32
      %add3A_774 = arith.addi %add3A_772, %add3A_773 : i32
      %mul3A_775 = arith.constant 16 : i32
      %mul3A_776 = arith.muli %add3A_690, %mul3A_775 : i32
      %add3A_777 = arith.addi %mul3A_6, %mul3A_776 : i32
      %add3A_778 = arith.constant 9 : i32
      %add3A_779 = arith.addi %add3A_777, %add3A_778 : i32
      %mul3A_780 = arith.constant 16 : i32
      %mul3A_781 = arith.muli %add3A_690, %mul3A_780 : i32
      %add3A_782 = arith.addi %mul3A_6, %mul3A_781 : i32
      %add3A_783 = arith.constant 10 : i32
      %add3A_784 = arith.addi %add3A_782, %add3A_783 : i32
      %mul3A_785 = arith.constant 16 : i32
      %mul3A_786 = arith.muli %add3A_690, %mul3A_785 : i32
      %add3A_787 = arith.addi %mul3A_6, %mul3A_786 : i32
      %add3A_788 = arith.constant 11 : i32
      %add3A_789 = arith.addi %add3A_787, %add3A_788 : i32
      %mul3A_790 = arith.constant 16 : i32
      %mul3A_791 = arith.muli %add3A_690, %mul3A_790 : i32
      %add3A_792 = arith.addi %mul3A_6, %mul3A_791 : i32
      %add3A_793 = arith.constant 12 : i32
      %add3A_794 = arith.addi %add3A_792, %add3A_793 : i32
      %mul3A_795 = arith.constant 16 : i32
      %mul3A_796 = arith.muli %add3A_690, %mul3A_795 : i32
      %add3A_797 = arith.addi %mul3A_6, %mul3A_796 : i32
      %add3A_798 = arith.constant 13 : i32
      %add3A_799 = arith.addi %add3A_797, %add3A_798 : i32
      %mul3A_800 = arith.constant 16 : i32
      %mul3A_801 = arith.muli %add3A_690, %mul3A_800 : i32
      %add3A_802 = arith.addi %mul3A_6, %mul3A_801 : i32
      %add3A_803 = arith.constant 14 : i32
      %add3A_804 = arith.addi %add3A_802, %add3A_803 : i32
      %mul3A_805 = arith.constant 16 : i32
      %mul3A_806 = arith.muli %add3A_690, %mul3A_805 : i32
      %add3A_807 = arith.addi %mul3A_6, %mul3A_806 : i32
      %add3A_808 = arith.constant 15 : i32
      %add3A_809 = arith.addi %add3A_807, %add3A_808 : i32
      %dma_start3A_810 = arith.constant 0 : i32
      %dma_start3A_811 = arith.constant 0 : i32
      %dma_start3A_812 = arith.constant 0 : i32
      %dma_start3A_813 = tpu.memref_slice %arg6[%dma_start3A_810, %dma_start3A_811, %dma_start3A_812] : memref<2x800x64xf32, #tpu.memory_space<vmem>> -> memref<1x50x64xf32, #tpu.memory_space<vmem>>
      %dma_start3A_814 = tpu.memref_squeeze %dma_start3A_813 : memref<1x50x64xf32, #tpu.memory_space<vmem>> -> memref<50x64xf32, #tpu.memory_space<vmem>>
      %dma_start3A_815 = arith.constant 0 : i32
      %dma_start3A_816 = arith.constant 0 : i32
      %dma_start3A_817 = tpu.memref_slice %arg4[%add3A_734, %dma_start3A_815, %dma_start3A_816] : memref<16384x56x128xf32, #tpu.memory_space<hbm>> -> memref<1x50x64xf32, #tpu.memory_space<hbm>>
      %dma_start3A_818 = tpu.memref_squeeze %dma_start3A_817 : memref<1x50x64xf32, #tpu.memory_space<hbm>> -> memref<50x64xf32, #tpu.memory_space<hbm>>
      %dma_start3A_819 = arith.constant 0 : i32
      %dma_start3A_820 = arith.constant 0 : i32
      %dma_start3A_821 = tpu.memref_slice %arg4[%add3A_734, %dma_start3A_819, %dma_start3A_820] : memref<16384x56x128xf32, #tpu.memory_space<hbm>> -> memref<1x50x64xf32, #tpu.memory_space<hbm>>
      %dma_start3A_822 = tpu.memref_squeeze %dma_start3A_821 : memref<1x50x64xf32, #tpu.memory_space<hbm>> -> memref<50x64xf32, #tpu.memory_space<hbm>>
      %dma_start3A_823 = arith.constant 0 : i32
      %dma_start3A_824 = arith.constant 0 : i32
      %dma_start3A_825 = tpu.memref_slice %arg6[%dma_start3A_810, %dma_start3A_823, %dma_start3A_824] : memref<2x800x64xf32, #tpu.memory_space<vmem>> -> memref<1x50x64xf32, #tpu.memory_space<vmem>>
      %dma_start3A_826 = tpu.memref_squeeze %dma_start3A_825 : memref<1x50x64xf32, #tpu.memory_space<vmem>> -> memref<50x64xf32, #tpu.memory_space<vmem>>
      tpu.enqueue_dma source(%dma_start3A_826 : memref<50x64xf32, #tpu.memory_space<vmem>>) target(%dma_start3A_822 : memref<50x64xf32, #tpu.memory_space<hbm>>) target_semaphore(%arg9 : memref<!tpu.dma_semaphore, #tpu.memory_space<semaphore_mem>>)
      %dma_start3A_827 = arith.constant 0 : i32
      %dma_start3A_828 = arith.constant 50 : i32
      %dma_start3A_829 = arith.constant 0 : i32
      %dma_start3A_830 = tpu.memref_slice %arg6[%dma_start3A_827, %dma_start3A_828, %dma_start3A_829] : memref<2x800x64xf32, #tpu.memory_space<vmem>> -> memref<1x50x64xf32, #tpu.memory_space<vmem>>
      %dma_start3A_831 = tpu.memref_squeeze %dma_start3A_830 : memref<1x50x64xf32, #tpu.memory_space<vmem>> -> memref<50x64xf32, #tpu.memory_space<vmem>>
      %dma_start3A_832 = arith.constant 0 : i32
      %dma_start3A_833 = arith.constant 0 : i32
      %dma_start3A_834 = tpu.memref_slice %arg4[%add3A_739, %dma_start3A_832, %dma_start3A_833] : memref<16384x56x128xf32, #tpu.memory_space<hbm>> -> memref<1x50x64xf32, #tpu.memory_space<hbm>>
      %dma_start3A_835 = tpu.memref_squeeze %dma_start3A_834 : memref<1x50x64xf32, #tpu.memory_space<hbm>> -> memref<50x64xf32, #tpu.memory_space<hbm>>
      %dma_start3A_836 = arith.constant 0 : i32
      %dma_start3A_837 = arith.constant 0 : i32
      %dma_start3A_838 = tpu.memref_slice %arg4[%add3A_739, %dma_start3A_836, %dma_start3A_837] : memref<16384x56x128xf32, #tpu.memory_space<hbm>> -> memref<1x50x64xf32, #tpu.memory_space<hbm>>
      %dma_start3A_839 = tpu.memref_squeeze %dma_start3A_838 : memref<1x50x64xf32, #tpu.memory_space<hbm>> -> memref<50x64xf32, #tpu.memory_space<hbm>>
      %dma_start3A_840 = arith.constant 50 : i32
      %dma_start3A_841 = arith.constant 0 : i32
      %dma_start3A_842 = tpu.memref_slice %arg6[%dma_start3A_827, %dma_start3A_840, %dma_start3A_841] : memref<2x800x64xf32, #tpu.memory_space<vmem>> -> memref<1x50x64xf32, #tpu.memory_space<vmem>>
      %dma_start3A_843 = tpu.memref_squeeze %dma_start3A_842 : memref<1x50x64xf32, #tpu.memory_space<vmem>> -> memref<50x64xf32, #tpu.memory_space<vmem>>
      tpu.enqueue_dma source(%dma_start3A_843 : memref<50x64xf32, #tpu.memory_space<vmem>>) target(%dma_start3A_839 : memref<50x64xf32, #tpu.memory_space<hbm>>) target_semaphore(%arg9 : memref<!tpu.dma_semaphore, #tpu.memory_space<semaphore_mem>>)
      %dma_start3A_844 = arith.constant 0 : i32
      %dma_start3A_845 = arith.constant 100 : i32
      %dma_start3A_846 = arith.constant 0 : i32
      %dma_start3A_847 = tpu.memref_slice %arg6[%dma_start3A_844, %dma_start3A_845, %dma_start3A_846] : memref<2x800x64xf32, #tpu.memory_space<vmem>> -> memref<1x50x64xf32, #tpu.memory_space<vmem>>
      %dma_start3A_848 = tpu.memref_squeeze %dma_start3A_847 : memref<1x50x64xf32, #tpu.memory_space<vmem>> -> memref<50x64xf32, #tpu.memory_space<vmem>>
      %dma_start3A_849 = arith.constant 0 : i32
      %dma_start3A_850 = arith.constant 0 : i32
      %dma_start3A_851 = tpu.memref_slice %arg4[%add3A_744, %dma_start3A_849, %dma_start3A_850] : memref<16384x56x128xf32, #tpu.memory_space<hbm>> -> memref<1x50x64xf32, #tpu.memory_space<hbm>>
      %dma_start3A_852 = tpu.memref_squeeze %dma_start3A_851 : memref<1x50x64xf32, #tpu.memory_space<hbm>> -> memref<50x64xf32, #tpu.memory_space<hbm>>
      %dma_start3A_853 = arith.constant 0 : i32
      %dma_start3A_854 = arith.constant 0 : i32
      %dma_start3A_855 = tpu.memref_slice %arg4[%add3A_744, %dma_start3A_853, %dma_start3A_854] : memref<16384x56x128xf32, #tpu.memory_space<hbm>> -> memref<1x50x64xf32, #tpu.memory_space<hbm>>
      %dma_start3A_856 = tpu.memref_squeeze %dma_start3A_855 : memref<1x50x64xf32, #tpu.memory_space<hbm>> -> memref<50x64xf32, #tpu.memory_space<hbm>>
      %dma_start3A_857 = arith.constant 100 : i32
      %dma_start3A_858 = arith.constant 0 : i32
      %dma_start3A_859 = tpu.memref_slice %arg6[%dma_start3A_844, %dma_start3A_857, %dma_start3A_858] : memref<2x800x64xf32, #tpu.memory_space<vmem>> -> memref<1x50x64xf32, #tpu.memory_space<vmem>>
      %dma_start3A_860 = tpu.memref_squeeze %dma_start3A_859 : memref<1x50x64xf32, #tpu.memory_space<vmem>> -> memref<50x64xf32, #tpu.memory_space<vmem>>
      tpu.enqueue_dma source(%dma_start3A_860 : memref<50x64xf32, #tpu.memory_space<vmem>>) target(%dma_start3A_856 : memref<50x64xf32, #tpu.memory_space<hbm>>) target_semaphore(%arg9 : memref<!tpu.dma_semaphore, #tpu.memory_space<semaphore_mem>>)
      %dma_start3A_861 = arith.constant 0 : i32
      %dma_start3A_862 = arith.constant 150 : i32
      %dma_start3A_863 = arith.constant 0 : i32
      %dma_start3A_864 = tpu.memref_slice %arg6[%dma_start3A_861, %dma_start3A_862, %dma_start3A_863] : memref<2x800x64xf32, #tpu.memory_space<vmem>> -> memref<1x50x64xf32, #tpu.memory_space<vmem>>
      %dma_start3A_865 = tpu.memref_squeeze %dma_start3A_864 : memref<1x50x64xf32, #tpu.memory_space<vmem>> -> memref<50x64xf32, #tpu.memory_space<vmem>>
      %dma_start3A_866 = arith.constant 0 : i32
      %dma_start3A_867 = arith.constant 0 : i32
      %dma_start3A_868 = tpu.memref_slice %arg4[%add3A_749, %dma_start3A_866, %dma_start3A_867] : memref<16384x56x128xf32, #tpu.memory_space<hbm>> -> memref<1x50x64xf32, #tpu.memory_space<hbm>>
      %dma_start3A_869 = tpu.memref_squeeze %dma_start3A_868 : memref<1x50x64xf32, #tpu.memory_space<hbm>> -> memref<50x64xf32, #tpu.memory_space<hbm>>
      %dma_start3A_870 = arith.constant 0 : i32
      %dma_start3A_871 = arith.constant 0 : i32
      %dma_start3A_872 = tpu.memref_slice %arg4[%add3A_749, %dma_start3A_870, %dma_start3A_871] : memref<16384x56x128xf32, #tpu.memory_space<hbm>> -> memref<1x50x64xf32, #tpu.memory_space<hbm>>
      %dma_start3A_873 = tpu.memref_squeeze %dma_start3A_872 : memref<1x50x64xf32, #tpu.memory_space<hbm>> -> memref<50x64xf32, #tpu.memory_space<hbm>>
      %dma_start3A_874 = arith.constant 150 : i32
      %dma_start3A_875 = arith.constant 0 : i32
      %dma_start3A_876 = tpu.memref_slice %arg6[%dma_start3A_861, %dma_start3A_874, %dma_start3A_875] : memref<2x800x64xf32, #tpu.memory_space<vmem>> -> memref<1x50x64xf32, #tpu.memory_space<vmem>>
      %dma_start3A_877 = tpu.memref_squeeze %dma_start3A_876 : memref<1x50x64xf32, #tpu.memory_space<vmem>> -> memref<50x64xf32, #tpu.memory_space<vmem>>
      tpu.enqueue_dma source(%dma_start3A_877 : memref<50x64xf32, #tpu.memory_space<vmem>>) target(%dma_start3A_873 : memref<50x64xf32, #tpu.memory_space<hbm>>) target_semaphore(%arg9 : memref<!tpu.dma_semaphore, #tpu.memory_space<semaphore_mem>>)
      %dma_start3A_878 = arith.constant 0 : i32
      %dma_start3A_879 = arith.constant 200 : i32
      %dma_start3A_880 = arith.constant 0 : i32
      %dma_start3A_881 = tpu.memref_slice %arg6[%dma_start3A_878, %dma_start3A_879, %dma_start3A_880] : memref<2x800x64xf32, #tpu.memory_space<vmem>> -> memref<1x50x64xf32, #tpu.memory_space<vmem>>
      %dma_start3A_882 = tpu.memref_squeeze %dma_start3A_881 : memref<1x50x64xf32, #tpu.memory_space<vmem>> -> memref<50x64xf32, #tpu.memory_space<vmem>>
      %dma_start3A_883 = arith.constant 0 : i32
      %dma_start3A_884 = arith.constant 0 : i32
      %dma_start3A_885 = tpu.memref_slice %arg4[%add3A_754, %dma_start3A_883, %dma_start3A_884] : memref<16384x56x128xf32, #tpu.memory_space<hbm>> -> memref<1x50x64xf32, #tpu.memory_space<hbm>>
      %dma_start3A_886 = tpu.memref_squeeze %dma_start3A_885 : memref<1x50x64xf32, #tpu.memory_space<hbm>> -> memref<50x64xf32, #tpu.memory_space<hbm>>
      %dma_start3A_887 = arith.constant 0 : i32
      %dma_start3A_888 = arith.constant 0 : i32
      %dma_start3A_889 = tpu.memref_slice %arg4[%add3A_754, %dma_start3A_887, %dma_start3A_888] : memref<16384x56x128xf32, #tpu.memory_space<hbm>> -> memref<1x50x64xf32, #tpu.memory_space<hbm>>
      %dma_start3A_890 = tpu.memref_squeeze %dma_start3A_889 : memref<1x50x64xf32, #tpu.memory_space<hbm>> -> memref<50x64xf32, #tpu.memory_space<hbm>>
      %dma_start3A_891 = arith.constant 200 : i32
      %dma_start3A_892 = arith.constant 0 : i32
      %dma_start3A_893 = tpu.memref_slice %arg6[%dma_start3A_878, %dma_start3A_891, %dma_start3A_892] : memref<2x800x64xf32, #tpu.memory_space<vmem>> -> memref<1x50x64xf32, #tpu.memory_space<vmem>>
      %dma_start3A_894 = tpu.memref_squeeze %dma_start3A_893 : memref<1x50x64xf32, #tpu.memory_space<vmem>> -> memref<50x64xf32, #tpu.memory_space<vmem>>
      tpu.enqueue_dma source(%dma_start3A_894 : memref<50x64xf32, #tpu.memory_space<vmem>>) target(%dma_start3A_890 : memref<50x64xf32, #tpu.memory_space<hbm>>) target_semaphore(%arg9 : memref<!tpu.dma_semaphore, #tpu.memory_space<semaphore_mem>>)
      %dma_start3A_895 = arith.constant 0 : i32
      %dma_start3A_896 = arith.constant 250 : i32
      %dma_start3A_897 = arith.constant 0 : i32
      %dma_start3A_898 = tpu.memref_slice %arg6[%dma_start3A_895, %dma_start3A_896, %dma_start3A_897] : memref<2x800x64xf32, #tpu.memory_space<vmem>> -> memref<1x50x64xf32, #tpu.memory_space<vmem>>
      %dma_start3A_899 = tpu.memref_squeeze %dma_start3A_898 : memref<1x50x64xf32, #tpu.memory_space<vmem>> -> memref<50x64xf32, #tpu.memory_space<vmem>>
      %dma_start3A_900 = arith.constant 0 : i32
      %dma_start3A_901 = arith.constant 0 : i32
      %dma_start3A_902 = tpu.memref_slice %arg4[%add3A_759, %dma_start3A_900, %dma_start3A_901] : memref<16384x56x128xf32, #tpu.memory_space<hbm>> -> memref<1x50x64xf32, #tpu.memory_space<hbm>>
      %dma_start3A_903 = tpu.memref_squeeze %dma_start3A_902 : memref<1x50x64xf32, #tpu.memory_space<hbm>> -> memref<50x64xf32, #tpu.memory_space<hbm>>
      %dma_start3A_904 = arith.constant 0 : i32
      %dma_start3A_905 = arith.constant 0 : i32
      %dma_start3A_906 = tpu.memref_slice %arg4[%add3A_759, %dma_start3A_904, %dma_start3A_905] : memref<16384x56x128xf32, #tpu.memory_space<hbm>> -> memref<1x50x64xf32, #tpu.memory_space<hbm>>
      %dma_start3A_907 = tpu.memref_squeeze %dma_start3A_906 : memref<1x50x64xf32, #tpu.memory_space<hbm>> -> memref<50x64xf32, #tpu.memory_space<hbm>>
      %dma_start3A_908 = arith.constant 250 : i32
      %dma_start3A_909 = arith.constant 0 : i32
      %dma_start3A_910 = tpu.memref_slice %arg6[%dma_start3A_895, %dma_start3A_908, %dma_start3A_909] : memref<2x800x64xf32, #tpu.memory_space<vmem>> -> memref<1x50x64xf32, #tpu.memory_space<vmem>>
      %dma_start3A_911 = tpu.memref_squeeze %dma_start3A_910 : memref<1x50x64xf32, #tpu.memory_space<vmem>> -> memref<50x64xf32, #tpu.memory_space<vmem>>
      tpu.enqueue_dma source(%dma_start3A_911 : memref<50x64xf32, #tpu.memory_space<vmem>>) target(%dma_start3A_907 : memref<50x64xf32, #tpu.memory_space<hbm>>) target_semaphore(%arg9 : memref<!tpu.dma_semaphore, #tpu.memory_space<semaphore_mem>>)
      %dma_start3A_912 = arith.constant 0 : i32
      %dma_start3A_913 = arith.constant 300 : i32
      %dma_start3A_914 = arith.constant 0 : i32
      %dma_start3A_915 = tpu.memref_slice %arg6[%dma_start3A_912, %dma_start3A_913, %dma_start3A_914] : memref<2x800x64xf32, #tpu.memory_space<vmem>> -> memref<1x50x64xf32, #tpu.memory_space<vmem>>
      %dma_start3A_916 = tpu.memref_squeeze %dma_start3A_915 : memref<1x50x64xf32, #tpu.memory_space<vmem>> -> memref<50x64xf32, #tpu.memory_space<vmem>>
      %dma_start3A_917 = arith.constant 0 : i32
      %dma_start3A_918 = arith.constant 0 : i32
      %dma_start3A_919 = tpu.memref_slice %arg4[%add3A_764, %dma_start3A_917, %dma_start3A_918] : memref<16384x56x128xf32, #tpu.memory_space<hbm>> -> memref<1x50x64xf32, #tpu.memory_space<hbm>>
      %dma_start3A_920 = tpu.memref_squeeze %dma_start3A_919 : memref<1x50x64xf32, #tpu.memory_space<hbm>> -> memref<50x64xf32, #tpu.memory_space<hbm>>
      %dma_start3A_921 = arith.constant 0 : i32
      %dma_start3A_922 = arith.constant 0 : i32
      %dma_start3A_923 = tpu.memref_slice %arg4[%add3A_764, %dma_start3A_921, %dma_start3A_922] : memref<16384x56x128xf32, #tpu.memory_space<hbm>> -> memref<1x50x64xf32, #tpu.memory_space<hbm>>
      %dma_start3A_924 = tpu.memref_squeeze %dma_start3A_923 : memref<1x50x64xf32, #tpu.memory_space<hbm>> -> memref<50x64xf32, #tpu.memory_space<hbm>>
      %dma_start3A_925 = arith.constant 300 : i32
      %dma_start3A_926 = arith.constant 0 : i32
      %dma_start3A_927 = tpu.memref_slice %arg6[%dma_start3A_912, %dma_start3A_925, %dma_start3A_926] : memref<2x800x64xf32, #tpu.memory_space<vmem>> -> memref<1x50x64xf32, #tpu.memory_space<vmem>>
      %dma_start3A_928 = tpu.memref_squeeze %dma_start3A_927 : memref<1x50x64xf32, #tpu.memory_space<vmem>> -> memref<50x64xf32, #tpu.memory_space<vmem>>
      tpu.enqueue_dma source(%dma_start3A_928 : memref<50x64xf32, #tpu.memory_space<vmem>>) target(%dma_start3A_924 : memref<50x64xf32, #tpu.memory_space<hbm>>) target_semaphore(%arg9 : memref<!tpu.dma_semaphore, #tpu.memory_space<semaphore_mem>>)
      %dma_start3A_929 = arith.constant 0 : i32
      %dma_start3A_930 = arith.constant 350 : i32
      %dma_start3A_931 = arith.constant 0 : i32
      %dma_start3A_932 = tpu.memref_slice %arg6[%dma_start3A_929, %dma_start3A_930, %dma_start3A_931] : memref<2x800x64xf32, #tpu.memory_space<vmem>> -> memref<1x50x64xf32, #tpu.memory_space<vmem>>
      %dma_start3A_933 = tpu.memref_squeeze %dma_start3A_932 : memref<1x50x64xf32, #tpu.memory_space<vmem>> -> memref<50x64xf32, #tpu.memory_space<vmem>>
      %dma_start3A_934 = arith.constant 0 : i32
      %dma_start3A_935 = arith.constant 0 : i32
      %dma_start3A_936 = tpu.memref_slice %arg4[%add3A_769, %dma_start3A_934, %dma_start3A_935] : memref<16384x56x128xf32, #tpu.memory_space<hbm>> -> memref<1x50x64xf32, #tpu.memory_space<hbm>>
      %dma_start3A_937 = tpu.memref_squeeze %dma_start3A_936 : memref<1x50x64xf32, #tpu.memory_space<hbm>> -> memref<50x64xf32, #tpu.memory_space<hbm>>
      %dma_start3A_938 = arith.constant 0 : i32
      %dma_start3A_939 = arith.constant 0 : i32
      %dma_start3A_940 = tpu.memref_slice %arg4[%add3A_769, %dma_start3A_938, %dma_start3A_939] : memref<16384x56x128xf32, #tpu.memory_space<hbm>> -> memref<1x50x64xf32, #tpu.memory_space<hbm>>
      %dma_start3A_941 = tpu.memref_squeeze %dma_start3A_940 : memref<1x50x64xf32, #tpu.memory_space<hbm>> -> memref<50x64xf32, #tpu.memory_space<hbm>>
      %dma_start3A_942 = arith.constant 350 : i32
      %dma_start3A_943 = arith.constant 0 : i32
      %dma_start3A_944 = tpu.memref_slice %arg6[%dma_start3A_929, %dma_start3A_942, %dma_start3A_943] : memref<2x800x64xf32, #tpu.memory_space<vmem>> -> memref<1x50x64xf32, #tpu.memory_space<vmem>>
      %dma_start3A_945 = tpu.memref_squeeze %dma_start3A_944 : memref<1x50x64xf32, #tpu.memory_space<vmem>> -> memref<50x64xf32, #tpu.memory_space<vmem>>
      tpu.enqueue_dma source(%dma_start3A_945 : memref<50x64xf32, #tpu.memory_space<vmem>>) target(%dma_start3A_941 : memref<50x64xf32, #tpu.memory_space<hbm>>) target_semaphore(%arg9 : memref<!tpu.dma_semaphore, #tpu.memory_space<semaphore_mem>>)
      %dma_start3A_946 = arith.constant 0 : i32
      %dma_start3A_947 = arith.constant 400 : i32
      %dma_start3A_948 = arith.constant 0 : i32
      %dma_start3A_949 = tpu.memref_slice %arg6[%dma_start3A_946, %dma_start3A_947, %dma_start3A_948] : memref<2x800x64xf32, #tpu.memory_space<vmem>> -> memref<1x50x64xf32, #tpu.memory_space<vmem>>
      %dma_start3A_950 = tpu.memref_squeeze %dma_start3A_949 : memref<1x50x64xf32, #tpu.memory_space<vmem>> -> memref<50x64xf32, #tpu.memory_space<vmem>>
      %dma_start3A_951 = arith.constant 0 : i32
      %dma_start3A_952 = arith.constant 0 : i32
      %dma_start3A_953 = tpu.memref_slice %arg4[%add3A_774, %dma_start3A_951, %dma_start3A_952] : memref<16384x56x128xf32, #tpu.memory_space<hbm>> -> memref<1x50x64xf32, #tpu.memory_space<hbm>>
      %dma_start3A_954 = tpu.memref_squeeze %dma_start3A_953 : memref<1x50x64xf32, #tpu.memory_space<hbm>> -> memref<50x64xf32, #tpu.memory_space<hbm>>
      %dma_start3A_955 = arith.constant 0 : i32
      %dma_start3A_956 = arith.constant 0 : i32
      %dma_start3A_957 = tpu.memref_slice %arg4[%add3A_774, %dma_start3A_955, %dma_start3A_956] : memref<16384x56x128xf32, #tpu.memory_space<hbm>> -> memref<1x50x64xf32, #tpu.memory_space<hbm>>
      %dma_start3A_958 = tpu.memref_squeeze %dma_start3A_957 : memref<1x50x64xf32, #tpu.memory_space<hbm>> -> memref<50x64xf32, #tpu.memory_space<hbm>>
      %dma_start3A_959 = arith.constant 400 : i32
      %dma_start3A_960 = arith.constant 0 : i32
      %dma_start3A_961 = tpu.memref_slice %arg6[%dma_start3A_946, %dma_start3A_959, %dma_start3A_960] : memref<2x800x64xf32, #tpu.memory_space<vmem>> -> memref<1x50x64xf32, #tpu.memory_space<vmem>>
      %dma_start3A_962 = tpu.memref_squeeze %dma_start3A_961 : memref<1x50x64xf32, #tpu.memory_space<vmem>> -> memref<50x64xf32, #tpu.memory_space<vmem>>
      tpu.enqueue_dma source(%dma_start3A_962 : memref<50x64xf32, #tpu.memory_space<vmem>>) target(%dma_start3A_958 : memref<50x64xf32, #tpu.memory_space<hbm>>) target_semaphore(%arg9 : memref<!tpu.dma_semaphore, #tpu.memory_space<semaphore_mem>>)
      %dma_start3A_963 = arith.constant 0 : i32
      %dma_start3A_964 = arith.constant 450 : i32
      %dma_start3A_965 = arith.constant 0 : i32
      %dma_start3A_966 = tpu.memref_slice %arg6[%dma_start3A_963, %dma_start3A_964, %dma_start3A_965] : memref<2x800x64xf32, #tpu.memory_space<vmem>> -> memref<1x50x64xf32, #tpu.memory_space<vmem>>
      %dma_start3A_967 = tpu.memref_squeeze %dma_start3A_966 : memref<1x50x64xf32, #tpu.memory_space<vmem>> -> memref<50x64xf32, #tpu.memory_space<vmem>>
      %dma_start3A_968 = arith.constant 0 : i32
      %dma_start3A_969 = arith.constant 0 : i32
      %dma_start3A_970 = tpu.memref_slice %arg4[%add3A_779, %dma_start3A_968, %dma_start3A_969] : memref<16384x56x128xf32, #tpu.memory_space<hbm>> -> memref<1x50x64xf32, #tpu.memory_space<hbm>>
      %dma_start3A_971 = tpu.memref_squeeze %dma_start3A_970 : memref<1x50x64xf32, #tpu.memory_space<hbm>> -> memref<50x64xf32, #tpu.memory_space<hbm>>
      %dma_start3A_972 = arith.constant 0 : i32
      %dma_start3A_973 = arith.constant 0 : i32
      %dma_start3A_974 = tpu.memref_slice %arg4[%add3A_779, %dma_start3A_972, %dma_start3A_973] : memref<16384x56x128xf32, #tpu.memory_space<hbm>> -> memref<1x50x64xf32, #tpu.memory_space<hbm>>
      %dma_start3A_975 = tpu.memref_squeeze %dma_start3A_974 : memref<1x50x64xf32, #tpu.memory_space<hbm>> -> memref<50x64xf32, #tpu.memory_space<hbm>>
      %dma_start3A_976 = arith.constant 450 : i32
      %dma_start3A_977 = arith.constant 0 : i32
      %dma_start3A_978 = tpu.memref_slice %arg6[%dma_start3A_963, %dma_start3A_976, %dma_start3A_977] : memref<2x800x64xf32, #tpu.memory_space<vmem>> -> memref<1x50x64xf32, #tpu.memory_space<vmem>>
      %dma_start3A_979 = tpu.memref_squeeze %dma_start3A_978 : memref<1x50x64xf32, #tpu.memory_space<vmem>> -> memref<50x64xf32, #tpu.memory_space<vmem>>
      tpu.enqueue_dma source(%dma_start3A_979 : memref<50x64xf32, #tpu.memory_space<vmem>>) target(%dma_start3A_975 : memref<50x64xf32, #tpu.memory_space<hbm>>) target_semaphore(%arg9 : memref<!tpu.dma_semaphore, #tpu.memory_space<semaphore_mem>>)
      %dma_start3A_980 = arith.constant 0 : i32
      %dma_start3A_981 = arith.constant 500 : i32
      %dma_start3A_982 = arith.constant 0 : i32
      %dma_start3A_983 = tpu.memref_slice %arg6[%dma_start3A_980, %dma_start3A_981, %dma_start3A_982] : memref<2x800x64xf32, #tpu.memory_space<vmem>> -> memref<1x50x64xf32, #tpu.memory_space<vmem>>
      %dma_start3A_984 = tpu.memref_squeeze %dma_start3A_983 : memref<1x50x64xf32, #tpu.memory_space<vmem>> -> memref<50x64xf32, #tpu.memory_space<vmem>>
      %dma_start3A_985 = arith.constant 0 : i32
      %dma_start3A_986 = arith.constant 0 : i32
      %dma_start3A_987 = tpu.memref_slice %arg4[%add3A_784, %dma_start3A_985, %dma_start3A_986] : memref<16384x56x128xf32, #tpu.memory_space<hbm>> -> memref<1x50x64xf32, #tpu.memory_space<hbm>>
      %dma_start3A_988 = tpu.memref_squeeze %dma_start3A_987 : memref<1x50x64xf32, #tpu.memory_space<hbm>> -> memref<50x64xf32, #tpu.memory_space<hbm>>
      %dma_start3A_989 = arith.constant 0 : i32
      %dma_start3A_990 = arith.constant 0 : i32
      %dma_start3A_991 = tpu.memref_slice %arg4[%add3A_784, %dma_start3A_989, %dma_start3A_990] : memref<16384x56x128xf32, #tpu.memory_space<hbm>> -> memref<1x50x64xf32, #tpu.memory_space<hbm>>
      %dma_start3A_992 = tpu.memref_squeeze %dma_start3A_991 : memref<1x50x64xf32, #tpu.memory_space<hbm>> -> memref<50x64xf32, #tpu.memory_space<hbm>>
      %dma_start3A_993 = arith.constant 500 : i32
      %dma_start3A_994 = arith.constant 0 : i32
      %dma_start3A_995 = tpu.memref_slice %arg6[%dma_start3A_980, %dma_start3A_993, %dma_start3A_994] : memref<2x800x64xf32, #tpu.memory_space<vmem>> -> memref<1x50x64xf32, #tpu.memory_space<vmem>>
      %dma_start3A_996 = tpu.memref_squeeze %dma_start3A_995 : memref<1x50x64xf32, #tpu.memory_space<vmem>> -> memref<50x64xf32, #tpu.memory_space<vmem>>
      tpu.enqueue_dma source(%dma_start3A_996 : memref<50x64xf32, #tpu.memory_space<vmem>>) target(%dma_start3A_992 : memref<50x64xf32, #tpu.memory_space<hbm>>) target_semaphore(%arg9 : memref<!tpu.dma_semaphore, #tpu.memory_space<semaphore_mem>>)
      %dma_start3A_997 = arith.constant 0 : i32
      %dma_start3A_998 = arith.constant 550 : i32
      %dma_start3A_999 = arith.constant 0 : i32
      %dma_start3A_1000 = tpu.memref_slice %arg6[%dma_start3A_997, %dma_start3A_998, %dma_start3A_999] : memref<2x800x64xf32, #tpu.memory_space<vmem>> -> memref<1x50x64xf32, #tpu.memory_space<vmem>>
      %dma_start3A_1001 = tpu.memref_squeeze %dma_start3A_1000 : memref<1x50x64xf32, #tpu.memory_space<vmem>> -> memref<50x64xf32, #tpu.memory_space<vmem>>
      %dma_start3A_1002 = arith.constant 0 : i32
      %dma_start3A_1003 = arith.constant 0 : i32
      %dma_start3A_1004 = tpu.memref_slice %arg4[%add3A_789, %dma_start3A_1002, %dma_start3A_1003] : memref<16384x56x128xf32, #tpu.memory_space<hbm>> -> memref<1x50x64xf32, #tpu.memory_space<hbm>>
      %dma_start3A_1005 = tpu.memref_squeeze %dma_start3A_1004 : memref<1x50x64xf32, #tpu.memory_space<hbm>> -> memref<50x64xf32, #tpu.memory_space<hbm>>
      %dma_start3A_1006 = arith.constant 0 : i32
      %dma_start3A_1007 = arith.constant 0 : i32
      %dma_start3A_1008 = tpu.memref_slice %arg4[%add3A_789, %dma_start3A_1006, %dma_start3A_1007] : memref<16384x56x128xf32, #tpu.memory_space<hbm>> -> memref<1x50x64xf32, #tpu.memory_space<hbm>>
      %dma_start3A_1009 = tpu.memref_squeeze %dma_start3A_1008 : memref<1x50x64xf32, #tpu.memory_space<hbm>> -> memref<50x64xf32, #tpu.memory_space<hbm>>
      %dma_start3A_1010 = arith.constant 550 : i32
      %dma_start3A_1011 = arith.constant 0 : i32
      %dma_start3A_1012 = tpu.memref_slice %arg6[%dma_start3A_997, %dma_start3A_1010, %dma_start3A_1011] : memref<2x800x64xf32, #tpu.memory_space<vmem>> -> memref<1x50x64xf32, #tpu.memory_space<vmem>>
      %dma_start3A_1013 = tpu.memref_squeeze %dma_start3A_1012 : memref<1x50x64xf32, #tpu.memory_space<vmem>> -> memref<50x64xf32, #tpu.memory_space<vmem>>
      tpu.enqueue_dma source(%dma_start3A_1013 : memref<50x64xf32, #tpu.memory_space<vmem>>) target(%dma_start3A_1009 : memref<50x64xf32, #tpu.memory_space<hbm>>) target_semaphore(%arg9 : memref<!tpu.dma_semaphore, #tpu.memory_space<semaphore_mem>>)
      %dma_start3A_1014 = arith.constant 0 : i32
      %dma_start3A_1015 = arith.constant 600 : i32
      %dma_start3A_1016 = arith.constant 0 : i32
      %dma_start3A_1017 = tpu.memref_slice %arg6[%dma_start3A_1014, %dma_start3A_1015, %dma_start3A_1016] : memref<2x800x64xf32, #tpu.memory_space<vmem>> -> memref<1x50x64xf32, #tpu.memory_space<vmem>>
      %dma_start3A_1018 = tpu.memref_squeeze %dma_start3A_1017 : memref<1x50x64xf32, #tpu.memory_space<vmem>> -> memref<50x64xf32, #tpu.memory_space<vmem>>
      %dma_start3A_1019 = arith.constant 0 : i32
      %dma_start3A_1020 = arith.constant 0 : i32
      %dma_start3A_1021 = tpu.memref_slice %arg4[%add3A_794, %dma_start3A_1019, %dma_start3A_1020] : memref<16384x56x128xf32, #tpu.memory_space<hbm>> -> memref<1x50x64xf32, #tpu.memory_space<hbm>>
      %dma_start3A_1022 = tpu.memref_squeeze %dma_start3A_1021 : memref<1x50x64xf32, #tpu.memory_space<hbm>> -> memref<50x64xf32, #tpu.memory_space<hbm>>
      %dma_start3A_1023 = arith.constant 0 : i32
      %dma_start3A_1024 = arith.constant 0 : i32
      %dma_start3A_1025 = tpu.memref_slice %arg4[%add3A_794, %dma_start3A_1023, %dma_start3A_1024] : memref<16384x56x128xf32, #tpu.memory_space<hbm>> -> memref<1x50x64xf32, #tpu.memory_space<hbm>>
      %dma_start3A_1026 = tpu.memref_squeeze %dma_start3A_1025 : memref<1x50x64xf32, #tpu.memory_space<hbm>> -> memref<50x64xf32, #tpu.memory_space<hbm>>
      %dma_start3A_1027 = arith.constant 600 : i32
      %dma_start3A_1028 = arith.constant 0 : i32
      %dma_start3A_1029 = tpu.memref_slice %arg6[%dma_start3A_1014, %dma_start3A_1027, %dma_start3A_1028] : memref<2x800x64xf32, #tpu.memory_space<vmem>> -> memref<1x50x64xf32, #tpu.memory_space<vmem>>
      %dma_start3A_1030 = tpu.memref_squeeze %dma_start3A_1029 : memref<1x50x64xf32, #tpu.memory_space<vmem>> -> memref<50x64xf32, #tpu.memory_space<vmem>>
      tpu.enqueue_dma source(%dma_start3A_1030 : memref<50x64xf32, #tpu.memory_space<vmem>>) target(%dma_start3A_1026 : memref<50x64xf32, #tpu.memory_space<hbm>>) target_semaphore(%arg9 : memref<!tpu.dma_semaphore, #tpu.memory_space<semaphore_mem>>)
      %dma_start3A_1031 = arith.constant 0 : i32
      %dma_start3A_1032 = arith.constant 650 : i32
      %dma_start3A_1033 = arith.constant 0 : i32
      %dma_start3A_1034 = tpu.memref_slice %arg6[%dma_start3A_1031, %dma_start3A_1032, %dma_start3A_1033] : memref<2x800x64xf32, #tpu.memory_space<vmem>> -> memref<1x50x64xf32, #tpu.memory_space<vmem>>
      %dma_start3A_1035 = tpu.memref_squeeze %dma_start3A_1034 : memref<1x50x64xf32, #tpu.memory_space<vmem>> -> memref<50x64xf32, #tpu.memory_space<vmem>>
      %dma_start3A_1036 = arith.constant 0 : i32
      %dma_start3A_1037 = arith.constant 0 : i32
      %dma_start3A_1038 = tpu.memref_slice %arg4[%add3A_799, %dma_start3A_1036, %dma_start3A_1037] : memref<16384x56x128xf32, #tpu.memory_space<hbm>> -> memref<1x50x64xf32, #tpu.memory_space<hbm>>
      %dma_start3A_1039 = tpu.memref_squeeze %dma_start3A_1038 : memref<1x50x64xf32, #tpu.memory_space<hbm>> -> memref<50x64xf32, #tpu.memory_space<hbm>>
      %dma_start3A_1040 = arith.constant 0 : i32
      %dma_start3A_1041 = arith.constant 0 : i32
      %dma_start3A_1042 = tpu.memref_slice %arg4[%add3A_799, %dma_start3A_1040, %dma_start3A_1041] : memref<16384x56x128xf32, #tpu.memory_space<hbm>> -> memref<1x50x64xf32, #tpu.memory_space<hbm>>
      %dma_start3A_1043 = tpu.memref_squeeze %dma_start3A_1042 : memref<1x50x64xf32, #tpu.memory_space<hbm>> -> memref<50x64xf32, #tpu.memory_space<hbm>>
      %dma_start3A_1044 = arith.constant 650 : i32
      %dma_start3A_1045 = arith.constant 0 : i32
      %dma_start3A_1046 = tpu.memref_slice %arg6[%dma_start3A_1031, %dma_start3A_1044, %dma_start3A_1045] : memref<2x800x64xf32, #tpu.memory_space<vmem>> -> memref<1x50x64xf32, #tpu.memory_space<vmem>>
      %dma_start3A_1047 = tpu.memref_squeeze %dma_start3A_1046 : memref<1x50x64xf32, #tpu.memory_space<vmem>> -> memref<50x64xf32, #tpu.memory_space<vmem>>
      tpu.enqueue_dma source(%dma_start3A_1047 : memref<50x64xf32, #tpu.memory_space<vmem>>) target(%dma_start3A_1043 : memref<50x64xf32, #tpu.memory_space<hbm>>) target_semaphore(%arg9 : memref<!tpu.dma_semaphore, #tpu.memory_space<semaphore_mem>>)
      %dma_start3A_1048 = arith.constant 0 : i32
      %dma_start3A_1049 = arith.constant 700 : i32
      %dma_start3A_1050 = arith.constant 0 : i32
      %dma_start3A_1051 = tpu.memref_slice %arg6[%dma_start3A_1048, %dma_start3A_1049, %dma_start3A_1050] : memref<2x800x64xf32, #tpu.memory_space<vmem>> -> memref<1x50x64xf32, #tpu.memory_space<vmem>>
      %dma_start3A_1052 = tpu.memref_squeeze %dma_start3A_1051 : memref<1x50x64xf32, #tpu.memory_space<vmem>> -> memref<50x64xf32, #tpu.memory_space<vmem>>
      %dma_start3A_1053 = arith.constant 0 : i32
      %dma_start3A_1054 = arith.constant 0 : i32
      %dma_start3A_1055 = tpu.memref_slice %arg4[%add3A_804, %dma_start3A_1053, %dma_start3A_1054] : memref<16384x56x128xf32, #tpu.memory_space<hbm>> -> memref<1x50x64xf32, #tpu.memory_space<hbm>>
      %dma_start3A_1056 = tpu.memref_squeeze %dma_start3A_1055 : memref<1x50x64xf32, #tpu.memory_space<hbm>> -> memref<50x64xf32, #tpu.memory_space<hbm>>
      %dma_start3A_1057 = arith.constant 0 : i32
      %dma_start3A_1058 = arith.constant 0 : i32
      %dma_start3A_1059 = tpu.memref_slice %arg4[%add3A_804, %dma_start3A_1057, %dma_start3A_1058] : memref<16384x56x128xf32, #tpu.memory_space<hbm>> -> memref<1x50x64xf32, #tpu.memory_space<hbm>>
      %dma_start3A_1060 = tpu.memref_squeeze %dma_start3A_1059 : memref<1x50x64xf32, #tpu.memory_space<hbm>> -> memref<50x64xf32, #tpu.memory_space<hbm>>
      %dma_start3A_1061 = arith.constant 700 : i32
      %dma_start3A_1062 = arith.constant 0 : i32
      %dma_start3A_1063 = tpu.memref_slice %arg6[%dma_start3A_1048, %dma_start3A_1061, %dma_start3A_1062] : memref<2x800x64xf32, #tpu.memory_space<vmem>> -> memref<1x50x64xf32, #tpu.memory_space<vmem>>
      %dma_start3A_1064 = tpu.memref_squeeze %dma_start3A_1063 : memref<1x50x64xf32, #tpu.memory_space<vmem>> -> memref<50x64xf32, #tpu.memory_space<vmem>>
      tpu.enqueue_dma source(%dma_start3A_1064 : memref<50x64xf32, #tpu.memory_space<vmem>>) target(%dma_start3A_1060 : memref<50x64xf32, #tpu.memory_space<hbm>>) target_semaphore(%arg9 : memref<!tpu.dma_semaphore, #tpu.memory_space<semaphore_mem>>)
      %dma_start3A_1065 = arith.constant 0 : i32
      %dma_start3A_1066 = arith.constant 750 : i32
      %dma_start3A_1067 = arith.constant 0 : i32
      %dma_start3A_1068 = tpu.memref_slice %arg6[%dma_start3A_1065, %dma_start3A_1066, %dma_start3A_1067] : memref<2x800x64xf32, #tpu.memory_space<vmem>> -> memref<1x50x64xf32, #tpu.memory_space<vmem>>
      %dma_start3A_1069 = tpu.memref_squeeze %dma_start3A_1068 : memref<1x50x64xf32, #tpu.memory_space<vmem>> -> memref<50x64xf32, #tpu.memory_space<vmem>>
      %dma_start3A_1070 = arith.constant 0 : i32
      %dma_start3A_1071 = arith.constant 0 : i32
      %dma_start3A_1072 = tpu.memref_slice %arg4[%add3A_809, %dma_start3A_1070, %dma_start3A_1071] : memref<16384x56x128xf32, #tpu.memory_space<hbm>> -> memref<1x50x64xf32, #tpu.memory_space<hbm>>
      %dma_start3A_1073 = tpu.memref_squeeze %dma_start3A_1072 : memref<1x50x64xf32, #tpu.memory_space<hbm>> -> memref<50x64xf32, #tpu.memory_space<hbm>>
      %dma_start3A_1074 = arith.constant 0 : i32
      %dma_start3A_1075 = arith.constant 0 : i32
      %dma_start3A_1076 = tpu.memref_slice %arg4[%add3A_809, %dma_start3A_1074, %dma_start3A_1075] : memref<16384x56x128xf32, #tpu.memory_space<hbm>> -> memref<1x50x64xf32, #tpu.memory_space<hbm>>
      %dma_start3A_1077 = tpu.memref_squeeze %dma_start3A_1076 : memref<1x50x64xf32, #tpu.memory_space<hbm>> -> memref<50x64xf32, #tpu.memory_space<hbm>>
      %dma_start3A_1078 = arith.constant 750 : i32
      %dma_start3A_1079 = arith.constant 0 : i32
      %dma_start3A_1080 = tpu.memref_slice %arg6[%dma_start3A_1065, %dma_start3A_1078, %dma_start3A_1079] : memref<2x800x64xf32, #tpu.memory_space<vmem>> -> memref<1x50x64xf32, #tpu.memory_space<vmem>>
      %dma_start3A_1081 = tpu.memref_squeeze %dma_start3A_1080 : memref<1x50x64xf32, #tpu.memory_space<vmem>> -> memref<50x64xf32, #tpu.memory_space<vmem>>
      tpu.enqueue_dma source(%dma_start3A_1081 : memref<50x64xf32, #tpu.memory_space<vmem>>) target(%dma_start3A_1077 : memref<50x64xf32, #tpu.memory_space<hbm>>) target_semaphore(%arg9 : memref<!tpu.dma_semaphore, #tpu.memory_space<semaphore_mem>>)
      %dma_wait3A_1082 = arith.constant 1 : i32
      %dma_wait3A_1083 = arith.constant 0 : i32
      %dma_wait3A_1084 = tpu.memref_slice %arg5[%dma_wait3A_1082, %dma_wait3A_1083] : memref<2x800xi32, #tpu.memory_space<vmem>> -> memref<1x800xi32, #tpu.memory_space<vmem>>
      %dma_wait3A_1085 = tpu.memref_squeeze %dma_wait3A_1084 : memref<1x800xi32, #tpu.memory_space<vmem>> -> memref<800xi32, #tpu.memory_space<vmem>>
      %dma_wait3A_1086 = arith.constant 0 : i32
      %dma_wait3A_1087 = tpu.memref_slice %arg3[%dma_wait3A_1086] : memref<819200xi32, #tpu.memory_space<hbm>> -> memref<800xi32, #tpu.memory_space<hbm>>
      %dma_wait3A_1088 = arith.constant 0 : i32
      %dma_wait3A_1089 = tpu.memref_slice %arg5[%dma_wait3A_1082, %dma_wait3A_1088] : memref<2x800xi32, #tpu.memory_space<vmem>> -> memref<1x800xi32, #tpu.memory_space<vmem>>
      %dma_wait3A_1090 = tpu.memref_squeeze %dma_wait3A_1089 : memref<1x800xi32, #tpu.memory_space<vmem>> -> memref<800xi32, #tpu.memory_space<vmem>>
      %dma_wait3A_1091 = arith.constant 0 : i32
      %dma_wait3A_1092 = tpu.memref_slice %arg3[%dma_wait3A_1091] : memref<819200xi32, #tpu.memory_space<hbm>> -> memref<800xi32, #tpu.memory_space<hbm>>
      tpu.wait_dma2 semaphore(%arg7 : memref<!tpu.dma_semaphore, #tpu.memory_space<semaphore_mem>>) src(%dma_wait3A_1092 : memref<800xi32, #tpu.memory_space<hbm>>) dst(%dma_wait3A_1090 : memref<800xi32, #tpu.memory_space<vmem>>)
      %mul3A_1093 = arith.constant 2 : i32
      %mul3A_1094 = arith.muli %add3A_686, %mul3A_1093 : i32
      %add3A_1095 = arith.constant 1 : i32
      %add3A_1096 = arith.addi %mul3A_1094, %add3A_1095 : i32
      %lt3A = arith.constant 15 : i32
      %lt3A_1097 = arith.cmpi slt, %add3A_686, %lt3A : i32
      %convert_element_type3A_1098 = arith.extui %lt3A_1097 : i1 to i32
      %cond3A_1099 = arith.constant 0 : i32
      %cond3A_1100 = arith.cmpi ne, %convert_element_type3A_1098, %cond3A_1099 : i32
      scf.if %cond3A_1100 {
        %add3A_1487 = arith.constant 1 : i32
        %add3A_1488 = arith.addi %add3A_1096, %add3A_1487 : i32
        %mul3A_1489 = arith.constant 800 : i32
        %mul3A_1490 = arith.muli %add3A_1488, %mul3A_1489 : i32
        %add3A_1491 = arith.addi %mul3A_4, %mul3A_1490 : i32
        %dma_start3A_1492 = arith.constant 0 : i32
        %dma_start3A_1493 = arith.constant 0 : i32
        %dma_start3A_1494 = tpu.memref_slice %arg5[%dma_start3A_1492, %dma_start3A_1493] : memref<2x800xi32, #tpu.memory_space<vmem>> -> memref<1x800xi32, #tpu.memory_space<vmem>>
        %dma_start3A_1495 = tpu.memref_squeeze %dma_start3A_1494 : memref<1x800xi32, #tpu.memory_space<vmem>> -> memref<800xi32, #tpu.memory_space<vmem>>
        %dma_start3A_1496 = tpu.memref_slice %arg3[%add3A_1491] : memref<819200xi32, #tpu.memory_space<hbm>> -> memref<800xi32, #tpu.memory_space<hbm>>
        %dma_start3A_1497 = arith.constant 0 : i32
        %dma_start3A_1498 = tpu.memref_slice %arg5[%dma_start3A_1492, %dma_start3A_1497] : memref<2x800xi32, #tpu.memory_space<vmem>> -> memref<1x800xi32, #tpu.memory_space<vmem>>
        %dma_start3A_1499 = tpu.memref_squeeze %dma_start3A_1498 : memref<1x800xi32, #tpu.memory_space<vmem>> -> memref<800xi32, #tpu.memory_space<vmem>>
        %dma_start3A_1500 = tpu.memref_slice %arg3[%add3A_1491] : memref<819200xi32, #tpu.memory_space<hbm>> -> memref<800xi32, #tpu.memory_space<hbm>>
        tpu.enqueue_dma source(%dma_start3A_1500 : memref<800xi32, #tpu.memory_space<hbm>>) target(%dma_start3A_1499 : memref<800xi32, #tpu.memory_space<vmem>>) target_semaphore(%arg7 : memref<!tpu.dma_semaphore, #tpu.memory_space<semaphore_mem>>)
      } else {
      }
      %ge3A_1101 = arith.constant 1 : i32
      %ge3A_1102 = arith.cmpi sge, %add3A_686, %ge3A_1101 : i32
      %convert_element_type3A_1103 = arith.extui %ge3A_1102 : i1 to i32
      %cond3A_1104 = arith.constant 0 : i32
      %cond3A_1105 = arith.cmpi ne, %convert_element_type3A_1103, %cond3A_1104 : i32
      scf.if %cond3A_1105 {
        %sub3A = arith.constant 2 : i32
        %sub3A_1487 = arith.subi %add3A_1096, %sub3A : i32
        %mul3A_1488 = arith.constant 16 : i32
        %mul3A_1489 = arith.muli %sub3A_1487, %mul3A_1488 : i32
        %add3A_1490 = arith.addi %mul3A_6, %mul3A_1489 : i32
        %add3A_1491 = arith.constant 0 : i32
        %add3A_1492 = arith.addi %add3A_1490, %add3A_1491 : i32
        %mul3A_1493 = arith.constant 16 : i32
        %mul3A_1494 = arith.muli %sub3A_1487, %mul3A_1493 : i32
        %add3A_1495 = arith.addi %mul3A_6, %mul3A_1494 : i32
        %add3A_1496 = arith.constant 1 : i32
        %add3A_1497 = arith.addi %add3A_1495, %add3A_1496 : i32
        %mul3A_1498 = arith.constant 16 : i32
        %mul3A_1499 = arith.muli %sub3A_1487, %mul3A_1498 : i32
        %add3A_1500 = arith.addi %mul3A_6, %mul3A_1499 : i32
        %add3A_1501 = arith.constant 2 : i32
        %add3A_1502 = arith.addi %add3A_1500, %add3A_1501 : i32
        %mul3A_1503 = arith.constant 16 : i32
        %mul3A_1504 = arith.muli %sub3A_1487, %mul3A_1503 : i32
        %add3A_1505 = arith.addi %mul3A_6, %mul3A_1504 : i32
        %add3A_1506 = arith.constant 3 : i32
        %add3A_1507 = arith.addi %add3A_1505, %add3A_1506 : i32
        %mul3A_1508 = arith.constant 16 : i32
        %mul3A_1509 = arith.muli %sub3A_1487, %mul3A_1508 : i32
        %add3A_1510 = arith.addi %mul3A_6, %mul3A_1509 : i32
        %add3A_1511 = arith.constant 4 : i32
        %add3A_1512 = arith.addi %add3A_1510, %add3A_1511 : i32
        %mul3A_1513 = arith.constant 16 : i32
        %mul3A_1514 = arith.muli %sub3A_1487, %mul3A_1513 : i32
        %add3A_1515 = arith.addi %mul3A_6, %mul3A_1514 : i32
        %add3A_1516 = arith.constant 5 : i32
        %add3A_1517 = arith.addi %add3A_1515, %add3A_1516 : i32
        %mul3A_1518 = arith.constant 16 : i32
        %mul3A_1519 = arith.muli %sub3A_1487, %mul3A_1518 : i32
        %add3A_1520 = arith.addi %mul3A_6, %mul3A_1519 : i32
        %add3A_1521 = arith.constant 6 : i32
        %add3A_1522 = arith.addi %add3A_1520, %add3A_1521 : i32
        %mul3A_1523 = arith.constant 16 : i32
        %mul3A_1524 = arith.muli %sub3A_1487, %mul3A_1523 : i32
        %add3A_1525 = arith.addi %mul3A_6, %mul3A_1524 : i32
        %add3A_1526 = arith.constant 7 : i32
        %add3A_1527 = arith.addi %add3A_1525, %add3A_1526 : i32
        %mul3A_1528 = arith.constant 16 : i32
        %mul3A_1529 = arith.muli %sub3A_1487, %mul3A_1528 : i32
        %add3A_1530 = arith.addi %mul3A_6, %mul3A_1529 : i32
        %add3A_1531 = arith.constant 8 : i32
        %add3A_1532 = arith.addi %add3A_1530, %add3A_1531 : i32
        %mul3A_1533 = arith.constant 16 : i32
        %mul3A_1534 = arith.muli %sub3A_1487, %mul3A_1533 : i32
        %add3A_1535 = arith.addi %mul3A_6, %mul3A_1534 : i32
        %add3A_1536 = arith.constant 9 : i32
        %add3A_1537 = arith.addi %add3A_1535, %add3A_1536 : i32
        %mul3A_1538 = arith.constant 16 : i32
        %mul3A_1539 = arith.muli %sub3A_1487, %mul3A_1538 : i32
        %add3A_1540 = arith.addi %mul3A_6, %mul3A_1539 : i32
        %add3A_1541 = arith.constant 10 : i32
        %add3A_1542 = arith.addi %add3A_1540, %add3A_1541 : i32
        %mul3A_1543 = arith.constant 16 : i32
        %mul3A_1544 = arith.muli %sub3A_1487, %mul3A_1543 : i32
        %add3A_1545 = arith.addi %mul3A_6, %mul3A_1544 : i32
        %add3A_1546 = arith.constant 11 : i32
        %add3A_1547 = arith.addi %add3A_1545, %add3A_1546 : i32
        %mul3A_1548 = arith.constant 16 : i32
        %mul3A_1549 = arith.muli %sub3A_1487, %mul3A_1548 : i32
        %add3A_1550 = arith.addi %mul3A_6, %mul3A_1549 : i32
        %add3A_1551 = arith.constant 12 : i32
        %add3A_1552 = arith.addi %add3A_1550, %add3A_1551 : i32
        %mul3A_1553 = arith.constant 16 : i32
        %mul3A_1554 = arith.muli %sub3A_1487, %mul3A_1553 : i32
        %add3A_1555 = arith.addi %mul3A_6, %mul3A_1554 : i32
        %add3A_1556 = arith.constant 13 : i32
        %add3A_1557 = arith.addi %add3A_1555, %add3A_1556 : i32
        %mul3A_1558 = arith.constant 16 : i32
        %mul3A_1559 = arith.muli %sub3A_1487, %mul3A_1558 : i32
        %add3A_1560 = arith.addi %mul3A_6, %mul3A_1559 : i32
        %add3A_1561 = arith.constant 14 : i32
        %add3A_1562 = arith.addi %add3A_1560, %add3A_1561 : i32
        %mul3A_1563 = arith.constant 16 : i32
        %mul3A_1564 = arith.muli %sub3A_1487, %mul3A_1563 : i32
        %add3A_1565 = arith.addi %mul3A_6, %mul3A_1564 : i32
        %add3A_1566 = arith.constant 15 : i32
        %add3A_1567 = arith.addi %add3A_1565, %add3A_1566 : i32
        %dma_wait3A_1568 = arith.constant 1 : i32
        %dma_wait3A_1569 = arith.constant 0 : i32
        %dma_wait3A_1570 = arith.constant 0 : i32
        %dma_wait3A_1571 = tpu.memref_slice %arg6[%dma_wait3A_1568, %dma_wait3A_1569, %dma_wait3A_1570] : memref<2x800x64xf32, #tpu.memory_space<vmem>> -> memref<1x50x64xf32, #tpu.memory_space<vmem>>
        %dma_wait3A_1572 = tpu.memref_squeeze %dma_wait3A_1571 : memref<1x50x64xf32, #tpu.memory_space<vmem>> -> memref<50x64xf32, #tpu.memory_space<vmem>>
        %dma_wait3A_1573 = arith.constant 0 : i32
        %dma_wait3A_1574 = arith.constant 0 : i32
        %dma_wait3A_1575 = tpu.memref_slice %arg4[%add3A_1492, %dma_wait3A_1573, %dma_wait3A_1574] : memref<16384x56x128xf32, #tpu.memory_space<hbm>> -> memref<1x50x64xf32, #tpu.memory_space<hbm>>
        %dma_wait3A_1576 = tpu.memref_squeeze %dma_wait3A_1575 : memref<1x50x64xf32, #tpu.memory_space<hbm>> -> memref<50x64xf32, #tpu.memory_space<hbm>>
        %dma_wait3A_1577 = arith.constant 0 : i32
        %dma_wait3A_1578 = arith.constant 0 : i32
        %dma_wait3A_1579 = tpu.memref_slice %arg4[%add3A_1492, %dma_wait3A_1577, %dma_wait3A_1578] : memref<16384x56x128xf32, #tpu.memory_space<hbm>> -> memref<1x50x64xf32, #tpu.memory_space<hbm>>
        %dma_wait3A_1580 = tpu.memref_squeeze %dma_wait3A_1579 : memref<1x50x64xf32, #tpu.memory_space<hbm>> -> memref<50x64xf32, #tpu.memory_space<hbm>>
        %dma_wait3A_1581 = arith.constant 0 : i32
        %dma_wait3A_1582 = arith.constant 0 : i32
        %dma_wait3A_1583 = tpu.memref_slice %arg6[%dma_wait3A_1568, %dma_wait3A_1581, %dma_wait3A_1582] : memref<2x800x64xf32, #tpu.memory_space<vmem>> -> memref<1x50x64xf32, #tpu.memory_space<vmem>>
        %dma_wait3A_1584 = tpu.memref_squeeze %dma_wait3A_1583 : memref<1x50x64xf32, #tpu.memory_space<vmem>> -> memref<50x64xf32, #tpu.memory_space<vmem>>
        tpu.wait_dma2 semaphore(%arg9 : memref<!tpu.dma_semaphore, #tpu.memory_space<semaphore_mem>>) src(%dma_wait3A_1584 : memref<50x64xf32, #tpu.memory_space<vmem>>) dst(%dma_wait3A_1580 : memref<50x64xf32, #tpu.memory_space<hbm>>)
        %dma_wait3A_1585 = arith.constant 1 : i32
        %dma_wait3A_1586 = arith.constant 50 : i32
        %dma_wait3A_1587 = arith.constant 0 : i32
        %dma_wait3A_1588 = tpu.memref_slice %arg6[%dma_wait3A_1585, %dma_wait3A_1586, %dma_wait3A_1587] : memref<2x800x64xf32, #tpu.memory_space<vmem>> -> memref<1x50x64xf32, #tpu.memory_space<vmem>>
        %dma_wait3A_1589 = tpu.memref_squeeze %dma_wait3A_1588 : memref<1x50x64xf32, #tpu.memory_space<vmem>> -> memref<50x64xf32, #tpu.memory_space<vmem>>
        %dma_wait3A_1590 = arith.constant 0 : i32
        %dma_wait3A_1591 = arith.constant 0 : i32
        %dma_wait3A_1592 = tpu.memref_slice %arg4[%add3A_1497, %dma_wait3A_1590, %dma_wait3A_1591] : memref<16384x56x128xf32, #tpu.memory_space<hbm>> -> memref<1x50x64xf32, #tpu.memory_space<hbm>>
        %dma_wait3A_1593 = tpu.memref_squeeze %dma_wait3A_1592 : memref<1x50x64xf32, #tpu.memory_space<hbm>> -> memref<50x64xf32, #tpu.memory_space<hbm>>
        %dma_wait3A_1594 = arith.constant 0 : i32
        %dma_wait3A_1595 = arith.constant 0 : i32
        %dma_wait3A_1596 = tpu.memref_slice %arg4[%add3A_1497, %dma_wait3A_1594, %dma_wait3A_1595] : memref<16384x56x128xf32, #tpu.memory_space<hbm>> -> memref<1x50x64xf32, #tpu.memory_space<hbm>>
        %dma_wait3A_1597 = tpu.memref_squeeze %dma_wait3A_1596 : memref<1x50x64xf32, #tpu.memory_space<hbm>> -> memref<50x64xf32, #tpu.memory_space<hbm>>
        %dma_wait3A_1598 = arith.constant 50 : i32
        %dma_wait3A_1599 = arith.constant 0 : i32
        %dma_wait3A_1600 = tpu.memref_slice %arg6[%dma_wait3A_1585, %dma_wait3A_1598, %dma_wait3A_1599] : memref<2x800x64xf32, #tpu.memory_space<vmem>> -> memref<1x50x64xf32, #tpu.memory_space<vmem>>
        %dma_wait3A_1601 = tpu.memref_squeeze %dma_wait3A_1600 : memref<1x50x64xf32, #tpu.memory_space<vmem>> -> memref<50x64xf32, #tpu.memory_space<vmem>>
        tpu.wait_dma2 semaphore(%arg9 : memref<!tpu.dma_semaphore, #tpu.memory_space<semaphore_mem>>) src(%dma_wait3A_1601 : memref<50x64xf32, #tpu.memory_space<vmem>>) dst(%dma_wait3A_1597 : memref<50x64xf32, #tpu.memory_space<hbm>>)
        %dma_wait3A_1602 = arith.constant 1 : i32
        %dma_wait3A_1603 = arith.constant 100 : i32
        %dma_wait3A_1604 = arith.constant 0 : i32
        %dma_wait3A_1605 = tpu.memref_slice %arg6[%dma_wait3A_1602, %dma_wait3A_1603, %dma_wait3A_1604] : memref<2x800x64xf32, #tpu.memory_space<vmem>> -> memref<1x50x64xf32, #tpu.memory_space<vmem>>
        %dma_wait3A_1606 = tpu.memref_squeeze %dma_wait3A_1605 : memref<1x50x64xf32, #tpu.memory_space<vmem>> -> memref<50x64xf32, #tpu.memory_space<vmem>>
        %dma_wait3A_1607 = arith.constant 0 : i32
        %dma_wait3A_1608 = arith.constant 0 : i32
        %dma_wait3A_1609 = tpu.memref_slice %arg4[%add3A_1502, %dma_wait3A_1607, %dma_wait3A_1608] : memref<16384x56x128xf32, #tpu.memory_space<hbm>> -> memref<1x50x64xf32, #tpu.memory_space<hbm>>
        %dma_wait3A_1610 = tpu.memref_squeeze %dma_wait3A_1609 : memref<1x50x64xf32, #tpu.memory_space<hbm>> -> memref<50x64xf32, #tpu.memory_space<hbm>>
        %dma_wait3A_1611 = arith.constant 0 : i32
        %dma_wait3A_1612 = arith.constant 0 : i32
        %dma_wait3A_1613 = tpu.memref_slice %arg4[%add3A_1502, %dma_wait3A_1611, %dma_wait3A_1612] : memref<16384x56x128xf32, #tpu.memory_space<hbm>> -> memref<1x50x64xf32, #tpu.memory_space<hbm>>
        %dma_wait3A_1614 = tpu.memref_squeeze %dma_wait3A_1613 : memref<1x50x64xf32, #tpu.memory_space<hbm>> -> memref<50x64xf32, #tpu.memory_space<hbm>>
        %dma_wait3A_1615 = arith.constant 100 : i32
        %dma_wait3A_1616 = arith.constant 0 : i32
        %dma_wait3A_1617 = tpu.memref_slice %arg6[%dma_wait3A_1602, %dma_wait3A_1615, %dma_wait3A_1616] : memref<2x800x64xf32, #tpu.memory_space<vmem>> -> memref<1x50x64xf32, #tpu.memory_space<vmem>>
        %dma_wait3A_1618 = tpu.memref_squeeze %dma_wait3A_1617 : memref<1x50x64xf32, #tpu.memory_space<vmem>> -> memref<50x64xf32, #tpu.memory_space<vmem>>
        tpu.wait_dma2 semaphore(%arg9 : memref<!tpu.dma_semaphore, #tpu.memory_space<semaphore_mem>>) src(%dma_wait3A_1618 : memref<50x64xf32, #tpu.memory_space<vmem>>) dst(%dma_wait3A_1614 : memref<50x64xf32, #tpu.memory_space<hbm>>)
        %dma_wait3A_1619 = arith.constant 1 : i32
        %dma_wait3A_1620 = arith.constant 150 : i32
        %dma_wait3A_1621 = arith.constant 0 : i32
        %dma_wait3A_1622 = tpu.memref_slice %arg6[%dma_wait3A_1619, %dma_wait3A_1620, %dma_wait3A_1621] : memref<2x800x64xf32, #tpu.memory_space<vmem>> -> memref<1x50x64xf32, #tpu.memory_space<vmem>>
        %dma_wait3A_1623 = tpu.memref_squeeze %dma_wait3A_1622 : memref<1x50x64xf32, #tpu.memory_space<vmem>> -> memref<50x64xf32, #tpu.memory_space<vmem>>
        %dma_wait3A_1624 = arith.constant 0 : i32
        %dma_wait3A_1625 = arith.constant 0 : i32
        %dma_wait3A_1626 = tpu.memref_slice %arg4[%add3A_1507, %dma_wait3A_1624, %dma_wait3A_1625] : memref<16384x56x128xf32, #tpu.memory_space<hbm>> -> memref<1x50x64xf32, #tpu.memory_space<hbm>>
        %dma_wait3A_1627 = tpu.memref_squeeze %dma_wait3A_1626 : memref<1x50x64xf32, #tpu.memory_space<hbm>> -> memref<50x64xf32, #tpu.memory_space<hbm>>
        %dma_wait3A_1628 = arith.constant 0 : i32
        %dma_wait3A_1629 = arith.constant 0 : i32
        %dma_wait3A_1630 = tpu.memref_slice %arg4[%add3A_1507, %dma_wait3A_1628, %dma_wait3A_1629] : memref<16384x56x128xf32, #tpu.memory_space<hbm>> -> memref<1x50x64xf32, #tpu.memory_space<hbm>>
        %dma_wait3A_1631 = tpu.memref_squeeze %dma_wait3A_1630 : memref<1x50x64xf32, #tpu.memory_space<hbm>> -> memref<50x64xf32, #tpu.memory_space<hbm>>
        %dma_wait3A_1632 = arith.constant 150 : i32
        %dma_wait3A_1633 = arith.constant 0 : i32
        %dma_wait3A_1634 = tpu.memref_slice %arg6[%dma_wait3A_1619, %dma_wait3A_1632, %dma_wait3A_1633] : memref<2x800x64xf32, #tpu.memory_space<vmem>> -> memref<1x50x64xf32, #tpu.memory_space<vmem>>
        %dma_wait3A_1635 = tpu.memref_squeeze %dma_wait3A_1634 : memref<1x50x64xf32, #tpu.memory_space<vmem>> -> memref<50x64xf32, #tpu.memory_space<vmem>>
        tpu.wait_dma2 semaphore(%arg9 : memref<!tpu.dma_semaphore, #tpu.memory_space<semaphore_mem>>) src(%dma_wait3A_1635 : memref<50x64xf32, #tpu.memory_space<vmem>>) dst(%dma_wait3A_1631 : memref<50x64xf32, #tpu.memory_space<hbm>>)
        %dma_wait3A_1636 = arith.constant 1 : i32
        %dma_wait3A_1637 = arith.constant 200 : i32
        %dma_wait3A_1638 = arith.constant 0 : i32
        %dma_wait3A_1639 = tpu.memref_slice %arg6[%dma_wait3A_1636, %dma_wait3A_1637, %dma_wait3A_1638] : memref<2x800x64xf32, #tpu.memory_space<vmem>> -> memref<1x50x64xf32, #tpu.memory_space<vmem>>
        %dma_wait3A_1640 = tpu.memref_squeeze %dma_wait3A_1639 : memref<1x50x64xf32, #tpu.memory_space<vmem>> -> memref<50x64xf32, #tpu.memory_space<vmem>>
        %dma_wait3A_1641 = arith.constant 0 : i32
        %dma_wait3A_1642 = arith.constant 0 : i32
        %dma_wait3A_1643 = tpu.memref_slice %arg4[%add3A_1512, %dma_wait3A_1641, %dma_wait3A_1642] : memref<16384x56x128xf32, #tpu.memory_space<hbm>> -> memref<1x50x64xf32, #tpu.memory_space<hbm>>
        %dma_wait3A_1644 = tpu.memref_squeeze %dma_wait3A_1643 : memref<1x50x64xf32, #tpu.memory_space<hbm>> -> memref<50x64xf32, #tpu.memory_space<hbm>>
        %dma_wait3A_1645 = arith.constant 0 : i32
        %dma_wait3A_1646 = arith.constant 0 : i32
        %dma_wait3A_1647 = tpu.memref_slice %arg4[%add3A_1512, %dma_wait3A_1645, %dma_wait3A_1646] : memref<16384x56x128xf32, #tpu.memory_space<hbm>> -> memref<1x50x64xf32, #tpu.memory_space<hbm>>
        %dma_wait3A_1648 = tpu.memref_squeeze %dma_wait3A_1647 : memref<1x50x64xf32, #tpu.memory_space<hbm>> -> memref<50x64xf32, #tpu.memory_space<hbm>>
        %dma_wait3A_1649 = arith.constant 200 : i32
        %dma_wait3A_1650 = arith.constant 0 : i32
        %dma_wait3A_1651 = tpu.memref_slice %arg6[%dma_wait3A_1636, %dma_wait3A_1649, %dma_wait3A_1650] : memref<2x800x64xf32, #tpu.memory_space<vmem>> -> memref<1x50x64xf32, #tpu.memory_space<vmem>>
        %dma_wait3A_1652 = tpu.memref_squeeze %dma_wait3A_1651 : memref<1x50x64xf32, #tpu.memory_space<vmem>> -> memref<50x64xf32, #tpu.memory_space<vmem>>
        tpu.wait_dma2 semaphore(%arg9 : memref<!tpu.dma_semaphore, #tpu.memory_space<semaphore_mem>>) src(%dma_wait3A_1652 : memref<50x64xf32, #tpu.memory_space<vmem>>) dst(%dma_wait3A_1648 : memref<50x64xf32, #tpu.memory_space<hbm>>)
        %dma_wait3A_1653 = arith.constant 1 : i32
        %dma_wait3A_1654 = arith.constant 250 : i32
        %dma_wait3A_1655 = arith.constant 0 : i32
        %dma_wait3A_1656 = tpu.memref_slice %arg6[%dma_wait3A_1653, %dma_wait3A_1654, %dma_wait3A_1655] : memref<2x800x64xf32, #tpu.memory_space<vmem>> -> memref<1x50x64xf32, #tpu.memory_space<vmem>>
        %dma_wait3A_1657 = tpu.memref_squeeze %dma_wait3A_1656 : memref<1x50x64xf32, #tpu.memory_space<vmem>> -> memref<50x64xf32, #tpu.memory_space<vmem>>
        %dma_wait3A_1658 = arith.constant 0 : i32
        %dma_wait3A_1659 = arith.constant 0 : i32
        %dma_wait3A_1660 = tpu.memref_slice %arg4[%add3A_1517, %dma_wait3A_1658, %dma_wait3A_1659] : memref<16384x56x128xf32, #tpu.memory_space<hbm>> -> memref<1x50x64xf32, #tpu.memory_space<hbm>>
        %dma_wait3A_1661 = tpu.memref_squeeze %dma_wait3A_1660 : memref<1x50x64xf32, #tpu.memory_space<hbm>> -> memref<50x64xf32, #tpu.memory_space<hbm>>
        %dma_wait3A_1662 = arith.constant 0 : i32
        %dma_wait3A_1663 = arith.constant 0 : i32
        %dma_wait3A_1664 = tpu.memref_slice %arg4[%add3A_1517, %dma_wait3A_1662, %dma_wait3A_1663] : memref<16384x56x128xf32, #tpu.memory_space<hbm>> -> memref<1x50x64xf32, #tpu.memory_space<hbm>>
        %dma_wait3A_1665 = tpu.memref_squeeze %dma_wait3A_1664 : memref<1x50x64xf32, #tpu.memory_space<hbm>> -> memref<50x64xf32, #tpu.memory_space<hbm>>
        %dma_wait3A_1666 = arith.constant 250 : i32
        %dma_wait3A_1667 = arith.constant 0 : i32
        %dma_wait3A_1668 = tpu.memref_slice %arg6[%dma_wait3A_1653, %dma_wait3A_1666, %dma_wait3A_1667] : memref<2x800x64xf32, #tpu.memory_space<vmem>> -> memref<1x50x64xf32, #tpu.memory_space<vmem>>
        %dma_wait3A_1669 = tpu.memref_squeeze %dma_wait3A_1668 : memref<1x50x64xf32, #tpu.memory_space<vmem>> -> memref<50x64xf32, #tpu.memory_space<vmem>>
        tpu.wait_dma2 semaphore(%arg9 : memref<!tpu.dma_semaphore, #tpu.memory_space<semaphore_mem>>) src(%dma_wait3A_1669 : memref<50x64xf32, #tpu.memory_space<vmem>>) dst(%dma_wait3A_1665 : memref<50x64xf32, #tpu.memory_space<hbm>>)
        %dma_wait3A_1670 = arith.constant 1 : i32
        %dma_wait3A_1671 = arith.constant 300 : i32
        %dma_wait3A_1672 = arith.constant 0 : i32
        %dma_wait3A_1673 = tpu.memref_slice %arg6[%dma_wait3A_1670, %dma_wait3A_1671, %dma_wait3A_1672] : memref<2x800x64xf32, #tpu.memory_space<vmem>> -> memref<1x50x64xf32, #tpu.memory_space<vmem>>
        %dma_wait3A_1674 = tpu.memref_squeeze %dma_wait3A_1673 : memref<1x50x64xf32, #tpu.memory_space<vmem>> -> memref<50x64xf32, #tpu.memory_space<vmem>>
        %dma_wait3A_1675 = arith.constant 0 : i32
        %dma_wait3A_1676 = arith.constant 0 : i32
        %dma_wait3A_1677 = tpu.memref_slice %arg4[%add3A_1522, %dma_wait3A_1675, %dma_wait3A_1676] : memref<16384x56x128xf32, #tpu.memory_space<hbm>> -> memref<1x50x64xf32, #tpu.memory_space<hbm>>
        %dma_wait3A_1678 = tpu.memref_squeeze %dma_wait3A_1677 : memref<1x50x64xf32, #tpu.memory_space<hbm>> -> memref<50x64xf32, #tpu.memory_space<hbm>>
        %dma_wait3A_1679 = arith.constant 0 : i32
        %dma_wait3A_1680 = arith.constant 0 : i32
        %dma_wait3A_1681 = tpu.memref_slice %arg4[%add3A_1522, %dma_wait3A_1679, %dma_wait3A_1680] : memref<16384x56x128xf32, #tpu.memory_space<hbm>> -> memref<1x50x64xf32, #tpu.memory_space<hbm>>
        %dma_wait3A_1682 = tpu.memref_squeeze %dma_wait3A_1681 : memref<1x50x64xf32, #tpu.memory_space<hbm>> -> memref<50x64xf32, #tpu.memory_space<hbm>>
        %dma_wait3A_1683 = arith.constant 300 : i32
        %dma_wait3A_1684 = arith.constant 0 : i32
        %dma_wait3A_1685 = tpu.memref_slice %arg6[%dma_wait3A_1670, %dma_wait3A_1683, %dma_wait3A_1684] : memref<2x800x64xf32, #tpu.memory_space<vmem>> -> memref<1x50x64xf32, #tpu.memory_space<vmem>>
        %dma_wait3A_1686 = tpu.memref_squeeze %dma_wait3A_1685 : memref<1x50x64xf32, #tpu.memory_space<vmem>> -> memref<50x64xf32, #tpu.memory_space<vmem>>
        tpu.wait_dma2 semaphore(%arg9 : memref<!tpu.dma_semaphore, #tpu.memory_space<semaphore_mem>>) src(%dma_wait3A_1686 : memref<50x64xf32, #tpu.memory_space<vmem>>) dst(%dma_wait3A_1682 : memref<50x64xf32, #tpu.memory_space<hbm>>)
        %dma_wait3A_1687 = arith.constant 1 : i32
        %dma_wait3A_1688 = arith.constant 350 : i32
        %dma_wait3A_1689 = arith.constant 0 : i32
        %dma_wait3A_1690 = tpu.memref_slice %arg6[%dma_wait3A_1687, %dma_wait3A_1688, %dma_wait3A_1689] : memref<2x800x64xf32, #tpu.memory_space<vmem>> -> memref<1x50x64xf32, #tpu.memory_space<vmem>>
        %dma_wait3A_1691 = tpu.memref_squeeze %dma_wait3A_1690 : memref<1x50x64xf32, #tpu.memory_space<vmem>> -> memref<50x64xf32, #tpu.memory_space<vmem>>
        %dma_wait3A_1692 = arith.constant 0 : i32
        %dma_wait3A_1693 = arith.constant 0 : i32
        %dma_wait3A_1694 = tpu.memref_slice %arg4[%add3A_1527, %dma_wait3A_1692, %dma_wait3A_1693] : memref<16384x56x128xf32, #tpu.memory_space<hbm>> -> memref<1x50x64xf32, #tpu.memory_space<hbm>>
        %dma_wait3A_1695 = tpu.memref_squeeze %dma_wait3A_1694 : memref<1x50x64xf32, #tpu.memory_space<hbm>> -> memref<50x64xf32, #tpu.memory_space<hbm>>
        %dma_wait3A_1696 = arith.constant 0 : i32
        %dma_wait3A_1697 = arith.constant 0 : i32
        %dma_wait3A_1698 = tpu.memref_slice %arg4[%add3A_1527, %dma_wait3A_1696, %dma_wait3A_1697] : memref<16384x56x128xf32, #tpu.memory_space<hbm>> -> memref<1x50x64xf32, #tpu.memory_space<hbm>>
        %dma_wait3A_1699 = tpu.memref_squeeze %dma_wait3A_1698 : memref<1x50x64xf32, #tpu.memory_space<hbm>> -> memref<50x64xf32, #tpu.memory_space<hbm>>
        %dma_wait3A_1700 = arith.constant 350 : i32
        %dma_wait3A_1701 = arith.constant 0 : i32
        %dma_wait3A_1702 = tpu.memref_slice %arg6[%dma_wait3A_1687, %dma_wait3A_1700, %dma_wait3A_1701] : memref<2x800x64xf32, #tpu.memory_space<vmem>> -> memref<1x50x64xf32, #tpu.memory_space<vmem>>
        %dma_wait3A_1703 = tpu.memref_squeeze %dma_wait3A_1702 : memref<1x50x64xf32, #tpu.memory_space<vmem>> -> memref<50x64xf32, #tpu.memory_space<vmem>>
        tpu.wait_dma2 semaphore(%arg9 : memref<!tpu.dma_semaphore, #tpu.memory_space<semaphore_mem>>) src(%dma_wait3A_1703 : memref<50x64xf32, #tpu.memory_space<vmem>>) dst(%dma_wait3A_1699 : memref<50x64xf32, #tpu.memory_space<hbm>>)
        %dma_wait3A_1704 = arith.constant 1 : i32
        %dma_wait3A_1705 = arith.constant 400 : i32
        %dma_wait3A_1706 = arith.constant 0 : i32
        %dma_wait3A_1707 = tpu.memref_slice %arg6[%dma_wait3A_1704, %dma_wait3A_1705, %dma_wait3A_1706] : memref<2x800x64xf32, #tpu.memory_space<vmem>> -> memref<1x50x64xf32, #tpu.memory_space<vmem>>
        %dma_wait3A_1708 = tpu.memref_squeeze %dma_wait3A_1707 : memref<1x50x64xf32, #tpu.memory_space<vmem>> -> memref<50x64xf32, #tpu.memory_space<vmem>>
        %dma_wait3A_1709 = arith.constant 0 : i32
        %dma_wait3A_1710 = arith.constant 0 : i32
        %dma_wait3A_1711 = tpu.memref_slice %arg4[%add3A_1532, %dma_wait3A_1709, %dma_wait3A_1710] : memref<16384x56x128xf32, #tpu.memory_space<hbm>> -> memref<1x50x64xf32, #tpu.memory_space<hbm>>
        %dma_wait3A_1712 = tpu.memref_squeeze %dma_wait3A_1711 : memref<1x50x64xf32, #tpu.memory_space<hbm>> -> memref<50x64xf32, #tpu.memory_space<hbm>>
        %dma_wait3A_1713 = arith.constant 0 : i32
        %dma_wait3A_1714 = arith.constant 0 : i32
        %dma_wait3A_1715 = tpu.memref_slice %arg4[%add3A_1532, %dma_wait3A_1713, %dma_wait3A_1714] : memref<16384x56x128xf32, #tpu.memory_space<hbm>> -> memref<1x50x64xf32, #tpu.memory_space<hbm>>
        %dma_wait3A_1716 = tpu.memref_squeeze %dma_wait3A_1715 : memref<1x50x64xf32, #tpu.memory_space<hbm>> -> memref<50x64xf32, #tpu.memory_space<hbm>>
        %dma_wait3A_1717 = arith.constant 400 : i32
        %dma_wait3A_1718 = arith.constant 0 : i32
        %dma_wait3A_1719 = tpu.memref_slice %arg6[%dma_wait3A_1704, %dma_wait3A_1717, %dma_wait3A_1718] : memref<2x800x64xf32, #tpu.memory_space<vmem>> -> memref<1x50x64xf32, #tpu.memory_space<vmem>>
        %dma_wait3A_1720 = tpu.memref_squeeze %dma_wait3A_1719 : memref<1x50x64xf32, #tpu.memory_space<vmem>> -> memref<50x64xf32, #tpu.memory_space<vmem>>
        tpu.wait_dma2 semaphore(%arg9 : memref<!tpu.dma_semaphore, #tpu.memory_space<semaphore_mem>>) src(%dma_wait3A_1720 : memref<50x64xf32, #tpu.memory_space<vmem>>) dst(%dma_wait3A_1716 : memref<50x64xf32, #tpu.memory_space<hbm>>)
        %dma_wait3A_1721 = arith.constant 1 : i32
        %dma_wait3A_1722 = arith.constant 450 : i32
        %dma_wait3A_1723 = arith.constant 0 : i32
        %dma_wait3A_1724 = tpu.memref_slice %arg6[%dma_wait3A_1721, %dma_wait3A_1722, %dma_wait3A_1723] : memref<2x800x64xf32, #tpu.memory_space<vmem>> -> memref<1x50x64xf32, #tpu.memory_space<vmem>>
        %dma_wait3A_1725 = tpu.memref_squeeze %dma_wait3A_1724 : memref<1x50x64xf32, #tpu.memory_space<vmem>> -> memref<50x64xf32, #tpu.memory_space<vmem>>
        %dma_wait3A_1726 = arith.constant 0 : i32
        %dma_wait3A_1727 = arith.constant 0 : i32
        %dma_wait3A_1728 = tpu.memref_slice %arg4[%add3A_1537, %dma_wait3A_1726, %dma_wait3A_1727] : memref<16384x56x128xf32, #tpu.memory_space<hbm>> -> memref<1x50x64xf32, #tpu.memory_space<hbm>>
        %dma_wait3A_1729 = tpu.memref_squeeze %dma_wait3A_1728 : memref<1x50x64xf32, #tpu.memory_space<hbm>> -> memref<50x64xf32, #tpu.memory_space<hbm>>
        %dma_wait3A_1730 = arith.constant 0 : i32
        %dma_wait3A_1731 = arith.constant 0 : i32
        %dma_wait3A_1732 = tpu.memref_slice %arg4[%add3A_1537, %dma_wait3A_1730, %dma_wait3A_1731] : memref<16384x56x128xf32, #tpu.memory_space<hbm>> -> memref<1x50x64xf32, #tpu.memory_space<hbm>>
        %dma_wait3A_1733 = tpu.memref_squeeze %dma_wait3A_1732 : memref<1x50x64xf32, #tpu.memory_space<hbm>> -> memref<50x64xf32, #tpu.memory_space<hbm>>
        %dma_wait3A_1734 = arith.constant 450 : i32
        %dma_wait3A_1735 = arith.constant 0 : i32
        %dma_wait3A_1736 = tpu.memref_slice %arg6[%dma_wait3A_1721, %dma_wait3A_1734, %dma_wait3A_1735] : memref<2x800x64xf32, #tpu.memory_space<vmem>> -> memref<1x50x64xf32, #tpu.memory_space<vmem>>
        %dma_wait3A_1737 = tpu.memref_squeeze %dma_wait3A_1736 : memref<1x50x64xf32, #tpu.memory_space<vmem>> -> memref<50x64xf32, #tpu.memory_space<vmem>>
        tpu.wait_dma2 semaphore(%arg9 : memref<!tpu.dma_semaphore, #tpu.memory_space<semaphore_mem>>) src(%dma_wait3A_1737 : memref<50x64xf32, #tpu.memory_space<vmem>>) dst(%dma_wait3A_1733 : memref<50x64xf32, #tpu.memory_space<hbm>>)
        %dma_wait3A_1738 = arith.constant 1 : i32
        %dma_wait3A_1739 = arith.constant 500 : i32
        %dma_wait3A_1740 = arith.constant 0 : i32
        %dma_wait3A_1741 = tpu.memref_slice %arg6[%dma_wait3A_1738, %dma_wait3A_1739, %dma_wait3A_1740] : memref<2x800x64xf32, #tpu.memory_space<vmem>> -> memref<1x50x64xf32, #tpu.memory_space<vmem>>
        %dma_wait3A_1742 = tpu.memref_squeeze %dma_wait3A_1741 : memref<1x50x64xf32, #tpu.memory_space<vmem>> -> memref<50x64xf32, #tpu.memory_space<vmem>>
        %dma_wait3A_1743 = arith.constant 0 : i32
        %dma_wait3A_1744 = arith.constant 0 : i32
        %dma_wait3A_1745 = tpu.memref_slice %arg4[%add3A_1542, %dma_wait3A_1743, %dma_wait3A_1744] : memref<16384x56x128xf32, #tpu.memory_space<hbm>> -> memref<1x50x64xf32, #tpu.memory_space<hbm>>
        %dma_wait3A_1746 = tpu.memref_squeeze %dma_wait3A_1745 : memref<1x50x64xf32, #tpu.memory_space<hbm>> -> memref<50x64xf32, #tpu.memory_space<hbm>>
        %dma_wait3A_1747 = arith.constant 0 : i32
        %dma_wait3A_1748 = arith.constant 0 : i32
        %dma_wait3A_1749 = tpu.memref_slice %arg4[%add3A_1542, %dma_wait3A_1747, %dma_wait3A_1748] : memref<16384x56x128xf32, #tpu.memory_space<hbm>> -> memref<1x50x64xf32, #tpu.memory_space<hbm>>
        %dma_wait3A_1750 = tpu.memref_squeeze %dma_wait3A_1749 : memref<1x50x64xf32, #tpu.memory_space<hbm>> -> memref<50x64xf32, #tpu.memory_space<hbm>>
        %dma_wait3A_1751 = arith.constant 500 : i32
        %dma_wait3A_1752 = arith.constant 0 : i32
        %dma_wait3A_1753 = tpu.memref_slice %arg6[%dma_wait3A_1738, %dma_wait3A_1751, %dma_wait3A_1752] : memref<2x800x64xf32, #tpu.memory_space<vmem>> -> memref<1x50x64xf32, #tpu.memory_space<vmem>>
        %dma_wait3A_1754 = tpu.memref_squeeze %dma_wait3A_1753 : memref<1x50x64xf32, #tpu.memory_space<vmem>> -> memref<50x64xf32, #tpu.memory_space<vmem>>
        tpu.wait_dma2 semaphore(%arg9 : memref<!tpu.dma_semaphore, #tpu.memory_space<semaphore_mem>>) src(%dma_wait3A_1754 : memref<50x64xf32, #tpu.memory_space<vmem>>) dst(%dma_wait3A_1750 : memref<50x64xf32, #tpu.memory_space<hbm>>)
        %dma_wait3A_1755 = arith.constant 1 : i32
        %dma_wait3A_1756 = arith.constant 550 : i32
        %dma_wait3A_1757 = arith.constant 0 : i32
        %dma_wait3A_1758 = tpu.memref_slice %arg6[%dma_wait3A_1755, %dma_wait3A_1756, %dma_wait3A_1757] : memref<2x800x64xf32, #tpu.memory_space<vmem>> -> memref<1x50x64xf32, #tpu.memory_space<vmem>>
        %dma_wait3A_1759 = tpu.memref_squeeze %dma_wait3A_1758 : memref<1x50x64xf32, #tpu.memory_space<vmem>> -> memref<50x64xf32, #tpu.memory_space<vmem>>
        %dma_wait3A_1760 = arith.constant 0 : i32
        %dma_wait3A_1761 = arith.constant 0 : i32
        %dma_wait3A_1762 = tpu.memref_slice %arg4[%add3A_1547, %dma_wait3A_1760, %dma_wait3A_1761] : memref<16384x56x128xf32, #tpu.memory_space<hbm>> -> memref<1x50x64xf32, #tpu.memory_space<hbm>>
        %dma_wait3A_1763 = tpu.memref_squeeze %dma_wait3A_1762 : memref<1x50x64xf32, #tpu.memory_space<hbm>> -> memref<50x64xf32, #tpu.memory_space<hbm>>
        %dma_wait3A_1764 = arith.constant 0 : i32
        %dma_wait3A_1765 = arith.constant 0 : i32
        %dma_wait3A_1766 = tpu.memref_slice %arg4[%add3A_1547, %dma_wait3A_1764, %dma_wait3A_1765] : memref<16384x56x128xf32, #tpu.memory_space<hbm>> -> memref<1x50x64xf32, #tpu.memory_space<hbm>>
        %dma_wait3A_1767 = tpu.memref_squeeze %dma_wait3A_1766 : memref<1x50x64xf32, #tpu.memory_space<hbm>> -> memref<50x64xf32, #tpu.memory_space<hbm>>
        %dma_wait3A_1768 = arith.constant 550 : i32
        %dma_wait3A_1769 = arith.constant 0 : i32
        %dma_wait3A_1770 = tpu.memref_slice %arg6[%dma_wait3A_1755, %dma_wait3A_1768, %dma_wait3A_1769] : memref<2x800x64xf32, #tpu.memory_space<vmem>> -> memref<1x50x64xf32, #tpu.memory_space<vmem>>
        %dma_wait3A_1771 = tpu.memref_squeeze %dma_wait3A_1770 : memref<1x50x64xf32, #tpu.memory_space<vmem>> -> memref<50x64xf32, #tpu.memory_space<vmem>>
        tpu.wait_dma2 semaphore(%arg9 : memref<!tpu.dma_semaphore, #tpu.memory_space<semaphore_mem>>) src(%dma_wait3A_1771 : memref<50x64xf32, #tpu.memory_space<vmem>>) dst(%dma_wait3A_1767 : memref<50x64xf32, #tpu.memory_space<hbm>>)
        %dma_wait3A_1772 = arith.constant 1 : i32
        %dma_wait3A_1773 = arith.constant 600 : i32
        %dma_wait3A_1774 = arith.constant 0 : i32
        %dma_wait3A_1775 = tpu.memref_slice %arg6[%dma_wait3A_1772, %dma_wait3A_1773, %dma_wait3A_1774] : memref<2x800x64xf32, #tpu.memory_space<vmem>> -> memref<1x50x64xf32, #tpu.memory_space<vmem>>
        %dma_wait3A_1776 = tpu.memref_squeeze %dma_wait3A_1775 : memref<1x50x64xf32, #tpu.memory_space<vmem>> -> memref<50x64xf32, #tpu.memory_space<vmem>>
        %dma_wait3A_1777 = arith.constant 0 : i32
        %dma_wait3A_1778 = arith.constant 0 : i32
        %dma_wait3A_1779 = tpu.memref_slice %arg4[%add3A_1552, %dma_wait3A_1777, %dma_wait3A_1778] : memref<16384x56x128xf32, #tpu.memory_space<hbm>> -> memref<1x50x64xf32, #tpu.memory_space<hbm>>
        %dma_wait3A_1780 = tpu.memref_squeeze %dma_wait3A_1779 : memref<1x50x64xf32, #tpu.memory_space<hbm>> -> memref<50x64xf32, #tpu.memory_space<hbm>>
        %dma_wait3A_1781 = arith.constant 0 : i32
        %dma_wait3A_1782 = arith.constant 0 : i32
        %dma_wait3A_1783 = tpu.memref_slice %arg4[%add3A_1552, %dma_wait3A_1781, %dma_wait3A_1782] : memref<16384x56x128xf32, #tpu.memory_space<hbm>> -> memref<1x50x64xf32, #tpu.memory_space<hbm>>
        %dma_wait3A_1784 = tpu.memref_squeeze %dma_wait3A_1783 : memref<1x50x64xf32, #tpu.memory_space<hbm>> -> memref<50x64xf32, #tpu.memory_space<hbm>>
        %dma_wait3A_1785 = arith.constant 600 : i32
        %dma_wait3A_1786 = arith.constant 0 : i32
        %dma_wait3A_1787 = tpu.memref_slice %arg6[%dma_wait3A_1772, %dma_wait3A_1785, %dma_wait3A_1786] : memref<2x800x64xf32, #tpu.memory_space<vmem>> -> memref<1x50x64xf32, #tpu.memory_space<vmem>>
        %dma_wait3A_1788 = tpu.memref_squeeze %dma_wait3A_1787 : memref<1x50x64xf32, #tpu.memory_space<vmem>> -> memref<50x64xf32, #tpu.memory_space<vmem>>
        tpu.wait_dma2 semaphore(%arg9 : memref<!tpu.dma_semaphore, #tpu.memory_space<semaphore_mem>>) src(%dma_wait3A_1788 : memref<50x64xf32, #tpu.memory_space<vmem>>) dst(%dma_wait3A_1784 : memref<50x64xf32, #tpu.memory_space<hbm>>)
        %dma_wait3A_1789 = arith.constant 1 : i32
        %dma_wait3A_1790 = arith.constant 650 : i32
        %dma_wait3A_1791 = arith.constant 0 : i32
        %dma_wait3A_1792 = tpu.memref_slice %arg6[%dma_wait3A_1789, %dma_wait3A_1790, %dma_wait3A_1791] : memref<2x800x64xf32, #tpu.memory_space<vmem>> -> memref<1x50x64xf32, #tpu.memory_space<vmem>>
        %dma_wait3A_1793 = tpu.memref_squeeze %dma_wait3A_1792 : memref<1x50x64xf32, #tpu.memory_space<vmem>> -> memref<50x64xf32, #tpu.memory_space<vmem>>
        %dma_wait3A_1794 = arith.constant 0 : i32
        %dma_wait3A_1795 = arith.constant 0 : i32
        %dma_wait3A_1796 = tpu.memref_slice %arg4[%add3A_1557, %dma_wait3A_1794, %dma_wait3A_1795] : memref<16384x56x128xf32, #tpu.memory_space<hbm>> -> memref<1x50x64xf32, #tpu.memory_space<hbm>>
        %dma_wait3A_1797 = tpu.memref_squeeze %dma_wait3A_1796 : memref<1x50x64xf32, #tpu.memory_space<hbm>> -> memref<50x64xf32, #tpu.memory_space<hbm>>
        %dma_wait3A_1798 = arith.constant 0 : i32
        %dma_wait3A_1799 = arith.constant 0 : i32
        %dma_wait3A_1800 = tpu.memref_slice %arg4[%add3A_1557, %dma_wait3A_1798, %dma_wait3A_1799] : memref<16384x56x128xf32, #tpu.memory_space<hbm>> -> memref<1x50x64xf32, #tpu.memory_space<hbm>>
        %dma_wait3A_1801 = tpu.memref_squeeze %dma_wait3A_1800 : memref<1x50x64xf32, #tpu.memory_space<hbm>> -> memref<50x64xf32, #tpu.memory_space<hbm>>
        %dma_wait3A_1802 = arith.constant 650 : i32
        %dma_wait3A_1803 = arith.constant 0 : i32
        %dma_wait3A_1804 = tpu.memref_slice %arg6[%dma_wait3A_1789, %dma_wait3A_1802, %dma_wait3A_1803] : memref<2x800x64xf32, #tpu.memory_space<vmem>> -> memref<1x50x64xf32, #tpu.memory_space<vmem>>
        %dma_wait3A_1805 = tpu.memref_squeeze %dma_wait3A_1804 : memref<1x50x64xf32, #tpu.memory_space<vmem>> -> memref<50x64xf32, #tpu.memory_space<vmem>>
        tpu.wait_dma2 semaphore(%arg9 : memref<!tpu.dma_semaphore, #tpu.memory_space<semaphore_mem>>) src(%dma_wait3A_1805 : memref<50x64xf32, #tpu.memory_space<vmem>>) dst(%dma_wait3A_1801 : memref<50x64xf32, #tpu.memory_space<hbm>>)
        %dma_wait3A_1806 = arith.constant 1 : i32
        %dma_wait3A_1807 = arith.constant 700 : i32
        %dma_wait3A_1808 = arith.constant 0 : i32
        %dma_wait3A_1809 = tpu.memref_slice %arg6[%dma_wait3A_1806, %dma_wait3A_1807, %dma_wait3A_1808] : memref<2x800x64xf32, #tpu.memory_space<vmem>> -> memref<1x50x64xf32, #tpu.memory_space<vmem>>
        %dma_wait3A_1810 = tpu.memref_squeeze %dma_wait3A_1809 : memref<1x50x64xf32, #tpu.memory_space<vmem>> -> memref<50x64xf32, #tpu.memory_space<vmem>>
        %dma_wait3A_1811 = arith.constant 0 : i32
        %dma_wait3A_1812 = arith.constant 0 : i32
        %dma_wait3A_1813 = tpu.memref_slice %arg4[%add3A_1562, %dma_wait3A_1811, %dma_wait3A_1812] : memref<16384x56x128xf32, #tpu.memory_space<hbm>> -> memref<1x50x64xf32, #tpu.memory_space<hbm>>
        %dma_wait3A_1814 = tpu.memref_squeeze %dma_wait3A_1813 : memref<1x50x64xf32, #tpu.memory_space<hbm>> -> memref<50x64xf32, #tpu.memory_space<hbm>>
        %dma_wait3A_1815 = arith.constant 0 : i32
        %dma_wait3A_1816 = arith.constant 0 : i32
        %dma_wait3A_1817 = tpu.memref_slice %arg4[%add3A_1562, %dma_wait3A_1815, %dma_wait3A_1816] : memref<16384x56x128xf32, #tpu.memory_space<hbm>> -> memref<1x50x64xf32, #tpu.memory_space<hbm>>
        %dma_wait3A_1818 = tpu.memref_squeeze %dma_wait3A_1817 : memref<1x50x64xf32, #tpu.memory_space<hbm>> -> memref<50x64xf32, #tpu.memory_space<hbm>>
        %dma_wait3A_1819 = arith.constant 700 : i32
        %dma_wait3A_1820 = arith.constant 0 : i32
        %dma_wait3A_1821 = tpu.memref_slice %arg6[%dma_wait3A_1806, %dma_wait3A_1819, %dma_wait3A_1820] : memref<2x800x64xf32, #tpu.memory_space<vmem>> -> memref<1x50x64xf32, #tpu.memory_space<vmem>>
        %dma_wait3A_1822 = tpu.memref_squeeze %dma_wait3A_1821 : memref<1x50x64xf32, #tpu.memory_space<vmem>> -> memref<50x64xf32, #tpu.memory_space<vmem>>
        tpu.wait_dma2 semaphore(%arg9 : memref<!tpu.dma_semaphore, #tpu.memory_space<semaphore_mem>>) src(%dma_wait3A_1822 : memref<50x64xf32, #tpu.memory_space<vmem>>) dst(%dma_wait3A_1818 : memref<50x64xf32, #tpu.memory_space<hbm>>)
        %dma_wait3A_1823 = arith.constant 1 : i32
        %dma_wait3A_1824 = arith.constant 750 : i32
        %dma_wait3A_1825 = arith.constant 0 : i32
        %dma_wait3A_1826 = tpu.memref_slice %arg6[%dma_wait3A_1823, %dma_wait3A_1824, %dma_wait3A_1825] : memref<2x800x64xf32, #tpu.memory_space<vmem>> -> memref<1x50x64xf32, #tpu.memory_space<vmem>>
        %dma_wait3A_1827 = tpu.memref_squeeze %dma_wait3A_1826 : memref<1x50x64xf32, #tpu.memory_space<vmem>> -> memref<50x64xf32, #tpu.memory_space<vmem>>
        %dma_wait3A_1828 = arith.constant 0 : i32
        %dma_wait3A_1829 = arith.constant 0 : i32
        %dma_wait3A_1830 = tpu.memref_slice %arg4[%add3A_1567, %dma_wait3A_1828, %dma_wait3A_1829] : memref<16384x56x128xf32, #tpu.memory_space<hbm>> -> memref<1x50x64xf32, #tpu.memory_space<hbm>>
        %dma_wait3A_1831 = tpu.memref_squeeze %dma_wait3A_1830 : memref<1x50x64xf32, #tpu.memory_space<hbm>> -> memref<50x64xf32, #tpu.memory_space<hbm>>
        %dma_wait3A_1832 = arith.constant 0 : i32
        %dma_wait3A_1833 = arith.constant 0 : i32
        %dma_wait3A_1834 = tpu.memref_slice %arg4[%add3A_1567, %dma_wait3A_1832, %dma_wait3A_1833] : memref<16384x56x128xf32, #tpu.memory_space<hbm>> -> memref<1x50x64xf32, #tpu.memory_space<hbm>>
        %dma_wait3A_1835 = tpu.memref_squeeze %dma_wait3A_1834 : memref<1x50x64xf32, #tpu.memory_space<hbm>> -> memref<50x64xf32, #tpu.memory_space<hbm>>
        %dma_wait3A_1836 = arith.constant 750 : i32
        %dma_wait3A_1837 = arith.constant 0 : i32
        %dma_wait3A_1838 = tpu.memref_slice %arg6[%dma_wait3A_1823, %dma_wait3A_1836, %dma_wait3A_1837] : memref<2x800x64xf32, #tpu.memory_space<vmem>> -> memref<1x50x64xf32, #tpu.memory_space<vmem>>
        %dma_wait3A_1839 = tpu.memref_squeeze %dma_wait3A_1838 : memref<1x50x64xf32, #tpu.memory_space<vmem>> -> memref<50x64xf32, #tpu.memory_space<vmem>>
        tpu.wait_dma2 semaphore(%arg9 : memref<!tpu.dma_semaphore, #tpu.memory_space<semaphore_mem>>) src(%dma_wait3A_1839 : memref<50x64xf32, #tpu.memory_space<vmem>>) dst(%dma_wait3A_1835 : memref<50x64xf32, #tpu.memory_space<hbm>>)
      } else {
      }
      %dma_start3A_1106 = arith.constant 1 : i32
      %dma_start3A_1107 = arith.constant 1 : i32
      %dma_start3A_1108 = arith.constant 0 : i32
      %dma_start3A_1109 = arith.constant 0 : i32
      %dma_start3A_1110 = tpu.memref_slice %arg6[%dma_start3A_1107, %dma_start3A_1108, %dma_start3A_1109] : memref<2x800x64xf32, #tpu.memory_space<vmem>> -> memref<1x800x64xf32, #tpu.memory_space<vmem>>
      %dma_start3A_1111 = tpu.memref_squeeze %dma_start3A_1110 : memref<1x800x64xf32, #tpu.memory_space<vmem>> -> memref<800x64xf32, #tpu.memory_space<vmem>>
      %dma_start3A_1112 = arith.constant 0 : i32
      %dma_start3A_1113 = tpu.memref_slice %arg5[%dma_start3A_1106, %dma_start3A_1112] : memref<2x800xi32, #tpu.memory_space<vmem>> -> memref<1x800xi32, #tpu.memory_space<vmem>>
      %dma_start3A_1114 = tpu.memref_squeeze %dma_start3A_1113 : memref<1x800xi32, #tpu.memory_space<vmem>> -> memref<800xi32, #tpu.memory_space<vmem>>
      %dma_start3A_1115 = arith.constant 0 : i32
      %dma_start3A_1116 = arith.constant 0 : i32
      %dma_start3A_1117 = tpu.memref_slice %arg2[%dma_start3A_1115, %dma_start3A_1116] : memref<100000x64xf32, #tpu.memory_space<hbm>> -> memref<100000x64xf32, #tpu.memory_space<hbm>>
      tpu.enqueue_indirect_dma source(%dma_start3A_1117 : memref<100000x64xf32, #tpu.memory_space<hbm>>) target(%dma_start3A_1111 : memref<800x64xf32, #tpu.memory_space<vmem>>) offsets(%dma_start3A_1114 : memref<800xi32, #tpu.memory_space<vmem>>) semaphore(%arg8 : memref<!tpu.dma_semaphore, #tpu.memory_space<semaphore_mem>>)
      %dma_wait3A_1118 = arith.constant 1 : i32
      %dma_wait3A_1119 = arith.constant 1 : i32
      %dma_wait3A_1120 = arith.constant 0 : i32
      %dma_wait3A_1121 = arith.constant 0 : i32
      %dma_wait3A_1122 = tpu.memref_slice %arg6[%dma_wait3A_1119, %dma_wait3A_1120, %dma_wait3A_1121] : memref<2x800x64xf32, #tpu.memory_space<vmem>> -> memref<1x800x64xf32, #tpu.memory_space<vmem>>
      %dma_wait3A_1123 = tpu.memref_squeeze %dma_wait3A_1122 : memref<1x800x64xf32, #tpu.memory_space<vmem>> -> memref<800x64xf32, #tpu.memory_space<vmem>>
      %dma_wait3A_1124 = arith.constant 0 : i32
      %dma_wait3A_1125 = tpu.memref_slice %arg5[%dma_wait3A_1118, %dma_wait3A_1124] : memref<2x800xi32, #tpu.memory_space<vmem>> -> memref<1x800xi32, #tpu.memory_space<vmem>>
      %dma_wait3A_1126 = tpu.memref_squeeze %dma_wait3A_1125 : memref<1x800xi32, #tpu.memory_space<vmem>> -> memref<800xi32, #tpu.memory_space<vmem>>
      %dma_wait3A_1127 = arith.constant 0 : i32
      %dma_wait3A_1128 = arith.constant 0 : i32
      %dma_wait3A_1129 = tpu.memref_slice %arg2[%dma_wait3A_1127, %dma_wait3A_1128] : memref<100000x64xf32, #tpu.memory_space<hbm>> -> memref<100000x64xf32, #tpu.memory_space<hbm>>
      tpu.wait_indirect_dma semaphore(%arg8 : memref<!tpu.dma_semaphore, #tpu.memory_space<semaphore_mem>>) src(%dma_wait3A_1129 : memref<100000x64xf32, #tpu.memory_space<hbm>>) dst(%dma_wait3A_1123 : memref<800x64xf32, #tpu.memory_space<vmem>>)
      %mul3A_1130 = arith.constant 16 : i32
      %mul3A_1131 = arith.muli %add3A_1096, %mul3A_1130 : i32
      %add3A_1132 = arith.addi %mul3A_6, %mul3A_1131 : i32
      %add3A_1133 = arith.constant 0 : i32
      %add3A_1134 = arith.addi %add3A_1132, %add3A_1133 : i32
      %mul3A_1135 = arith.constant 16 : i32
      %mul3A_1136 = arith.muli %add3A_1096, %mul3A_1135 : i32
      %add3A_1137 = arith.addi %mul3A_6, %mul3A_1136 : i32
      %add3A_1138 = arith.constant 1 : i32
      %add3A_1139 = arith.addi %add3A_1137, %add3A_1138 : i32
      %mul3A_1140 = arith.constant 16 : i32
      %mul3A_1141 = arith.muli %add3A_1096, %mul3A_1140 : i32
      %add3A_1142 = arith.addi %mul3A_6, %mul3A_1141 : i32
      %add3A_1143 = arith.constant 2 : i32
      %add3A_1144 = arith.addi %add3A_1142, %add3A_1143 : i32
      %mul3A_1145 = arith.constant 16 : i32
      %mul3A_1146 = arith.muli %add3A_1096, %mul3A_1145 : i32
      %add3A_1147 = arith.addi %mul3A_6, %mul3A_1146 : i32
      %add3A_1148 = arith.constant 3 : i32
      %add3A_1149 = arith.addi %add3A_1147, %add3A_1148 : i32
      %mul3A_1150 = arith.constant 16 : i32
      %mul3A_1151 = arith.muli %add3A_1096, %mul3A_1150 : i32
      %add3A_1152 = arith.addi %mul3A_6, %mul3A_1151 : i32
      %add3A_1153 = arith.constant 4 : i32
      %add3A_1154 = arith.addi %add3A_1152, %add3A_1153 : i32
      %mul3A_1155 = arith.constant 16 : i32
      %mul3A_1156 = arith.muli %add3A_1096, %mul3A_1155 : i32
      %add3A_1157 = arith.addi %mul3A_6, %mul3A_1156 : i32
      %add3A_1158 = arith.constant 5 : i32
      %add3A_1159 = arith.addi %add3A_1157, %add3A_1158 : i32
      %mul3A_1160 = arith.constant 16 : i32
      %mul3A_1161 = arith.muli %add3A_1096, %mul3A_1160 : i32
      %add3A_1162 = arith.addi %mul3A_6, %mul3A_1161 : i32
      %add3A_1163 = arith.constant 6 : i32
      %add3A_1164 = arith.addi %add3A_1162, %add3A_1163 : i32
      %mul3A_1165 = arith.constant 16 : i32
      %mul3A_1166 = arith.muli %add3A_1096, %mul3A_1165 : i32
      %add3A_1167 = arith.addi %mul3A_6, %mul3A_1166 : i32
      %add3A_1168 = arith.constant 7 : i32
      %add3A_1169 = arith.addi %add3A_1167, %add3A_1168 : i32
      %mul3A_1170 = arith.constant 16 : i32
      %mul3A_1171 = arith.muli %add3A_1096, %mul3A_1170 : i32
      %add3A_1172 = arith.addi %mul3A_6, %mul3A_1171 : i32
      %add3A_1173 = arith.constant 8 : i32
      %add3A_1174 = arith.addi %add3A_1172, %add3A_1173 : i32
      %mul3A_1175 = arith.constant 16 : i32
      %mul3A_1176 = arith.muli %add3A_1096, %mul3A_1175 : i32
      %add3A_1177 = arith.addi %mul3A_6, %mul3A_1176 : i32
      %add3A_1178 = arith.constant 9 : i32
      %add3A_1179 = arith.addi %add3A_1177, %add3A_1178 : i32
      %mul3A_1180 = arith.constant 16 : i32
      %mul3A_1181 = arith.muli %add3A_1096, %mul3A_1180 : i32
      %add3A_1182 = arith.addi %mul3A_6, %mul3A_1181 : i32
      %add3A_1183 = arith.constant 10 : i32
      %add3A_1184 = arith.addi %add3A_1182, %add3A_1183 : i32
      %mul3A_1185 = arith.constant 16 : i32
      %mul3A_1186 = arith.muli %add3A_1096, %mul3A_1185 : i32
      %add3A_1187 = arith.addi %mul3A_6, %mul3A_1186 : i32
      %add3A_1188 = arith.constant 11 : i32
      %add3A_1189 = arith.addi %add3A_1187, %add3A_1188 : i32
      %mul3A_1190 = arith.constant 16 : i32
      %mul3A_1191 = arith.muli %add3A_1096, %mul3A_1190 : i32
      %add3A_1192 = arith.addi %mul3A_6, %mul3A_1191 : i32
      %add3A_1193 = arith.constant 12 : i32
      %add3A_1194 = arith.addi %add3A_1192, %add3A_1193 : i32
      %mul3A_1195 = arith.constant 16 : i32
      %mul3A_1196 = arith.muli %add3A_1096, %mul3A_1195 : i32
      %add3A_1197 = arith.addi %mul3A_6, %mul3A_1196 : i32
      %add3A_1198 = arith.constant 13 : i32
      %add3A_1199 = arith.addi %add3A_1197, %add3A_1198 : i32
      %mul3A_1200 = arith.constant 16 : i32
      %mul3A_1201 = arith.muli %add3A_1096, %mul3A_1200 : i32
      %add3A_1202 = arith.addi %mul3A_6, %mul3A_1201 : i32
      %add3A_1203 = arith.constant 14 : i32
      %add3A_1204 = arith.addi %add3A_1202, %add3A_1203 : i32
      %mul3A_1205 = arith.constant 16 : i32
      %mul3A_1206 = arith.muli %add3A_1096, %mul3A_1205 : i32
      %add3A_1207 = arith.addi %mul3A_6, %mul3A_1206 : i32
      %add3A_1208 = arith.constant 15 : i32
      %add3A_1209 = arith.addi %add3A_1207, %add3A_1208 : i32
      %dma_start3A_1210 = arith.constant 1 : i32
      %dma_start3A_1211 = arith.constant 0 : i32
      %dma_start3A_1212 = arith.constant 0 : i32
      %dma_start3A_1213 = tpu.memref_slice %arg6[%dma_start3A_1210, %dma_start3A_1211, %dma_start3A_1212] : memref<2x800x64xf32, #tpu.memory_space<vmem>> -> memref<1x50x64xf32, #tpu.memory_space<vmem>>
      %dma_start3A_1214 = tpu.memref_squeeze %dma_start3A_1213 : memref<1x50x64xf32, #tpu.memory_space<vmem>> -> memref<50x64xf32, #tpu.memory_space<vmem>>
      %dma_start3A_1215 = arith.constant 0 : i32
      %dma_start3A_1216 = arith.constant 0 : i32
      %dma_start3A_1217 = tpu.memref_slice %arg4[%add3A_1134, %dma_start3A_1215, %dma_start3A_1216] : memref<16384x56x128xf32, #tpu.memory_space<hbm>> -> memref<1x50x64xf32, #tpu.memory_space<hbm>>
      %dma_start3A_1218 = tpu.memref_squeeze %dma_start3A_1217 : memref<1x50x64xf32, #tpu.memory_space<hbm>> -> memref<50x64xf32, #tpu.memory_space<hbm>>
      %dma_start3A_1219 = arith.constant 0 : i32
      %dma_start3A_1220 = arith.constant 0 : i32
      %dma_start3A_1221 = tpu.memref_slice %arg4[%add3A_1134, %dma_start3A_1219, %dma_start3A_1220] : memref<16384x56x128xf32, #tpu.memory_space<hbm>> -> memref<1x50x64xf32, #tpu.memory_space<hbm>>
      %dma_start3A_1222 = tpu.memref_squeeze %dma_start3A_1221 : memref<1x50x64xf32, #tpu.memory_space<hbm>> -> memref<50x64xf32, #tpu.memory_space<hbm>>
      %dma_start3A_1223 = arith.constant 0 : i32
      %dma_start3A_1224 = arith.constant 0 : i32
      %dma_start3A_1225 = tpu.memref_slice %arg6[%dma_start3A_1210, %dma_start3A_1223, %dma_start3A_1224] : memref<2x800x64xf32, #tpu.memory_space<vmem>> -> memref<1x50x64xf32, #tpu.memory_space<vmem>>
      %dma_start3A_1226 = tpu.memref_squeeze %dma_start3A_1225 : memref<1x50x64xf32, #tpu.memory_space<vmem>> -> memref<50x64xf32, #tpu.memory_space<vmem>>
      tpu.enqueue_dma source(%dma_start3A_1226 : memref<50x64xf32, #tpu.memory_space<vmem>>) target(%dma_start3A_1222 : memref<50x64xf32, #tpu.memory_space<hbm>>) target_semaphore(%arg9 : memref<!tpu.dma_semaphore, #tpu.memory_space<semaphore_mem>>)
      %dma_start3A_1227 = arith.constant 1 : i32
      %dma_start3A_1228 = arith.constant 50 : i32
      %dma_start3A_1229 = arith.constant 0 : i32
      %dma_start3A_1230 = tpu.memref_slice %arg6[%dma_start3A_1227, %dma_start3A_1228, %dma_start3A_1229] : memref<2x800x64xf32, #tpu.memory_space<vmem>> -> memref<1x50x64xf32, #tpu.memory_space<vmem>>
      %dma_start3A_1231 = tpu.memref_squeeze %dma_start3A_1230 : memref<1x50x64xf32, #tpu.memory_space<vmem>> -> memref<50x64xf32, #tpu.memory_space<vmem>>
      %dma_start3A_1232 = arith.constant 0 : i32
      %dma_start3A_1233 = arith.constant 0 : i32
      %dma_start3A_1234 = tpu.memref_slice %arg4[%add3A_1139, %dma_start3A_1232, %dma_start3A_1233] : memref<16384x56x128xf32, #tpu.memory_space<hbm>> -> memref<1x50x64xf32, #tpu.memory_space<hbm>>
      %dma_start3A_1235 = tpu.memref_squeeze %dma_start3A_1234 : memref<1x50x64xf32, #tpu.memory_space<hbm>> -> memref<50x64xf32, #tpu.memory_space<hbm>>
      %dma_start3A_1236 = arith.constant 0 : i32
      %dma_start3A_1237 = arith.constant 0 : i32
      %dma_start3A_1238 = tpu.memref_slice %arg4[%add3A_1139, %dma_start3A_1236, %dma_start3A_1237] : memref<16384x56x128xf32, #tpu.memory_space<hbm>> -> memref<1x50x64xf32, #tpu.memory_space<hbm>>
      %dma_start3A_1239 = tpu.memref_squeeze %dma_start3A_1238 : memref<1x50x64xf32, #tpu.memory_space<hbm>> -> memref<50x64xf32, #tpu.memory_space<hbm>>
      %dma_start3A_1240 = arith.constant 50 : i32
      %dma_start3A_1241 = arith.constant 0 : i32
      %dma_start3A_1242 = tpu.memref_slice %arg6[%dma_start3A_1227, %dma_start3A_1240, %dma_start3A_1241] : memref<2x800x64xf32, #tpu.memory_space<vmem>> -> memref<1x50x64xf32, #tpu.memory_space<vmem>>
      %dma_start3A_1243 = tpu.memref_squeeze %dma_start3A_1242 : memref<1x50x64xf32, #tpu.memory_space<vmem>> -> memref<50x64xf32, #tpu.memory_space<vmem>>
      tpu.enqueue_dma source(%dma_start3A_1243 : memref<50x64xf32, #tpu.memory_space<vmem>>) target(%dma_start3A_1239 : memref<50x64xf32, #tpu.memory_space<hbm>>) target_semaphore(%arg9 : memref<!tpu.dma_semaphore, #tpu.memory_space<semaphore_mem>>)
      %dma_start3A_1244 = arith.constant 1 : i32
      %dma_start3A_1245 = arith.constant 100 : i32
      %dma_start3A_1246 = arith.constant 0 : i32
      %dma_start3A_1247 = tpu.memref_slice %arg6[%dma_start3A_1244, %dma_start3A_1245, %dma_start3A_1246] : memref<2x800x64xf32, #tpu.memory_space<vmem>> -> memref<1x50x64xf32, #tpu.memory_space<vmem>>
      %dma_start3A_1248 = tpu.memref_squeeze %dma_start3A_1247 : memref<1x50x64xf32, #tpu.memory_space<vmem>> -> memref<50x64xf32, #tpu.memory_space<vmem>>
      %dma_start3A_1249 = arith.constant 0 : i32
      %dma_start3A_1250 = arith.constant 0 : i32
      %dma_start3A_1251 = tpu.memref_slice %arg4[%add3A_1144, %dma_start3A_1249, %dma_start3A_1250] : memref<16384x56x128xf32, #tpu.memory_space<hbm>> -> memref<1x50x64xf32, #tpu.memory_space<hbm>>
      %dma_start3A_1252 = tpu.memref_squeeze %dma_start3A_1251 : memref<1x50x64xf32, #tpu.memory_space<hbm>> -> memref<50x64xf32, #tpu.memory_space<hbm>>
      %dma_start3A_1253 = arith.constant 0 : i32
      %dma_start3A_1254 = arith.constant 0 : i32
      %dma_start3A_1255 = tpu.memref_slice %arg4[%add3A_1144, %dma_start3A_1253, %dma_start3A_1254] : memref<16384x56x128xf32, #tpu.memory_space<hbm>> -> memref<1x50x64xf32, #tpu.memory_space<hbm>>
      %dma_start3A_1256 = tpu.memref_squeeze %dma_start3A_1255 : memref<1x50x64xf32, #tpu.memory_space<hbm>> -> memref<50x64xf32, #tpu.memory_space<hbm>>
      %dma_start3A_1257 = arith.constant 100 : i32
      %dma_start3A_1258 = arith.constant 0 : i32
      %dma_start3A_1259 = tpu.memref_slice %arg6[%dma_start3A_1244, %dma_start3A_1257, %dma_start3A_1258] : memref<2x800x64xf32, #tpu.memory_space<vmem>> -> memref<1x50x64xf32, #tpu.memory_space<vmem>>
      %dma_start3A_1260 = tpu.memref_squeeze %dma_start3A_1259 : memref<1x50x64xf32, #tpu.memory_space<vmem>> -> memref<50x64xf32, #tpu.memory_space<vmem>>
      tpu.enqueue_dma source(%dma_start3A_1260 : memref<50x64xf32, #tpu.memory_space<vmem>>) target(%dma_start3A_1256 : memref<50x64xf32, #tpu.memory_space<hbm>>) target_semaphore(%arg9 : memref<!tpu.dma_semaphore, #tpu.memory_space<semaphore_mem>>)
      %dma_start3A_1261 = arith.constant 1 : i32
      %dma_start3A_1262 = arith.constant 150 : i32
      %dma_start3A_1263 = arith.constant 0 : i32
      %dma_start3A_1264 = tpu.memref_slice %arg6[%dma_start3A_1261, %dma_start3A_1262, %dma_start3A_1263] : memref<2x800x64xf32, #tpu.memory_space<vmem>> -> memref<1x50x64xf32, #tpu.memory_space<vmem>>
      %dma_start3A_1265 = tpu.memref_squeeze %dma_start3A_1264 : memref<1x50x64xf32, #tpu.memory_space<vmem>> -> memref<50x64xf32, #tpu.memory_space<vmem>>
      %dma_start3A_1266 = arith.constant 0 : i32
      %dma_start3A_1267 = arith.constant 0 : i32
      %dma_start3A_1268 = tpu.memref_slice %arg4[%add3A_1149, %dma_start3A_1266, %dma_start3A_1267] : memref<16384x56x128xf32, #tpu.memory_space<hbm>> -> memref<1x50x64xf32, #tpu.memory_space<hbm>>
      %dma_start3A_1269 = tpu.memref_squeeze %dma_start3A_1268 : memref<1x50x64xf32, #tpu.memory_space<hbm>> -> memref<50x64xf32, #tpu.memory_space<hbm>>
      %dma_start3A_1270 = arith.constant 0 : i32
      %dma_start3A_1271 = arith.constant 0 : i32
      %dma_start3A_1272 = tpu.memref_slice %arg4[%add3A_1149, %dma_start3A_1270, %dma_start3A_1271] : memref<16384x56x128xf32, #tpu.memory_space<hbm>> -> memref<1x50x64xf32, #tpu.memory_space<hbm>>
      %dma_start3A_1273 = tpu.memref_squeeze %dma_start3A_1272 : memref<1x50x64xf32, #tpu.memory_space<hbm>> -> memref<50x64xf32, #tpu.memory_space<hbm>>
      %dma_start3A_1274 = arith.constant 150 : i32
      %dma_start3A_1275 = arith.constant 0 : i32
      %dma_start3A_1276 = tpu.memref_slice %arg6[%dma_start3A_1261, %dma_start3A_1274, %dma_start3A_1275] : memref<2x800x64xf32, #tpu.memory_space<vmem>> -> memref<1x50x64xf32, #tpu.memory_space<vmem>>
      %dma_start3A_1277 = tpu.memref_squeeze %dma_start3A_1276 : memref<1x50x64xf32, #tpu.memory_space<vmem>> -> memref<50x64xf32, #tpu.memory_space<vmem>>
      tpu.enqueue_dma source(%dma_start3A_1277 : memref<50x64xf32, #tpu.memory_space<vmem>>) target(%dma_start3A_1273 : memref<50x64xf32, #tpu.memory_space<hbm>>) target_semaphore(%arg9 : memref<!tpu.dma_semaphore, #tpu.memory_space<semaphore_mem>>)
      %dma_start3A_1278 = arith.constant 1 : i32
      %dma_start3A_1279 = arith.constant 200 : i32
      %dma_start3A_1280 = arith.constant 0 : i32
      %dma_start3A_1281 = tpu.memref_slice %arg6[%dma_start3A_1278, %dma_start3A_1279, %dma_start3A_1280] : memref<2x800x64xf32, #tpu.memory_space<vmem>> -> memref<1x50x64xf32, #tpu.memory_space<vmem>>
      %dma_start3A_1282 = tpu.memref_squeeze %dma_start3A_1281 : memref<1x50x64xf32, #tpu.memory_space<vmem>> -> memref<50x64xf32, #tpu.memory_space<vmem>>
      %dma_start3A_1283 = arith.constant 0 : i32
      %dma_start3A_1284 = arith.constant 0 : i32
      %dma_start3A_1285 = tpu.memref_slice %arg4[%add3A_1154, %dma_start3A_1283, %dma_start3A_1284] : memref<16384x56x128xf32, #tpu.memory_space<hbm>> -> memref<1x50x64xf32, #tpu.memory_space<hbm>>
      %dma_start3A_1286 = tpu.memref_squeeze %dma_start3A_1285 : memref<1x50x64xf32, #tpu.memory_space<hbm>> -> memref<50x64xf32, #tpu.memory_space<hbm>>
      %dma_start3A_1287 = arith.constant 0 : i32
      %dma_start3A_1288 = arith.constant 0 : i32
      %dma_start3A_1289 = tpu.memref_slice %arg4[%add3A_1154, %dma_start3A_1287, %dma_start3A_1288] : memref<16384x56x128xf32, #tpu.memory_space<hbm>> -> memref<1x50x64xf32, #tpu.memory_space<hbm>>
      %dma_start3A_1290 = tpu.memref_squeeze %dma_start3A_1289 : memref<1x50x64xf32, #tpu.memory_space<hbm>> -> memref<50x64xf32, #tpu.memory_space<hbm>>
      %dma_start3A_1291 = arith.constant 200 : i32
      %dma_start3A_1292 = arith.constant 0 : i32
      %dma_start3A_1293 = tpu.memref_slice %arg6[%dma_start3A_1278, %dma_start3A_1291, %dma_start3A_1292] : memref<2x800x64xf32, #tpu.memory_space<vmem>> -> memref<1x50x64xf32, #tpu.memory_space<vmem>>
      %dma_start3A_1294 = tpu.memref_squeeze %dma_start3A_1293 : memref<1x50x64xf32, #tpu.memory_space<vmem>> -> memref<50x64xf32, #tpu.memory_space<vmem>>
      tpu.enqueue_dma source(%dma_start3A_1294 : memref<50x64xf32, #tpu.memory_space<vmem>>) target(%dma_start3A_1290 : memref<50x64xf32, #tpu.memory_space<hbm>>) target_semaphore(%arg9 : memref<!tpu.dma_semaphore, #tpu.memory_space<semaphore_mem>>)
      %dma_start3A_1295 = arith.constant 1 : i32
      %dma_start3A_1296 = arith.constant 250 : i32
      %dma_start3A_1297 = arith.constant 0 : i32
      %dma_start3A_1298 = tpu.memref_slice %arg6[%dma_start3A_1295, %dma_start3A_1296, %dma_start3A_1297] : memref<2x800x64xf32, #tpu.memory_space<vmem>> -> memref<1x50x64xf32, #tpu.memory_space<vmem>>
      %dma_start3A_1299 = tpu.memref_squeeze %dma_start3A_1298 : memref<1x50x64xf32, #tpu.memory_space<vmem>> -> memref<50x64xf32, #tpu.memory_space<vmem>>
      %dma_start3A_1300 = arith.constant 0 : i32
      %dma_start3A_1301 = arith.constant 0 : i32
      %dma_start3A_1302 = tpu.memref_slice %arg4[%add3A_1159, %dma_start3A_1300, %dma_start3A_1301] : memref<16384x56x128xf32, #tpu.memory_space<hbm>> -> memref<1x50x64xf32, #tpu.memory_space<hbm>>
      %dma_start3A_1303 = tpu.memref_squeeze %dma_start3A_1302 : memref<1x50x64xf32, #tpu.memory_space<hbm>> -> memref<50x64xf32, #tpu.memory_space<hbm>>
      %dma_start3A_1304 = arith.constant 0 : i32
      %dma_start3A_1305 = arith.constant 0 : i32
      %dma_start3A_1306 = tpu.memref_slice %arg4[%add3A_1159, %dma_start3A_1304, %dma_start3A_1305] : memref<16384x56x128xf32, #tpu.memory_space<hbm>> -> memref<1x50x64xf32, #tpu.memory_space<hbm>>
      %dma_start3A_1307 = tpu.memref_squeeze %dma_start3A_1306 : memref<1x50x64xf32, #tpu.memory_space<hbm>> -> memref<50x64xf32, #tpu.memory_space<hbm>>
      %dma_start3A_1308 = arith.constant 250 : i32
      %dma_start3A_1309 = arith.constant 0 : i32
      %dma_start3A_1310 = tpu.memref_slice %arg6[%dma_start3A_1295, %dma_start3A_1308, %dma_start3A_1309] : memref<2x800x64xf32, #tpu.memory_space<vmem>> -> memref<1x50x64xf32, #tpu.memory_space<vmem>>
      %dma_start3A_1311 = tpu.memref_squeeze %dma_start3A_1310 : memref<1x50x64xf32, #tpu.memory_space<vmem>> -> memref<50x64xf32, #tpu.memory_space<vmem>>
      tpu.enqueue_dma source(%dma_start3A_1311 : memref<50x64xf32, #tpu.memory_space<vmem>>) target(%dma_start3A_1307 : memref<50x64xf32, #tpu.memory_space<hbm>>) target_semaphore(%arg9 : memref<!tpu.dma_semaphore, #tpu.memory_space<semaphore_mem>>)
      %dma_start3A_1312 = arith.constant 1 : i32
      %dma_start3A_1313 = arith.constant 300 : i32
      %dma_start3A_1314 = arith.constant 0 : i32
      %dma_start3A_1315 = tpu.memref_slice %arg6[%dma_start3A_1312, %dma_start3A_1313, %dma_start3A_1314] : memref<2x800x64xf32, #tpu.memory_space<vmem>> -> memref<1x50x64xf32, #tpu.memory_space<vmem>>
      %dma_start3A_1316 = tpu.memref_squeeze %dma_start3A_1315 : memref<1x50x64xf32, #tpu.memory_space<vmem>> -> memref<50x64xf32, #tpu.memory_space<vmem>>
      %dma_start3A_1317 = arith.constant 0 : i32
      %dma_start3A_1318 = arith.constant 0 : i32
      %dma_start3A_1319 = tpu.memref_slice %arg4[%add3A_1164, %dma_start3A_1317, %dma_start3A_1318] : memref<16384x56x128xf32, #tpu.memory_space<hbm>> -> memref<1x50x64xf32, #tpu.memory_space<hbm>>
      %dma_start3A_1320 = tpu.memref_squeeze %dma_start3A_1319 : memref<1x50x64xf32, #tpu.memory_space<hbm>> -> memref<50x64xf32, #tpu.memory_space<hbm>>
      %dma_start3A_1321 = arith.constant 0 : i32
      %dma_start3A_1322 = arith.constant 0 : i32
      %dma_start3A_1323 = tpu.memref_slice %arg4[%add3A_1164, %dma_start3A_1321, %dma_start3A_1322] : memref<16384x56x128xf32, #tpu.memory_space<hbm>> -> memref<1x50x64xf32, #tpu.memory_space<hbm>>
      %dma_start3A_1324 = tpu.memref_squeeze %dma_start3A_1323 : memref<1x50x64xf32, #tpu.memory_space<hbm>> -> memref<50x64xf32, #tpu.memory_space<hbm>>
      %dma_start3A_1325 = arith.constant 300 : i32
      %dma_start3A_1326 = arith.constant 0 : i32
      %dma_start3A_1327 = tpu.memref_slice %arg6[%dma_start3A_1312, %dma_start3A_1325, %dma_start3A_1326] : memref<2x800x64xf32, #tpu.memory_space<vmem>> -> memref<1x50x64xf32, #tpu.memory_space<vmem>>
      %dma_start3A_1328 = tpu.memref_squeeze %dma_start3A_1327 : memref<1x50x64xf32, #tpu.memory_space<vmem>> -> memref<50x64xf32, #tpu.memory_space<vmem>>
      tpu.enqueue_dma source(%dma_start3A_1328 : memref<50x64xf32, #tpu.memory_space<vmem>>) target(%dma_start3A_1324 : memref<50x64xf32, #tpu.memory_space<hbm>>) target_semaphore(%arg9 : memref<!tpu.dma_semaphore, #tpu.memory_space<semaphore_mem>>)
      %dma_start3A_1329 = arith.constant 1 : i32
      %dma_start3A_1330 = arith.constant 350 : i32
      %dma_start3A_1331 = arith.constant 0 : i32
      %dma_start3A_1332 = tpu.memref_slice %arg6[%dma_start3A_1329, %dma_start3A_1330, %dma_start3A_1331] : memref<2x800x64xf32, #tpu.memory_space<vmem>> -> memref<1x50x64xf32, #tpu.memory_space<vmem>>
      %dma_start3A_1333 = tpu.memref_squeeze %dma_start3A_1332 : memref<1x50x64xf32, #tpu.memory_space<vmem>> -> memref<50x64xf32, #tpu.memory_space<vmem>>
      %dma_start3A_1334 = arith.constant 0 : i32
      %dma_start3A_1335 = arith.constant 0 : i32
      %dma_start3A_1336 = tpu.memref_slice %arg4[%add3A_1169, %dma_start3A_1334, %dma_start3A_1335] : memref<16384x56x128xf32, #tpu.memory_space<hbm>> -> memref<1x50x64xf32, #tpu.memory_space<hbm>>
      %dma_start3A_1337 = tpu.memref_squeeze %dma_start3A_1336 : memref<1x50x64xf32, #tpu.memory_space<hbm>> -> memref<50x64xf32, #tpu.memory_space<hbm>>
      %dma_start3A_1338 = arith.constant 0 : i32
      %dma_start3A_1339 = arith.constant 0 : i32
      %dma_start3A_1340 = tpu.memref_slice %arg4[%add3A_1169, %dma_start3A_1338, %dma_start3A_1339] : memref<16384x56x128xf32, #tpu.memory_space<hbm>> -> memref<1x50x64xf32, #tpu.memory_space<hbm>>
      %dma_start3A_1341 = tpu.memref_squeeze %dma_start3A_1340 : memref<1x50x64xf32, #tpu.memory_space<hbm>> -> memref<50x64xf32, #tpu.memory_space<hbm>>
      %dma_start3A_1342 = arith.constant 350 : i32
      %dma_start3A_1343 = arith.constant 0 : i32
      %dma_start3A_1344 = tpu.memref_slice %arg6[%dma_start3A_1329, %dma_start3A_1342, %dma_start3A_1343] : memref<2x800x64xf32, #tpu.memory_space<vmem>> -> memref<1x50x64xf32, #tpu.memory_space<vmem>>
      %dma_start3A_1345 = tpu.memref_squeeze %dma_start3A_1344 : memref<1x50x64xf32, #tpu.memory_space<vmem>> -> memref<50x64xf32, #tpu.memory_space<vmem>>
      tpu.enqueue_dma source(%dma_start3A_1345 : memref<50x64xf32, #tpu.memory_space<vmem>>) target(%dma_start3A_1341 : memref<50x64xf32, #tpu.memory_space<hbm>>) target_semaphore(%arg9 : memref<!tpu.dma_semaphore, #tpu.memory_space<semaphore_mem>>)
      %dma_start3A_1346 = arith.constant 1 : i32
      %dma_start3A_1347 = arith.constant 400 : i32
      %dma_start3A_1348 = arith.constant 0 : i32
      %dma_start3A_1349 = tpu.memref_slice %arg6[%dma_start3A_1346, %dma_start3A_1347, %dma_start3A_1348] : memref<2x800x64xf32, #tpu.memory_space<vmem>> -> memref<1x50x64xf32, #tpu.memory_space<vmem>>
      %dma_start3A_1350 = tpu.memref_squeeze %dma_start3A_1349 : memref<1x50x64xf32, #tpu.memory_space<vmem>> -> memref<50x64xf32, #tpu.memory_space<vmem>>
      %dma_start3A_1351 = arith.constant 0 : i32
      %dma_start3A_1352 = arith.constant 0 : i32
      %dma_start3A_1353 = tpu.memref_slice %arg4[%add3A_1174, %dma_start3A_1351, %dma_start3A_1352] : memref<16384x56x128xf32, #tpu.memory_space<hbm>> -> memref<1x50x64xf32, #tpu.memory_space<hbm>>
      %dma_start3A_1354 = tpu.memref_squeeze %dma_start3A_1353 : memref<1x50x64xf32, #tpu.memory_space<hbm>> -> memref<50x64xf32, #tpu.memory_space<hbm>>
      %dma_start3A_1355 = arith.constant 0 : i32
      %dma_start3A_1356 = arith.constant 0 : i32
      %dma_start3A_1357 = tpu.memref_slice %arg4[%add3A_1174, %dma_start3A_1355, %dma_start3A_1356] : memref<16384x56x128xf32, #tpu.memory_space<hbm>> -> memref<1x50x64xf32, #tpu.memory_space<hbm>>
      %dma_start3A_1358 = tpu.memref_squeeze %dma_start3A_1357 : memref<1x50x64xf32, #tpu.memory_space<hbm>> -> memref<50x64xf32, #tpu.memory_space<hbm>>
      %dma_start3A_1359 = arith.constant 400 : i32
      %dma_start3A_1360 = arith.constant 0 : i32
      %dma_start3A_1361 = tpu.memref_slice %arg6[%dma_start3A_1346, %dma_start3A_1359, %dma_start3A_1360] : memref<2x800x64xf32, #tpu.memory_space<vmem>> -> memref<1x50x64xf32, #tpu.memory_space<vmem>>
      %dma_start3A_1362 = tpu.memref_squeeze %dma_start3A_1361 : memref<1x50x64xf32, #tpu.memory_space<vmem>> -> memref<50x64xf32, #tpu.memory_space<vmem>>
      tpu.enqueue_dma source(%dma_start3A_1362 : memref<50x64xf32, #tpu.memory_space<vmem>>) target(%dma_start3A_1358 : memref<50x64xf32, #tpu.memory_space<hbm>>) target_semaphore(%arg9 : memref<!tpu.dma_semaphore, #tpu.memory_space<semaphore_mem>>)
      %dma_start3A_1363 = arith.constant 1 : i32
      %dma_start3A_1364 = arith.constant 450 : i32
      %dma_start3A_1365 = arith.constant 0 : i32
      %dma_start3A_1366 = tpu.memref_slice %arg6[%dma_start3A_1363, %dma_start3A_1364, %dma_start3A_1365] : memref<2x800x64xf32, #tpu.memory_space<vmem>> -> memref<1x50x64xf32, #tpu.memory_space<vmem>>
      %dma_start3A_1367 = tpu.memref_squeeze %dma_start3A_1366 : memref<1x50x64xf32, #tpu.memory_space<vmem>> -> memref<50x64xf32, #tpu.memory_space<vmem>>
      %dma_start3A_1368 = arith.constant 0 : i32
      %dma_start3A_1369 = arith.constant 0 : i32
      %dma_start3A_1370 = tpu.memref_slice %arg4[%add3A_1179, %dma_start3A_1368, %dma_start3A_1369] : memref<16384x56x128xf32, #tpu.memory_space<hbm>> -> memref<1x50x64xf32, #tpu.memory_space<hbm>>
      %dma_start3A_1371 = tpu.memref_squeeze %dma_start3A_1370 : memref<1x50x64xf32, #tpu.memory_space<hbm>> -> memref<50x64xf32, #tpu.memory_space<hbm>>
      %dma_start3A_1372 = arith.constant 0 : i32
      %dma_start3A_1373 = arith.constant 0 : i32
      %dma_start3A_1374 = tpu.memref_slice %arg4[%add3A_1179, %dma_start3A_1372, %dma_start3A_1373] : memref<16384x56x128xf32, #tpu.memory_space<hbm>> -> memref<1x50x64xf32, #tpu.memory_space<hbm>>
      %dma_start3A_1375 = tpu.memref_squeeze %dma_start3A_1374 : memref<1x50x64xf32, #tpu.memory_space<hbm>> -> memref<50x64xf32, #tpu.memory_space<hbm>>
      %dma_start3A_1376 = arith.constant 450 : i32
      %dma_start3A_1377 = arith.constant 0 : i32
      %dma_start3A_1378 = tpu.memref_slice %arg6[%dma_start3A_1363, %dma_start3A_1376, %dma_start3A_1377] : memref<2x800x64xf32, #tpu.memory_space<vmem>> -> memref<1x50x64xf32, #tpu.memory_space<vmem>>
      %dma_start3A_1379 = tpu.memref_squeeze %dma_start3A_1378 : memref<1x50x64xf32, #tpu.memory_space<vmem>> -> memref<50x64xf32, #tpu.memory_space<vmem>>
      tpu.enqueue_dma source(%dma_start3A_1379 : memref<50x64xf32, #tpu.memory_space<vmem>>) target(%dma_start3A_1375 : memref<50x64xf32, #tpu.memory_space<hbm>>) target_semaphore(%arg9 : memref<!tpu.dma_semaphore, #tpu.memory_space<semaphore_mem>>)
      %dma_start3A_1380 = arith.constant 1 : i32
      %dma_start3A_1381 = arith.constant 500 : i32
      %dma_start3A_1382 = arith.constant 0 : i32
      %dma_start3A_1383 = tpu.memref_slice %arg6[%dma_start3A_1380, %dma_start3A_1381, %dma_start3A_1382] : memref<2x800x64xf32, #tpu.memory_space<vmem>> -> memref<1x50x64xf32, #tpu.memory_space<vmem>>
      %dma_start3A_1384 = tpu.memref_squeeze %dma_start3A_1383 : memref<1x50x64xf32, #tpu.memory_space<vmem>> -> memref<50x64xf32, #tpu.memory_space<vmem>>
      %dma_start3A_1385 = arith.constant 0 : i32
      %dma_start3A_1386 = arith.constant 0 : i32
      %dma_start3A_1387 = tpu.memref_slice %arg4[%add3A_1184, %dma_start3A_1385, %dma_start3A_1386] : memref<16384x56x128xf32, #tpu.memory_space<hbm>> -> memref<1x50x64xf32, #tpu.memory_space<hbm>>
      %dma_start3A_1388 = tpu.memref_squeeze %dma_start3A_1387 : memref<1x50x64xf32, #tpu.memory_space<hbm>> -> memref<50x64xf32, #tpu.memory_space<hbm>>
      %dma_start3A_1389 = arith.constant 0 : i32
      %dma_start3A_1390 = arith.constant 0 : i32
      %dma_start3A_1391 = tpu.memref_slice %arg4[%add3A_1184, %dma_start3A_1389, %dma_start3A_1390] : memref<16384x56x128xf32, #tpu.memory_space<hbm>> -> memref<1x50x64xf32, #tpu.memory_space<hbm>>
      %dma_start3A_1392 = tpu.memref_squeeze %dma_start3A_1391 : memref<1x50x64xf32, #tpu.memory_space<hbm>> -> memref<50x64xf32, #tpu.memory_space<hbm>>
      %dma_start3A_1393 = arith.constant 500 : i32
      %dma_start3A_1394 = arith.constant 0 : i32
      %dma_start3A_1395 = tpu.memref_slice %arg6[%dma_start3A_1380, %dma_start3A_1393, %dma_start3A_1394] : memref<2x800x64xf32, #tpu.memory_space<vmem>> -> memref<1x50x64xf32, #tpu.memory_space<vmem>>
      %dma_start3A_1396 = tpu.memref_squeeze %dma_start3A_1395 : memref<1x50x64xf32, #tpu.memory_space<vmem>> -> memref<50x64xf32, #tpu.memory_space<vmem>>
      tpu.enqueue_dma source(%dma_start3A_1396 : memref<50x64xf32, #tpu.memory_space<vmem>>) target(%dma_start3A_1392 : memref<50x64xf32, #tpu.memory_space<hbm>>) target_semaphore(%arg9 : memref<!tpu.dma_semaphore, #tpu.memory_space<semaphore_mem>>)
      %dma_start3A_1397 = arith.constant 1 : i32
      %dma_start3A_1398 = arith.constant 550 : i32
      %dma_start3A_1399 = arith.constant 0 : i32
      %dma_start3A_1400 = tpu.memref_slice %arg6[%dma_start3A_1397, %dma_start3A_1398, %dma_start3A_1399] : memref<2x800x64xf32, #tpu.memory_space<vmem>> -> memref<1x50x64xf32, #tpu.memory_space<vmem>>
      %dma_start3A_1401 = tpu.memref_squeeze %dma_start3A_1400 : memref<1x50x64xf32, #tpu.memory_space<vmem>> -> memref<50x64xf32, #tpu.memory_space<vmem>>
      %dma_start3A_1402 = arith.constant 0 : i32
      %dma_start3A_1403 = arith.constant 0 : i32
      %dma_start3A_1404 = tpu.memref_slice %arg4[%add3A_1189, %dma_start3A_1402, %dma_start3A_1403] : memref<16384x56x128xf32, #tpu.memory_space<hbm>> -> memref<1x50x64xf32, #tpu.memory_space<hbm>>
      %dma_start3A_1405 = tpu.memref_squeeze %dma_start3A_1404 : memref<1x50x64xf32, #tpu.memory_space<hbm>> -> memref<50x64xf32, #tpu.memory_space<hbm>>
      %dma_start3A_1406 = arith.constant 0 : i32
      %dma_start3A_1407 = arith.constant 0 : i32
      %dma_start3A_1408 = tpu.memref_slice %arg4[%add3A_1189, %dma_start3A_1406, %dma_start3A_1407] : memref<16384x56x128xf32, #tpu.memory_space<hbm>> -> memref<1x50x64xf32, #tpu.memory_space<hbm>>
      %dma_start3A_1409 = tpu.memref_squeeze %dma_start3A_1408 : memref<1x50x64xf32, #tpu.memory_space<hbm>> -> memref<50x64xf32, #tpu.memory_space<hbm>>
      %dma_start3A_1410 = arith.constant 550 : i32
      %dma_start3A_1411 = arith.constant 0 : i32
      %dma_start3A_1412 = tpu.memref_slice %arg6[%dma_start3A_1397, %dma_start3A_1410, %dma_start3A_1411] : memref<2x800x64xf32, #tpu.memory_space<vmem>> -> memref<1x50x64xf32, #tpu.memory_space<vmem>>
      %dma_start3A_1413 = tpu.memref_squeeze %dma_start3A_1412 : memref<1x50x64xf32, #tpu.memory_space<vmem>> -> memref<50x64xf32, #tpu.memory_space<vmem>>
      tpu.enqueue_dma source(%dma_start3A_1413 : memref<50x64xf32, #tpu.memory_space<vmem>>) target(%dma_start3A_1409 : memref<50x64xf32, #tpu.memory_space<hbm>>) target_semaphore(%arg9 : memref<!tpu.dma_semaphore, #tpu.memory_space<semaphore_mem>>)
      %dma_start3A_1414 = arith.constant 1 : i32
      %dma_start3A_1415 = arith.constant 600 : i32
      %dma_start3A_1416 = arith.constant 0 : i32
      %dma_start3A_1417 = tpu.memref_slice %arg6[%dma_start3A_1414, %dma_start3A_1415, %dma_start3A_1416] : memref<2x800x64xf32, #tpu.memory_space<vmem>> -> memref<1x50x64xf32, #tpu.memory_space<vmem>>
      %dma_start3A_1418 = tpu.memref_squeeze %dma_start3A_1417 : memref<1x50x64xf32, #tpu.memory_space<vmem>> -> memref<50x64xf32, #tpu.memory_space<vmem>>
      %dma_start3A_1419 = arith.constant 0 : i32
      %dma_start3A_1420 = arith.constant 0 : i32
      %dma_start3A_1421 = tpu.memref_slice %arg4[%add3A_1194, %dma_start3A_1419, %dma_start3A_1420] : memref<16384x56x128xf32, #tpu.memory_space<hbm>> -> memref<1x50x64xf32, #tpu.memory_space<hbm>>
      %dma_start3A_1422 = tpu.memref_squeeze %dma_start3A_1421 : memref<1x50x64xf32, #tpu.memory_space<hbm>> -> memref<50x64xf32, #tpu.memory_space<hbm>>
      %dma_start3A_1423 = arith.constant 0 : i32
      %dma_start3A_1424 = arith.constant 0 : i32
      %dma_start3A_1425 = tpu.memref_slice %arg4[%add3A_1194, %dma_start3A_1423, %dma_start3A_1424] : memref<16384x56x128xf32, #tpu.memory_space<hbm>> -> memref<1x50x64xf32, #tpu.memory_space<hbm>>
      %dma_start3A_1426 = tpu.memref_squeeze %dma_start3A_1425 : memref<1x50x64xf32, #tpu.memory_space<hbm>> -> memref<50x64xf32, #tpu.memory_space<hbm>>
      %dma_start3A_1427 = arith.constant 600 : i32
      %dma_start3A_1428 = arith.constant 0 : i32
      %dma_start3A_1429 = tpu.memref_slice %arg6[%dma_start3A_1414, %dma_start3A_1427, %dma_start3A_1428] : memref<2x800x64xf32, #tpu.memory_space<vmem>> -> memref<1x50x64xf32, #tpu.memory_space<vmem>>
      %dma_start3A_1430 = tpu.memref_squeeze %dma_start3A_1429 : memref<1x50x64xf32, #tpu.memory_space<vmem>> -> memref<50x64xf32, #tpu.memory_space<vmem>>
      tpu.enqueue_dma source(%dma_start3A_1430 : memref<50x64xf32, #tpu.memory_space<vmem>>) target(%dma_start3A_1426 : memref<50x64xf32, #tpu.memory_space<hbm>>) target_semaphore(%arg9 : memref<!tpu.dma_semaphore, #tpu.memory_space<semaphore_mem>>)
      %dma_start3A_1431 = arith.constant 1 : i32
      %dma_start3A_1432 = arith.constant 650 : i32
      %dma_start3A_1433 = arith.constant 0 : i32
      %dma_start3A_1434 = tpu.memref_slice %arg6[%dma_start3A_1431, %dma_start3A_1432, %dma_start3A_1433] : memref<2x800x64xf32, #tpu.memory_space<vmem>> -> memref<1x50x64xf32, #tpu.memory_space<vmem>>
      %dma_start3A_1435 = tpu.memref_squeeze %dma_start3A_1434 : memref<1x50x64xf32, #tpu.memory_space<vmem>> -> memref<50x64xf32, #tpu.memory_space<vmem>>
      %dma_start3A_1436 = arith.constant 0 : i32
      %dma_start3A_1437 = arith.constant 0 : i32
      %dma_start3A_1438 = tpu.memref_slice %arg4[%add3A_1199, %dma_start3A_1436, %dma_start3A_1437] : memref<16384x56x128xf32, #tpu.memory_space<hbm>> -> memref<1x50x64xf32, #tpu.memory_space<hbm>>
      %dma_start3A_1439 = tpu.memref_squeeze %dma_start3A_1438 : memref<1x50x64xf32, #tpu.memory_space<hbm>> -> memref<50x64xf32, #tpu.memory_space<hbm>>
      %dma_start3A_1440 = arith.constant 0 : i32
      %dma_start3A_1441 = arith.constant 0 : i32
      %dma_start3A_1442 = tpu.memref_slice %arg4[%add3A_1199, %dma_start3A_1440, %dma_start3A_1441] : memref<16384x56x128xf32, #tpu.memory_space<hbm>> -> memref<1x50x64xf32, #tpu.memory_space<hbm>>
      %dma_start3A_1443 = tpu.memref_squeeze %dma_start3A_1442 : memref<1x50x64xf32, #tpu.memory_space<hbm>> -> memref<50x64xf32, #tpu.memory_space<hbm>>
      %dma_start3A_1444 = arith.constant 650 : i32
      %dma_start3A_1445 = arith.constant 0 : i32
      %dma_start3A_1446 = tpu.memref_slice %arg6[%dma_start3A_1431, %dma_start3A_1444, %dma_start3A_1445] : memref<2x800x64xf32, #tpu.memory_space<vmem>> -> memref<1x50x64xf32, #tpu.memory_space<vmem>>
      %dma_start3A_1447 = tpu.memref_squeeze %dma_start3A_1446 : memref<1x50x64xf32, #tpu.memory_space<vmem>> -> memref<50x64xf32, #tpu.memory_space<vmem>>
      tpu.enqueue_dma source(%dma_start3A_1447 : memref<50x64xf32, #tpu.memory_space<vmem>>) target(%dma_start3A_1443 : memref<50x64xf32, #tpu.memory_space<hbm>>) target_semaphore(%arg9 : memref<!tpu.dma_semaphore, #tpu.memory_space<semaphore_mem>>)
      %dma_start3A_1448 = arith.constant 1 : i32
      %dma_start3A_1449 = arith.constant 700 : i32
      %dma_start3A_1450 = arith.constant 0 : i32
      %dma_start3A_1451 = tpu.memref_slice %arg6[%dma_start3A_1448, %dma_start3A_1449, %dma_start3A_1450] : memref<2x800x64xf32, #tpu.memory_space<vmem>> -> memref<1x50x64xf32, #tpu.memory_space<vmem>>
      %dma_start3A_1452 = tpu.memref_squeeze %dma_start3A_1451 : memref<1x50x64xf32, #tpu.memory_space<vmem>> -> memref<50x64xf32, #tpu.memory_space<vmem>>
      %dma_start3A_1453 = arith.constant 0 : i32
      %dma_start3A_1454 = arith.constant 0 : i32
      %dma_start3A_1455 = tpu.memref_slice %arg4[%add3A_1204, %dma_start3A_1453, %dma_start3A_1454] : memref<16384x56x128xf32, #tpu.memory_space<hbm>> -> memref<1x50x64xf32, #tpu.memory_space<hbm>>
      %dma_start3A_1456 = tpu.memref_squeeze %dma_start3A_1455 : memref<1x50x64xf32, #tpu.memory_space<hbm>> -> memref<50x64xf32, #tpu.memory_space<hbm>>
      %dma_start3A_1457 = arith.constant 0 : i32
      %dma_start3A_1458 = arith.constant 0 : i32
      %dma_start3A_1459 = tpu.memref_slice %arg4[%add3A_1204, %dma_start3A_1457, %dma_start3A_1458] : memref<16384x56x128xf32, #tpu.memory_space<hbm>> -> memref<1x50x64xf32, #tpu.memory_space<hbm>>
      %dma_start3A_1460 = tpu.memref_squeeze %dma_start3A_1459 : memref<1x50x64xf32, #tpu.memory_space<hbm>> -> memref<50x64xf32, #tpu.memory_space<hbm>>
      %dma_start3A_1461 = arith.constant 700 : i32
      %dma_start3A_1462 = arith.constant 0 : i32
      %dma_start3A_1463 = tpu.memref_slice %arg6[%dma_start3A_1448, %dma_start3A_1461, %dma_start3A_1462] : memref<2x800x64xf32, #tpu.memory_space<vmem>> -> memref<1x50x64xf32, #tpu.memory_space<vmem>>
      %dma_start3A_1464 = tpu.memref_squeeze %dma_start3A_1463 : memref<1x50x64xf32, #tpu.memory_space<vmem>> -> memref<50x64xf32, #tpu.memory_space<vmem>>
      tpu.enqueue_dma source(%dma_start3A_1464 : memref<50x64xf32, #tpu.memory_space<vmem>>) target(%dma_start3A_1460 : memref<50x64xf32, #tpu.memory_space<hbm>>) target_semaphore(%arg9 : memref<!tpu.dma_semaphore, #tpu.memory_space<semaphore_mem>>)
      %dma_start3A_1465 = arith.constant 1 : i32
      %dma_start3A_1466 = arith.constant 750 : i32
      %dma_start3A_1467 = arith.constant 0 : i32
      %dma_start3A_1468 = tpu.memref_slice %arg6[%dma_start3A_1465, %dma_start3A_1466, %dma_start3A_1467] : memref<2x800x64xf32, #tpu.memory_space<vmem>> -> memref<1x50x64xf32, #tpu.memory_space<vmem>>
      %dma_start3A_1469 = tpu.memref_squeeze %dma_start3A_1468 : memref<1x50x64xf32, #tpu.memory_space<vmem>> -> memref<50x64xf32, #tpu.memory_space<vmem>>
      %dma_start3A_1470 = arith.constant 0 : i32
      %dma_start3A_1471 = arith.constant 0 : i32
      %dma_start3A_1472 = tpu.memref_slice %arg4[%add3A_1209, %dma_start3A_1470, %dma_start3A_1471] : memref<16384x56x128xf32, #tpu.memory_space<hbm>> -> memref<1x50x64xf32, #tpu.memory_space<hbm>>
      %dma_start3A_1473 = tpu.memref_squeeze %dma_start3A_1472 : memref<1x50x64xf32, #tpu.memory_space<hbm>> -> memref<50x64xf32, #tpu.memory_space<hbm>>
      %dma_start3A_1474 = arith.constant 0 : i32
      %dma_start3A_1475 = arith.constant 0 : i32
      %dma_start3A_1476 = tpu.memref_slice %arg4[%add3A_1209, %dma_start3A_1474, %dma_start3A_1475] : memref<16384x56x128xf32, #tpu.memory_space<hbm>> -> memref<1x50x64xf32, #tpu.memory_space<hbm>>
      %dma_start3A_1477 = tpu.memref_squeeze %dma_start3A_1476 : memref<1x50x64xf32, #tpu.memory_space<hbm>> -> memref<50x64xf32, #tpu.memory_space<hbm>>
      %dma_start3A_1478 = arith.constant 750 : i32
      %dma_start3A_1479 = arith.constant 0 : i32
      %dma_start3A_1480 = tpu.memref_slice %arg6[%dma_start3A_1465, %dma_start3A_1478, %dma_start3A_1479] : memref<2x800x64xf32, #tpu.memory_space<vmem>> -> memref<1x50x64xf32, #tpu.memory_space<vmem>>
      %dma_start3A_1481 = tpu.memref_squeeze %dma_start3A_1480 : memref<1x50x64xf32, #tpu.memory_space<vmem>> -> memref<50x64xf32, #tpu.memory_space<vmem>>
      tpu.enqueue_dma source(%dma_start3A_1481 : memref<50x64xf32, #tpu.memory_space<vmem>>) target(%dma_start3A_1477 : memref<50x64xf32, #tpu.memory_space<hbm>>) target_semaphore(%arg9 : memref<!tpu.dma_semaphore, #tpu.memory_space<semaphore_mem>>)
      %lt3A_1482 = arith.constant 15 : i32
      %lt3A_1483 = arith.cmpi slt, %add3A_686, %lt3A_1482 : i32
      %convert_element_type3A_1484 = arith.extui %lt3A_1483 : i1 to i32
      %cond3A_1485 = arith.constant 0 : i32
      %cond3A_1486 = arith.cmpi ne, %convert_element_type3A_1484, %cond3A_1485 : i32
      scf.if %cond3A_1486 {
        %dma_wait3A_1487 = arith.constant 0 : i32
        %dma_wait3A_1488 = arith.constant 0 : i32
        %dma_wait3A_1489 = tpu.memref_slice %arg5[%dma_wait3A_1487, %dma_wait3A_1488] : memref<2x800xi32, #tpu.memory_space<vmem>> -> memref<1x800xi32, #tpu.memory_space<vmem>>
        %dma_wait3A_1490 = tpu.memref_squeeze %dma_wait3A_1489 : memref<1x800xi32, #tpu.memory_space<vmem>> -> memref<800xi32, #tpu.memory_space<vmem>>
        %dma_wait3A_1491 = arith.constant 0 : i32
        %dma_wait3A_1492 = tpu.memref_slice %arg3[%dma_wait3A_1491] : memref<819200xi32, #tpu.memory_space<hbm>> -> memref<800xi32, #tpu.memory_space<hbm>>
        %dma_wait3A_1493 = arith.constant 0 : i32
        %dma_wait3A_1494 = tpu.memref_slice %arg5[%dma_wait3A_1487, %dma_wait3A_1493] : memref<2x800xi32, #tpu.memory_space<vmem>> -> memref<1x800xi32, #tpu.memory_space<vmem>>
        %dma_wait3A_1495 = tpu.memref_squeeze %dma_wait3A_1494 : memref<1x800xi32, #tpu.memory_space<vmem>> -> memref<800xi32, #tpu.memory_space<vmem>>
        %dma_wait3A_1496 = arith.constant 0 : i32
        %dma_wait3A_1497 = tpu.memref_slice %arg3[%dma_wait3A_1496] : memref<819200xi32, #tpu.memory_space<hbm>> -> memref<800xi32, #tpu.memory_space<hbm>>
        tpu.wait_dma2 semaphore(%arg7 : memref<!tpu.dma_semaphore, #tpu.memory_space<semaphore_mem>>) src(%dma_wait3A_1497 : memref<800xi32, #tpu.memory_space<hbm>>) dst(%dma_wait3A_1495 : memref<800xi32, #tpu.memory_space<vmem>>)
      } else {
      }
    }
    %scan3A_10 = arith.constant 16 : i32
    %add3A_11 = arith.constant 480 : i32
    %add3A_12 = arith.addi %mul3A_6, %add3A_11 : i32
    %add3A_13 = arith.constant 0 : i32
    %add3A_14 = arith.addi %add3A_12, %add3A_13 : i32
    %add3A_15 = arith.constant 480 : i32
    %add3A_16 = arith.addi %mul3A_6, %add3A_15 : i32
    %add3A_17 = arith.constant 1 : i32
    %add3A_18 = arith.addi %add3A_16, %add3A_17 : i32
    %add3A_19 = arith.constant 480 : i32
    %add3A_20 = arith.addi %mul3A_6, %add3A_19 : i32
    %add3A_21 = arith.constant 2 : i32
    %add3A_22 = arith.addi %add3A_20, %add3A_21 : i32
    %add3A_23 = arith.constant 480 : i32
    %add3A_24 = arith.addi %mul3A_6, %add3A_23 : i32
    %add3A_25 = arith.constant 3 : i32
    %add3A_26 = arith.addi %add3A_24, %add3A_25 : i32
    %add3A_27 = arith.constant 480 : i32
    %add3A_28 = arith.addi %mul3A_6, %add3A_27 : i32
    %add3A_29 = arith.constant 4 : i32
    %add3A_30 = arith.addi %add3A_28, %add3A_29 : i32
    %add3A_31 = arith.constant 480 : i32
    %add3A_32 = arith.addi %mul3A_6, %add3A_31 : i32
    %add3A_33 = arith.constant 5 : i32
    %add3A_34 = arith.addi %add3A_32, %add3A_33 : i32
    %add3A_35 = arith.constant 480 : i32
    %add3A_36 = arith.addi %mul3A_6, %add3A_35 : i32
    %add3A_37 = arith.constant 6 : i32
    %add3A_38 = arith.addi %add3A_36, %add3A_37 : i32
    %add3A_39 = arith.constant 480 : i32
    %add3A_40 = arith.addi %mul3A_6, %add3A_39 : i32
    %add3A_41 = arith.constant 7 : i32
    %add3A_42 = arith.addi %add3A_40, %add3A_41 : i32
    %add3A_43 = arith.constant 480 : i32
    %add3A_44 = arith.addi %mul3A_6, %add3A_43 : i32
    %add3A_45 = arith.constant 8 : i32
    %add3A_46 = arith.addi %add3A_44, %add3A_45 : i32
    %add3A_47 = arith.constant 480 : i32
    %add3A_48 = arith.addi %mul3A_6, %add3A_47 : i32
    %add3A_49 = arith.constant 9 : i32
    %add3A_50 = arith.addi %add3A_48, %add3A_49 : i32
    %add3A_51 = arith.constant 480 : i32
    %add3A_52 = arith.addi %mul3A_6, %add3A_51 : i32
    %add3A_53 = arith.constant 10 : i32
    %add3A_54 = arith.addi %add3A_52, %add3A_53 : i32
    %add3A_55 = arith.constant 480 : i32
    %add3A_56 = arith.addi %mul3A_6, %add3A_55 : i32
    %add3A_57 = arith.constant 11 : i32
    %add3A_58 = arith.addi %add3A_56, %add3A_57 : i32
    %add3A_59 = arith.constant 480 : i32
    %add3A_60 = arith.addi %mul3A_6, %add3A_59 : i32
    %add3A_61 = arith.constant 12 : i32
    %add3A_62 = arith.addi %add3A_60, %add3A_61 : i32
    %add3A_63 = arith.constant 480 : i32
    %add3A_64 = arith.addi %mul3A_6, %add3A_63 : i32
    %add3A_65 = arith.constant 13 : i32
    %add3A_66 = arith.addi %add3A_64, %add3A_65 : i32
    %add3A_67 = arith.constant 480 : i32
    %add3A_68 = arith.addi %mul3A_6, %add3A_67 : i32
    %add3A_69 = arith.constant 14 : i32
    %add3A_70 = arith.addi %add3A_68, %add3A_69 : i32
    %add3A_71 = arith.constant 480 : i32
    %add3A_72 = arith.addi %mul3A_6, %add3A_71 : i32
    %add3A_73 = arith.constant 15 : i32
    %add3A_74 = arith.addi %add3A_72, %add3A_73 : i32
    %dma_wait3A = arith.constant 0 : i32
    %dma_wait3A_75 = arith.constant 0 : i32
    %dma_wait3A_76 = arith.constant 0 : i32
    %dma_wait3A_77 = tpu.memref_slice %arg6[%dma_wait3A, %dma_wait3A_75, %dma_wait3A_76] : memref<2x800x64xf32, #tpu.memory_space<vmem>> -> memref<1x50x64xf32, #tpu.memory_space<vmem>>
    %dma_wait3A_78 = tpu.memref_squeeze %dma_wait3A_77 : memref<1x50x64xf32, #tpu.memory_space<vmem>> -> memref<50x64xf32, #tpu.memory_space<vmem>>
    %dma_wait3A_79 = arith.constant 0 : i32
    %dma_wait3A_80 = arith.constant 0 : i32
    %dma_wait3A_81 = tpu.memref_slice %arg4[%add3A_14, %dma_wait3A_79, %dma_wait3A_80] : memref<16384x56x128xf32, #tpu.memory_space<hbm>> -> memref<1x50x64xf32, #tpu.memory_space<hbm>>
    %dma_wait3A_82 = tpu.memref_squeeze %dma_wait3A_81 : memref<1x50x64xf32, #tpu.memory_space<hbm>> -> memref<50x64xf32, #tpu.memory_space<hbm>>
    %dma_wait3A_83 = arith.constant 0 : i32
    %dma_wait3A_84 = arith.constant 0 : i32
    %dma_wait3A_85 = tpu.memref_slice %arg4[%add3A_14, %dma_wait3A_83, %dma_wait3A_84] : memref<16384x56x128xf32, #tpu.memory_space<hbm>> -> memref<1x50x64xf32, #tpu.memory_space<hbm>>
    %dma_wait3A_86 = tpu.memref_squeeze %dma_wait3A_85 : memref<1x50x64xf32, #tpu.memory_space<hbm>> -> memref<50x64xf32, #tpu.memory_space<hbm>>
    %dma_wait3A_87 = arith.constant 0 : i32
    %dma_wait3A_88 = arith.constant 0 : i32
    %dma_wait3A_89 = tpu.memref_slice %arg6[%dma_wait3A, %dma_wait3A_87, %dma_wait3A_88] : memref<2x800x64xf32, #tpu.memory_space<vmem>> -> memref<1x50x64xf32, #tpu.memory_space<vmem>>
    %dma_wait3A_90 = tpu.memref_squeeze %dma_wait3A_89 : memref<1x50x64xf32, #tpu.memory_space<vmem>> -> memref<50x64xf32, #tpu.memory_space<vmem>>
    tpu.wait_dma2 semaphore(%arg9 : memref<!tpu.dma_semaphore, #tpu.memory_space<semaphore_mem>>) src(%dma_wait3A_90 : memref<50x64xf32, #tpu.memory_space<vmem>>) dst(%dma_wait3A_86 : memref<50x64xf32, #tpu.memory_space<hbm>>)
    %dma_wait3A_91 = arith.constant 0 : i32
    %dma_wait3A_92 = arith.constant 50 : i32
    %dma_wait3A_93 = arith.constant 0 : i32
    %dma_wait3A_94 = tpu.memref_slice %arg6[%dma_wait3A_91, %dma_wait3A_92, %dma_wait3A_93] : memref<2x800x64xf32, #tpu.memory_space<vmem>> -> memref<1x50x64xf32, #tpu.memory_space<vmem>>
    %dma_wait3A_95 = tpu.memref_squeeze %dma_wait3A_94 : memref<1x50x64xf32, #tpu.memory_space<vmem>> -> memref<50x64xf32, #tpu.memory_space<vmem>>
    %dma_wait3A_96 = arith.constant 0 : i32
    %dma_wait3A_97 = arith.constant 0 : i32
    %dma_wait3A_98 = tpu.memref_slice %arg4[%add3A_18, %dma_wait3A_96, %dma_wait3A_97] : memref<16384x56x128xf32, #tpu.memory_space<hbm>> -> memref<1x50x64xf32, #tpu.memory_space<hbm>>
    %dma_wait3A_99 = tpu.memref_squeeze %dma_wait3A_98 : memref<1x50x64xf32, #tpu.memory_space<hbm>> -> memref<50x64xf32, #tpu.memory_space<hbm>>
    %dma_wait3A_100 = arith.constant 0 : i32
    %dma_wait3A_101 = arith.constant 0 : i32
    %dma_wait3A_102 = tpu.memref_slice %arg4[%add3A_18, %dma_wait3A_100, %dma_wait3A_101] : memref<16384x56x128xf32, #tpu.memory_space<hbm>> -> memref<1x50x64xf32, #tpu.memory_space<hbm>>
    %dma_wait3A_103 = tpu.memref_squeeze %dma_wait3A_102 : memref<1x50x64xf32, #tpu.memory_space<hbm>> -> memref<50x64xf32, #tpu.memory_space<hbm>>
    %dma_wait3A_104 = arith.constant 50 : i32
    %dma_wait3A_105 = arith.constant 0 : i32
    %dma_wait3A_106 = tpu.memref_slice %arg6[%dma_wait3A_91, %dma_wait3A_104, %dma_wait3A_105] : memref<2x800x64xf32, #tpu.memory_space<vmem>> -> memref<1x50x64xf32, #tpu.memory_space<vmem>>
    %dma_wait3A_107 = tpu.memref_squeeze %dma_wait3A_106 : memref<1x50x64xf32, #tpu.memory_space<vmem>> -> memref<50x64xf32, #tpu.memory_space<vmem>>
    tpu.wait_dma2 semaphore(%arg9 : memref<!tpu.dma_semaphore, #tpu.memory_space<semaphore_mem>>) src(%dma_wait3A_107 : memref<50x64xf32, #tpu.memory_space<vmem>>) dst(%dma_wait3A_103 : memref<50x64xf32, #tpu.memory_space<hbm>>)
    %dma_wait3A_108 = arith.constant 0 : i32
    %dma_wait3A_109 = arith.constant 100 : i32
    %dma_wait3A_110 = arith.constant 0 : i32
    %dma_wait3A_111 = tpu.memref_slice %arg6[%dma_wait3A_108, %dma_wait3A_109, %dma_wait3A_110] : memref<2x800x64xf32, #tpu.memory_space<vmem>> -> memref<1x50x64xf32, #tpu.memory_space<vmem>>
    %dma_wait3A_112 = tpu.memref_squeeze %dma_wait3A_111 : memref<1x50x64xf32, #tpu.memory_space<vmem>> -> memref<50x64xf32, #tpu.memory_space<vmem>>
    %dma_wait3A_113 = arith.constant 0 : i32
    %dma_wait3A_114 = arith.constant 0 : i32
    %dma_wait3A_115 = tpu.memref_slice %arg4[%add3A_22, %dma_wait3A_113, %dma_wait3A_114] : memref<16384x56x128xf32, #tpu.memory_space<hbm>> -> memref<1x50x64xf32, #tpu.memory_space<hbm>>
    %dma_wait3A_116 = tpu.memref_squeeze %dma_wait3A_115 : memref<1x50x64xf32, #tpu.memory_space<hbm>> -> memref<50x64xf32, #tpu.memory_space<hbm>>
    %dma_wait3A_117 = arith.constant 0 : i32
    %dma_wait3A_118 = arith.constant 0 : i32
    %dma_wait3A_119 = tpu.memref_slice %arg4[%add3A_22, %dma_wait3A_117, %dma_wait3A_118] : memref<16384x56x128xf32, #tpu.memory_space<hbm>> -> memref<1x50x64xf32, #tpu.memory_space<hbm>>
    %dma_wait3A_120 = tpu.memref_squeeze %dma_wait3A_119 : memref<1x50x64xf32, #tpu.memory_space<hbm>> -> memref<50x64xf32, #tpu.memory_space<hbm>>
    %dma_wait3A_121 = arith.constant 100 : i32
    %dma_wait3A_122 = arith.constant 0 : i32
    %dma_wait3A_123 = tpu.memref_slice %arg6[%dma_wait3A_108, %dma_wait3A_121, %dma_wait3A_122] : memref<2x800x64xf32, #tpu.memory_space<vmem>> -> memref<1x50x64xf32, #tpu.memory_space<vmem>>
    %dma_wait3A_124 = tpu.memref_squeeze %dma_wait3A_123 : memref<1x50x64xf32, #tpu.memory_space<vmem>> -> memref<50x64xf32, #tpu.memory_space<vmem>>
    tpu.wait_dma2 semaphore(%arg9 : memref<!tpu.dma_semaphore, #tpu.memory_space<semaphore_mem>>) src(%dma_wait3A_124 : memref<50x64xf32, #tpu.memory_space<vmem>>) dst(%dma_wait3A_120 : memref<50x64xf32, #tpu.memory_space<hbm>>)
    %dma_wait3A_125 = arith.constant 0 : i32
    %dma_wait3A_126 = arith.constant 150 : i32
    %dma_wait3A_127 = arith.constant 0 : i32
    %dma_wait3A_128 = tpu.memref_slice %arg6[%dma_wait3A_125, %dma_wait3A_126, %dma_wait3A_127] : memref<2x800x64xf32, #tpu.memory_space<vmem>> -> memref<1x50x64xf32, #tpu.memory_space<vmem>>
    %dma_wait3A_129 = tpu.memref_squeeze %dma_wait3A_128 : memref<1x50x64xf32, #tpu.memory_space<vmem>> -> memref<50x64xf32, #tpu.memory_space<vmem>>
    %dma_wait3A_130 = arith.constant 0 : i32
    %dma_wait3A_131 = arith.constant 0 : i32
    %dma_wait3A_132 = tpu.memref_slice %arg4[%add3A_26, %dma_wait3A_130, %dma_wait3A_131] : memref<16384x56x128xf32, #tpu.memory_space<hbm>> -> memref<1x50x64xf32, #tpu.memory_space<hbm>>
    %dma_wait3A_133 = tpu.memref_squeeze %dma_wait3A_132 : memref<1x50x64xf32, #tpu.memory_space<hbm>> -> memref<50x64xf32, #tpu.memory_space<hbm>>
    %dma_wait3A_134 = arith.constant 0 : i32
    %dma_wait3A_135 = arith.constant 0 : i32
    %dma_wait3A_136 = tpu.memref_slice %arg4[%add3A_26, %dma_wait3A_134, %dma_wait3A_135] : memref<16384x56x128xf32, #tpu.memory_space<hbm>> -> memref<1x50x64xf32, #tpu.memory_space<hbm>>
    %dma_wait3A_137 = tpu.memref_squeeze %dma_wait3A_136 : memref<1x50x64xf32, #tpu.memory_space<hbm>> -> memref<50x64xf32, #tpu.memory_space<hbm>>
    %dma_wait3A_138 = arith.constant 150 : i32
    %dma_wait3A_139 = arith.constant 0 : i32
    %dma_wait3A_140 = tpu.memref_slice %arg6[%dma_wait3A_125, %dma_wait3A_138, %dma_wait3A_139] : memref<2x800x64xf32, #tpu.memory_space<vmem>> -> memref<1x50x64xf32, #tpu.memory_space<vmem>>
    %dma_wait3A_141 = tpu.memref_squeeze %dma_wait3A_140 : memref<1x50x64xf32, #tpu.memory_space<vmem>> -> memref<50x64xf32, #tpu.memory_space<vmem>>
    tpu.wait_dma2 semaphore(%arg9 : memref<!tpu.dma_semaphore, #tpu.memory_space<semaphore_mem>>) src(%dma_wait3A_141 : memref<50x64xf32, #tpu.memory_space<vmem>>) dst(%dma_wait3A_137 : memref<50x64xf32, #tpu.memory_space<hbm>>)
    %dma_wait3A_142 = arith.constant 0 : i32
    %dma_wait3A_143 = arith.constant 200 : i32
    %dma_wait3A_144 = arith.constant 0 : i32
    %dma_wait3A_145 = tpu.memref_slice %arg6[%dma_wait3A_142, %dma_wait3A_143, %dma_wait3A_144] : memref<2x800x64xf32, #tpu.memory_space<vmem>> -> memref<1x50x64xf32, #tpu.memory_space<vmem>>
    %dma_wait3A_146 = tpu.memref_squeeze %dma_wait3A_145 : memref<1x50x64xf32, #tpu.memory_space<vmem>> -> memref<50x64xf32, #tpu.memory_space<vmem>>
    %dma_wait3A_147 = arith.constant 0 : i32
    %dma_wait3A_148 = arith.constant 0 : i32
    %dma_wait3A_149 = tpu.memref_slice %arg4[%add3A_30, %dma_wait3A_147, %dma_wait3A_148] : memref<16384x56x128xf32, #tpu.memory_space<hbm>> -> memref<1x50x64xf32, #tpu.memory_space<hbm>>
    %dma_wait3A_150 = tpu.memref_squeeze %dma_wait3A_149 : memref<1x50x64xf32, #tpu.memory_space<hbm>> -> memref<50x64xf32, #tpu.memory_space<hbm>>
    %dma_wait3A_151 = arith.constant 0 : i32
    %dma_wait3A_152 = arith.constant 0 : i32
    %dma_wait3A_153 = tpu.memref_slice %arg4[%add3A_30, %dma_wait3A_151, %dma_wait3A_152] : memref<16384x56x128xf32, #tpu.memory_space<hbm>> -> memref<1x50x64xf32, #tpu.memory_space<hbm>>
    %dma_wait3A_154 = tpu.memref_squeeze %dma_wait3A_153 : memref<1x50x64xf32, #tpu.memory_space<hbm>> -> memref<50x64xf32, #tpu.memory_space<hbm>>
    %dma_wait3A_155 = arith.constant 200 : i32
    %dma_wait3A_156 = arith.constant 0 : i32
    %dma_wait3A_157 = tpu.memref_slice %arg6[%dma_wait3A_142, %dma_wait3A_155, %dma_wait3A_156] : memref<2x800x64xf32, #tpu.memory_space<vmem>> -> memref<1x50x64xf32, #tpu.memory_space<vmem>>
    %dma_wait3A_158 = tpu.memref_squeeze %dma_wait3A_157 : memref<1x50x64xf32, #tpu.memory_space<vmem>> -> memref<50x64xf32, #tpu.memory_space<vmem>>
    tpu.wait_dma2 semaphore(%arg9 : memref<!tpu.dma_semaphore, #tpu.memory_space<semaphore_mem>>) src(%dma_wait3A_158 : memref<50x64xf32, #tpu.memory_space<vmem>>) dst(%dma_wait3A_154 : memref<50x64xf32, #tpu.memory_space<hbm>>)
    %dma_wait3A_159 = arith.constant 0 : i32
    %dma_wait3A_160 = arith.constant 250 : i32
    %dma_wait3A_161 = arith.constant 0 : i32
    %dma_wait3A_162 = tpu.memref_slice %arg6[%dma_wait3A_159, %dma_wait3A_160, %dma_wait3A_161] : memref<2x800x64xf32, #tpu.memory_space<vmem>> -> memref<1x50x64xf32, #tpu.memory_space<vmem>>
    %dma_wait3A_163 = tpu.memref_squeeze %dma_wait3A_162 : memref<1x50x64xf32, #tpu.memory_space<vmem>> -> memref<50x64xf32, #tpu.memory_space<vmem>>
    %dma_wait3A_164 = arith.constant 0 : i32
    %dma_wait3A_165 = arith.constant 0 : i32
    %dma_wait3A_166 = tpu.memref_slice %arg4[%add3A_34, %dma_wait3A_164, %dma_wait3A_165] : memref<16384x56x128xf32, #tpu.memory_space<hbm>> -> memref<1x50x64xf32, #tpu.memory_space<hbm>>
    %dma_wait3A_167 = tpu.memref_squeeze %dma_wait3A_166 : memref<1x50x64xf32, #tpu.memory_space<hbm>> -> memref<50x64xf32, #tpu.memory_space<hbm>>
    %dma_wait3A_168 = arith.constant 0 : i32
    %dma_wait3A_169 = arith.constant 0 : i32
    %dma_wait3A_170 = tpu.memref_slice %arg4[%add3A_34, %dma_wait3A_168, %dma_wait3A_169] : memref<16384x56x128xf32, #tpu.memory_space<hbm>> -> memref<1x50x64xf32, #tpu.memory_space<hbm>>
    %dma_wait3A_171 = tpu.memref_squeeze %dma_wait3A_170 : memref<1x50x64xf32, #tpu.memory_space<hbm>> -> memref<50x64xf32, #tpu.memory_space<hbm>>
    %dma_wait3A_172 = arith.constant 250 : i32
    %dma_wait3A_173 = arith.constant 0 : i32
    %dma_wait3A_174 = tpu.memref_slice %arg6[%dma_wait3A_159, %dma_wait3A_172, %dma_wait3A_173] : memref<2x800x64xf32, #tpu.memory_space<vmem>> -> memref<1x50x64xf32, #tpu.memory_space<vmem>>
    %dma_wait3A_175 = tpu.memref_squeeze %dma_wait3A_174 : memref<1x50x64xf32, #tpu.memory_space<vmem>> -> memref<50x64xf32, #tpu.memory_space<vmem>>
    tpu.wait_dma2 semaphore(%arg9 : memref<!tpu.dma_semaphore, #tpu.memory_space<semaphore_mem>>) src(%dma_wait3A_175 : memref<50x64xf32, #tpu.memory_space<vmem>>) dst(%dma_wait3A_171 : memref<50x64xf32, #tpu.memory_space<hbm>>)
    %dma_wait3A_176 = arith.constant 0 : i32
    %dma_wait3A_177 = arith.constant 300 : i32
    %dma_wait3A_178 = arith.constant 0 : i32
    %dma_wait3A_179 = tpu.memref_slice %arg6[%dma_wait3A_176, %dma_wait3A_177, %dma_wait3A_178] : memref<2x800x64xf32, #tpu.memory_space<vmem>> -> memref<1x50x64xf32, #tpu.memory_space<vmem>>
    %dma_wait3A_180 = tpu.memref_squeeze %dma_wait3A_179 : memref<1x50x64xf32, #tpu.memory_space<vmem>> -> memref<50x64xf32, #tpu.memory_space<vmem>>
    %dma_wait3A_181 = arith.constant 0 : i32
    %dma_wait3A_182 = arith.constant 0 : i32
    %dma_wait3A_183 = tpu.memref_slice %arg4[%add3A_38, %dma_wait3A_181, %dma_wait3A_182] : memref<16384x56x128xf32, #tpu.memory_space<hbm>> -> memref<1x50x64xf32, #tpu.memory_space<hbm>>
    %dma_wait3A_184 = tpu.memref_squeeze %dma_wait3A_183 : memref<1x50x64xf32, #tpu.memory_space<hbm>> -> memref<50x64xf32, #tpu.memory_space<hbm>>
    %dma_wait3A_185 = arith.constant 0 : i32
    %dma_wait3A_186 = arith.constant 0 : i32
    %dma_wait3A_187 = tpu.memref_slice %arg4[%add3A_38, %dma_wait3A_185, %dma_wait3A_186] : memref<16384x56x128xf32, #tpu.memory_space<hbm>> -> memref<1x50x64xf32, #tpu.memory_space<hbm>>
    %dma_wait3A_188 = tpu.memref_squeeze %dma_wait3A_187 : memref<1x50x64xf32, #tpu.memory_space<hbm>> -> memref<50x64xf32, #tpu.memory_space<hbm>>
    %dma_wait3A_189 = arith.constant 300 : i32
    %dma_wait3A_190 = arith.constant 0 : i32
    %dma_wait3A_191 = tpu.memref_slice %arg6[%dma_wait3A_176, %dma_wait3A_189, %dma_wait3A_190] : memref<2x800x64xf32, #tpu.memory_space<vmem>> -> memref<1x50x64xf32, #tpu.memory_space<vmem>>
    %dma_wait3A_192 = tpu.memref_squeeze %dma_wait3A_191 : memref<1x50x64xf32, #tpu.memory_space<vmem>> -> memref<50x64xf32, #tpu.memory_space<vmem>>
    tpu.wait_dma2 semaphore(%arg9 : memref<!tpu.dma_semaphore, #tpu.memory_space<semaphore_mem>>) src(%dma_wait3A_192 : memref<50x64xf32, #tpu.memory_space<vmem>>) dst(%dma_wait3A_188 : memref<50x64xf32, #tpu.memory_space<hbm>>)
    %dma_wait3A_193 = arith.constant 0 : i32
    %dma_wait3A_194 = arith.constant 350 : i32
    %dma_wait3A_195 = arith.constant 0 : i32
    %dma_wait3A_196 = tpu.memref_slice %arg6[%dma_wait3A_193, %dma_wait3A_194, %dma_wait3A_195] : memref<2x800x64xf32, #tpu.memory_space<vmem>> -> memref<1x50x64xf32, #tpu.memory_space<vmem>>
    %dma_wait3A_197 = tpu.memref_squeeze %dma_wait3A_196 : memref<1x50x64xf32, #tpu.memory_space<vmem>> -> memref<50x64xf32, #tpu.memory_space<vmem>>
    %dma_wait3A_198 = arith.constant 0 : i32
    %dma_wait3A_199 = arith.constant 0 : i32
    %dma_wait3A_200 = tpu.memref_slice %arg4[%add3A_42, %dma_wait3A_198, %dma_wait3A_199] : memref<16384x56x128xf32, #tpu.memory_space<hbm>> -> memref<1x50x64xf32, #tpu.memory_space<hbm>>
    %dma_wait3A_201 = tpu.memref_squeeze %dma_wait3A_200 : memref<1x50x64xf32, #tpu.memory_space<hbm>> -> memref<50x64xf32, #tpu.memory_space<hbm>>
    %dma_wait3A_202 = arith.constant 0 : i32
    %dma_wait3A_203 = arith.constant 0 : i32
    %dma_wait3A_204 = tpu.memref_slice %arg4[%add3A_42, %dma_wait3A_202, %dma_wait3A_203] : memref<16384x56x128xf32, #tpu.memory_space<hbm>> -> memref<1x50x64xf32, #tpu.memory_space<hbm>>
    %dma_wait3A_205 = tpu.memref_squeeze %dma_wait3A_204 : memref<1x50x64xf32, #tpu.memory_space<hbm>> -> memref<50x64xf32, #tpu.memory_space<hbm>>
    %dma_wait3A_206 = arith.constant 350 : i32
    %dma_wait3A_207 = arith.constant 0 : i32
    %dma_wait3A_208 = tpu.memref_slice %arg6[%dma_wait3A_193, %dma_wait3A_206, %dma_wait3A_207] : memref<2x800x64xf32, #tpu.memory_space<vmem>> -> memref<1x50x64xf32, #tpu.memory_space<vmem>>
    %dma_wait3A_209 = tpu.memref_squeeze %dma_wait3A_208 : memref<1x50x64xf32, #tpu.memory_space<vmem>> -> memref<50x64xf32, #tpu.memory_space<vmem>>
    tpu.wait_dma2 semaphore(%arg9 : memref<!tpu.dma_semaphore, #tpu.memory_space<semaphore_mem>>) src(%dma_wait3A_209 : memref<50x64xf32, #tpu.memory_space<vmem>>) dst(%dma_wait3A_205 : memref<50x64xf32, #tpu.memory_space<hbm>>)
    %dma_wait3A_210 = arith.constant 0 : i32
    %dma_wait3A_211 = arith.constant 400 : i32
    %dma_wait3A_212 = arith.constant 0 : i32
    %dma_wait3A_213 = tpu.memref_slice %arg6[%dma_wait3A_210, %dma_wait3A_211, %dma_wait3A_212] : memref<2x800x64xf32, #tpu.memory_space<vmem>> -> memref<1x50x64xf32, #tpu.memory_space<vmem>>
    %dma_wait3A_214 = tpu.memref_squeeze %dma_wait3A_213 : memref<1x50x64xf32, #tpu.memory_space<vmem>> -> memref<50x64xf32, #tpu.memory_space<vmem>>
    %dma_wait3A_215 = arith.constant 0 : i32
    %dma_wait3A_216 = arith.constant 0 : i32
    %dma_wait3A_217 = tpu.memref_slice %arg4[%add3A_46, %dma_wait3A_215, %dma_wait3A_216] : memref<16384x56x128xf32, #tpu.memory_space<hbm>> -> memref<1x50x64xf32, #tpu.memory_space<hbm>>
    %dma_wait3A_218 = tpu.memref_squeeze %dma_wait3A_217 : memref<1x50x64xf32, #tpu.memory_space<hbm>> -> memref<50x64xf32, #tpu.memory_space<hbm>>
    %dma_wait3A_219 = arith.constant 0 : i32
    %dma_wait3A_220 = arith.constant 0 : i32
    %dma_wait3A_221 = tpu.memref_slice %arg4[%add3A_46, %dma_wait3A_219, %dma_wait3A_220] : memref<16384x56x128xf32, #tpu.memory_space<hbm>> -> memref<1x50x64xf32, #tpu.memory_space<hbm>>
    %dma_wait3A_222 = tpu.memref_squeeze %dma_wait3A_221 : memref<1x50x64xf32, #tpu.memory_space<hbm>> -> memref<50x64xf32, #tpu.memory_space<hbm>>
    %dma_wait3A_223 = arith.constant 400 : i32
    %dma_wait3A_224 = arith.constant 0 : i32
    %dma_wait3A_225 = tpu.memref_slice %arg6[%dma_wait3A_210, %dma_wait3A_223, %dma_wait3A_224] : memref<2x800x64xf32, #tpu.memory_space<vmem>> -> memref<1x50x64xf32, #tpu.memory_space<vmem>>
    %dma_wait3A_226 = tpu.memref_squeeze %dma_wait3A_225 : memref<1x50x64xf32, #tpu.memory_space<vmem>> -> memref<50x64xf32, #tpu.memory_space<vmem>>
    tpu.wait_dma2 semaphore(%arg9 : memref<!tpu.dma_semaphore, #tpu.memory_space<semaphore_mem>>) src(%dma_wait3A_226 : memref<50x64xf32, #tpu.memory_space<vmem>>) dst(%dma_wait3A_222 : memref<50x64xf32, #tpu.memory_space<hbm>>)
    %dma_wait3A_227 = arith.constant 0 : i32
    %dma_wait3A_228 = arith.constant 450 : i32
    %dma_wait3A_229 = arith.constant 0 : i32
    %dma_wait3A_230 = tpu.memref_slice %arg6[%dma_wait3A_227, %dma_wait3A_228, %dma_wait3A_229] : memref<2x800x64xf32, #tpu.memory_space<vmem>> -> memref<1x50x64xf32, #tpu.memory_space<vmem>>
    %dma_wait3A_231 = tpu.memref_squeeze %dma_wait3A_230 : memref<1x50x64xf32, #tpu.memory_space<vmem>> -> memref<50x64xf32, #tpu.memory_space<vmem>>
    %dma_wait3A_232 = arith.constant 0 : i32
    %dma_wait3A_233 = arith.constant 0 : i32
    %dma_wait3A_234 = tpu.memref_slice %arg4[%add3A_50, %dma_wait3A_232, %dma_wait3A_233] : memref<16384x56x128xf32, #tpu.memory_space<hbm>> -> memref<1x50x64xf32, #tpu.memory_space<hbm>>
    %dma_wait3A_235 = tpu.memref_squeeze %dma_wait3A_234 : memref<1x50x64xf32, #tpu.memory_space<hbm>> -> memref<50x64xf32, #tpu.memory_space<hbm>>
    %dma_wait3A_236 = arith.constant 0 : i32
    %dma_wait3A_237 = arith.constant 0 : i32
    %dma_wait3A_238 = tpu.memref_slice %arg4[%add3A_50, %dma_wait3A_236, %dma_wait3A_237] : memref<16384x56x128xf32, #tpu.memory_space<hbm>> -> memref<1x50x64xf32, #tpu.memory_space<hbm>>
    %dma_wait3A_239 = tpu.memref_squeeze %dma_wait3A_238 : memref<1x50x64xf32, #tpu.memory_space<hbm>> -> memref<50x64xf32, #tpu.memory_space<hbm>>
    %dma_wait3A_240 = arith.constant 450 : i32
    %dma_wait3A_241 = arith.constant 0 : i32
    %dma_wait3A_242 = tpu.memref_slice %arg6[%dma_wait3A_227, %dma_wait3A_240, %dma_wait3A_241] : memref<2x800x64xf32, #tpu.memory_space<vmem>> -> memref<1x50x64xf32, #tpu.memory_space<vmem>>
    %dma_wait3A_243 = tpu.memref_squeeze %dma_wait3A_242 : memref<1x50x64xf32, #tpu.memory_space<vmem>> -> memref<50x64xf32, #tpu.memory_space<vmem>>
    tpu.wait_dma2 semaphore(%arg9 : memref<!tpu.dma_semaphore, #tpu.memory_space<semaphore_mem>>) src(%dma_wait3A_243 : memref<50x64xf32, #tpu.memory_space<vmem>>) dst(%dma_wait3A_239 : memref<50x64xf32, #tpu.memory_space<hbm>>)
    %dma_wait3A_244 = arith.constant 0 : i32
    %dma_wait3A_245 = arith.constant 500 : i32
    %dma_wait3A_246 = arith.constant 0 : i32
    %dma_wait3A_247 = tpu.memref_slice %arg6[%dma_wait3A_244, %dma_wait3A_245, %dma_wait3A_246] : memref<2x800x64xf32, #tpu.memory_space<vmem>> -> memref<1x50x64xf32, #tpu.memory_space<vmem>>
    %dma_wait3A_248 = tpu.memref_squeeze %dma_wait3A_247 : memref<1x50x64xf32, #tpu.memory_space<vmem>> -> memref<50x64xf32, #tpu.memory_space<vmem>>
    %dma_wait3A_249 = arith.constant 0 : i32
    %dma_wait3A_250 = arith.constant 0 : i32
    %dma_wait3A_251 = tpu.memref_slice %arg4[%add3A_54, %dma_wait3A_249, %dma_wait3A_250] : memref<16384x56x128xf32, #tpu.memory_space<hbm>> -> memref<1x50x64xf32, #tpu.memory_space<hbm>>
    %dma_wait3A_252 = tpu.memref_squeeze %dma_wait3A_251 : memref<1x50x64xf32, #tpu.memory_space<hbm>> -> memref<50x64xf32, #tpu.memory_space<hbm>>
    %dma_wait3A_253 = arith.constant 0 : i32
    %dma_wait3A_254 = arith.constant 0 : i32
    %dma_wait3A_255 = tpu.memref_slice %arg4[%add3A_54, %dma_wait3A_253, %dma_wait3A_254] : memref<16384x56x128xf32, #tpu.memory_space<hbm>> -> memref<1x50x64xf32, #tpu.memory_space<hbm>>
    %dma_wait3A_256 = tpu.memref_squeeze %dma_wait3A_255 : memref<1x50x64xf32, #tpu.memory_space<hbm>> -> memref<50x64xf32, #tpu.memory_space<hbm>>
    %dma_wait3A_257 = arith.constant 500 : i32
    %dma_wait3A_258 = arith.constant 0 : i32
    %dma_wait3A_259 = tpu.memref_slice %arg6[%dma_wait3A_244, %dma_wait3A_257, %dma_wait3A_258] : memref<2x800x64xf32, #tpu.memory_space<vmem>> -> memref<1x50x64xf32, #tpu.memory_space<vmem>>
    %dma_wait3A_260 = tpu.memref_squeeze %dma_wait3A_259 : memref<1x50x64xf32, #tpu.memory_space<vmem>> -> memref<50x64xf32, #tpu.memory_space<vmem>>
    tpu.wait_dma2 semaphore(%arg9 : memref<!tpu.dma_semaphore, #tpu.memory_space<semaphore_mem>>) src(%dma_wait3A_260 : memref<50x64xf32, #tpu.memory_space<vmem>>) dst(%dma_wait3A_256 : memref<50x64xf32, #tpu.memory_space<hbm>>)
    %dma_wait3A_261 = arith.constant 0 : i32
    %dma_wait3A_262 = arith.constant 550 : i32
    %dma_wait3A_263 = arith.constant 0 : i32
    %dma_wait3A_264 = tpu.memref_slice %arg6[%dma_wait3A_261, %dma_wait3A_262, %dma_wait3A_263] : memref<2x800x64xf32, #tpu.memory_space<vmem>> -> memref<1x50x64xf32, #tpu.memory_space<vmem>>
    %dma_wait3A_265 = tpu.memref_squeeze %dma_wait3A_264 : memref<1x50x64xf32, #tpu.memory_space<vmem>> -> memref<50x64xf32, #tpu.memory_space<vmem>>
    %dma_wait3A_266 = arith.constant 0 : i32
    %dma_wait3A_267 = arith.constant 0 : i32
    %dma_wait3A_268 = tpu.memref_slice %arg4[%add3A_58, %dma_wait3A_266, %dma_wait3A_267] : memref<16384x56x128xf32, #tpu.memory_space<hbm>> -> memref<1x50x64xf32, #tpu.memory_space<hbm>>
    %dma_wait3A_269 = tpu.memref_squeeze %dma_wait3A_268 : memref<1x50x64xf32, #tpu.memory_space<hbm>> -> memref<50x64xf32, #tpu.memory_space<hbm>>
    %dma_wait3A_270 = arith.constant 0 : i32
    %dma_wait3A_271 = arith.constant 0 : i32
    %dma_wait3A_272 = tpu.memref_slice %arg4[%add3A_58, %dma_wait3A_270, %dma_wait3A_271] : memref<16384x56x128xf32, #tpu.memory_space<hbm>> -> memref<1x50x64xf32, #tpu.memory_space<hbm>>
    %dma_wait3A_273 = tpu.memref_squeeze %dma_wait3A_272 : memref<1x50x64xf32, #tpu.memory_space<hbm>> -> memref<50x64xf32, #tpu.memory_space<hbm>>
    %dma_wait3A_274 = arith.constant 550 : i32
    %dma_wait3A_275 = arith.constant 0 : i32
    %dma_wait3A_276 = tpu.memref_slice %arg6[%dma_wait3A_261, %dma_wait3A_274, %dma_wait3A_275] : memref<2x800x64xf32, #tpu.memory_space<vmem>> -> memref<1x50x64xf32, #tpu.memory_space<vmem>>
    %dma_wait3A_277 = tpu.memref_squeeze %dma_wait3A_276 : memref<1x50x64xf32, #tpu.memory_space<vmem>> -> memref<50x64xf32, #tpu.memory_space<vmem>>
    tpu.wait_dma2 semaphore(%arg9 : memref<!tpu.dma_semaphore, #tpu.memory_space<semaphore_mem>>) src(%dma_wait3A_277 : memref<50x64xf32, #tpu.memory_space<vmem>>) dst(%dma_wait3A_273 : memref<50x64xf32, #tpu.memory_space<hbm>>)
    %dma_wait3A_278 = arith.constant 0 : i32
    %dma_wait3A_279 = arith.constant 600 : i32
    %dma_wait3A_280 = arith.constant 0 : i32
    %dma_wait3A_281 = tpu.memref_slice %arg6[%dma_wait3A_278, %dma_wait3A_279, %dma_wait3A_280] : memref<2x800x64xf32, #tpu.memory_space<vmem>> -> memref<1x50x64xf32, #tpu.memory_space<vmem>>
    %dma_wait3A_282 = tpu.memref_squeeze %dma_wait3A_281 : memref<1x50x64xf32, #tpu.memory_space<vmem>> -> memref<50x64xf32, #tpu.memory_space<vmem>>
    %dma_wait3A_283 = arith.constant 0 : i32
    %dma_wait3A_284 = arith.constant 0 : i32
    %dma_wait3A_285 = tpu.memref_slice %arg4[%add3A_62, %dma_wait3A_283, %dma_wait3A_284] : memref<16384x56x128xf32, #tpu.memory_space<hbm>> -> memref<1x50x64xf32, #tpu.memory_space<hbm>>
    %dma_wait3A_286 = tpu.memref_squeeze %dma_wait3A_285 : memref<1x50x64xf32, #tpu.memory_space<hbm>> -> memref<50x64xf32, #tpu.memory_space<hbm>>
    %dma_wait3A_287 = arith.constant 0 : i32
    %dma_wait3A_288 = arith.constant 0 : i32
    %dma_wait3A_289 = tpu.memref_slice %arg4[%add3A_62, %dma_wait3A_287, %dma_wait3A_288] : memref<16384x56x128xf32, #tpu.memory_space<hbm>> -> memref<1x50x64xf32, #tpu.memory_space<hbm>>
    %dma_wait3A_290 = tpu.memref_squeeze %dma_wait3A_289 : memref<1x50x64xf32, #tpu.memory_space<hbm>> -> memref<50x64xf32, #tpu.memory_space<hbm>>
    %dma_wait3A_291 = arith.constant 600 : i32
    %dma_wait3A_292 = arith.constant 0 : i32
    %dma_wait3A_293 = tpu.memref_slice %arg6[%dma_wait3A_278, %dma_wait3A_291, %dma_wait3A_292] : memref<2x800x64xf32, #tpu.memory_space<vmem>> -> memref<1x50x64xf32, #tpu.memory_space<vmem>>
    %dma_wait3A_294 = tpu.memref_squeeze %dma_wait3A_293 : memref<1x50x64xf32, #tpu.memory_space<vmem>> -> memref<50x64xf32, #tpu.memory_space<vmem>>
    tpu.wait_dma2 semaphore(%arg9 : memref<!tpu.dma_semaphore, #tpu.memory_space<semaphore_mem>>) src(%dma_wait3A_294 : memref<50x64xf32, #tpu.memory_space<vmem>>) dst(%dma_wait3A_290 : memref<50x64xf32, #tpu.memory_space<hbm>>)
    %dma_wait3A_295 = arith.constant 0 : i32
    %dma_wait3A_296 = arith.constant 650 : i32
    %dma_wait3A_297 = arith.constant 0 : i32
    %dma_wait3A_298 = tpu.memref_slice %arg6[%dma_wait3A_295, %dma_wait3A_296, %dma_wait3A_297] : memref<2x800x64xf32, #tpu.memory_space<vmem>> -> memref<1x50x64xf32, #tpu.memory_space<vmem>>
    %dma_wait3A_299 = tpu.memref_squeeze %dma_wait3A_298 : memref<1x50x64xf32, #tpu.memory_space<vmem>> -> memref<50x64xf32, #tpu.memory_space<vmem>>
    %dma_wait3A_300 = arith.constant 0 : i32
    %dma_wait3A_301 = arith.constant 0 : i32
    %dma_wait3A_302 = tpu.memref_slice %arg4[%add3A_66, %dma_wait3A_300, %dma_wait3A_301] : memref<16384x56x128xf32, #tpu.memory_space<hbm>> -> memref<1x50x64xf32, #tpu.memory_space<hbm>>
    %dma_wait3A_303 = tpu.memref_squeeze %dma_wait3A_302 : memref<1x50x64xf32, #tpu.memory_space<hbm>> -> memref<50x64xf32, #tpu.memory_space<hbm>>
    %dma_wait3A_304 = arith.constant 0 : i32
    %dma_wait3A_305 = arith.constant 0 : i32
    %dma_wait3A_306 = tpu.memref_slice %arg4[%add3A_66, %dma_wait3A_304, %dma_wait3A_305] : memref<16384x56x128xf32, #tpu.memory_space<hbm>> -> memref<1x50x64xf32, #tpu.memory_space<hbm>>
    %dma_wait3A_307 = tpu.memref_squeeze %dma_wait3A_306 : memref<1x50x64xf32, #tpu.memory_space<hbm>> -> memref<50x64xf32, #tpu.memory_space<hbm>>
    %dma_wait3A_308 = arith.constant 650 : i32
    %dma_wait3A_309 = arith.constant 0 : i32
    %dma_wait3A_310 = tpu.memref_slice %arg6[%dma_wait3A_295, %dma_wait3A_308, %dma_wait3A_309] : memref<2x800x64xf32, #tpu.memory_space<vmem>> -> memref<1x50x64xf32, #tpu.memory_space<vmem>>
    %dma_wait3A_311 = tpu.memref_squeeze %dma_wait3A_310 : memref<1x50x64xf32, #tpu.memory_space<vmem>> -> memref<50x64xf32, #tpu.memory_space<vmem>>
    tpu.wait_dma2 semaphore(%arg9 : memref<!tpu.dma_semaphore, #tpu.memory_space<semaphore_mem>>) src(%dma_wait3A_311 : memref<50x64xf32, #tpu.memory_space<vmem>>) dst(%dma_wait3A_307 : memref<50x64xf32, #tpu.memory_space<hbm>>)
    %dma_wait3A_312 = arith.constant 0 : i32
    %dma_wait3A_313 = arith.constant 700 : i32
    %dma_wait3A_314 = arith.constant 0 : i32
    %dma_wait3A_315 = tpu.memref_slice %arg6[%dma_wait3A_312, %dma_wait3A_313, %dma_wait3A_314] : memref<2x800x64xf32, #tpu.memory_space<vmem>> -> memref<1x50x64xf32, #tpu.memory_space<vmem>>
    %dma_wait3A_316 = tpu.memref_squeeze %dma_wait3A_315 : memref<1x50x64xf32, #tpu.memory_space<vmem>> -> memref<50x64xf32, #tpu.memory_space<vmem>>
    %dma_wait3A_317 = arith.constant 0 : i32
    %dma_wait3A_318 = arith.constant 0 : i32
    %dma_wait3A_319 = tpu.memref_slice %arg4[%add3A_70, %dma_wait3A_317, %dma_wait3A_318] : memref<16384x56x128xf32, #tpu.memory_space<hbm>> -> memref<1x50x64xf32, #tpu.memory_space<hbm>>
    %dma_wait3A_320 = tpu.memref_squeeze %dma_wait3A_319 : memref<1x50x64xf32, #tpu.memory_space<hbm>> -> memref<50x64xf32, #tpu.memory_space<hbm>>
    %dma_wait3A_321 = arith.constant 0 : i32
    %dma_wait3A_322 = arith.constant 0 : i32
    %dma_wait3A_323 = tpu.memref_slice %arg4[%add3A_70, %dma_wait3A_321, %dma_wait3A_322] : memref<16384x56x128xf32, #tpu.memory_space<hbm>> -> memref<1x50x64xf32, #tpu.memory_space<hbm>>
    %dma_wait3A_324 = tpu.memref_squeeze %dma_wait3A_323 : memref<1x50x64xf32, #tpu.memory_space<hbm>> -> memref<50x64xf32, #tpu.memory_space<hbm>>
    %dma_wait3A_325 = arith.constant 700 : i32
    %dma_wait3A_326 = arith.constant 0 : i32
    %dma_wait3A_327 = tpu.memref_slice %arg6[%dma_wait3A_312, %dma_wait3A_325, %dma_wait3A_326] : memref<2x800x64xf32, #tpu.memory_space<vmem>> -> memref<1x50x64xf32, #tpu.memory_space<vmem>>
    %dma_wait3A_328 = tpu.memref_squeeze %dma_wait3A_327 : memref<1x50x64xf32, #tpu.memory_space<vmem>> -> memref<50x64xf32, #tpu.memory_space<vmem>>
    tpu.wait_dma2 semaphore(%arg9 : memref<!tpu.dma_semaphore, #tpu.memory_space<semaphore_mem>>) src(%dma_wait3A_328 : memref<50x64xf32, #tpu.memory_space<vmem>>) dst(%dma_wait3A_324 : memref<50x64xf32, #tpu.memory_space<hbm>>)
    %dma_wait3A_329 = arith.constant 0 : i32
    %dma_wait3A_330 = arith.constant 750 : i32
    %dma_wait3A_331 = arith.constant 0 : i32
    %dma_wait3A_332 = tpu.memref_slice %arg6[%dma_wait3A_329, %dma_wait3A_330, %dma_wait3A_331] : memref<2x800x64xf32, #tpu.memory_space<vmem>> -> memref<1x50x64xf32, #tpu.memory_space<vmem>>
    %dma_wait3A_333 = tpu.memref_squeeze %dma_wait3A_332 : memref<1x50x64xf32, #tpu.memory_space<vmem>> -> memref<50x64xf32, #tpu.memory_space<vmem>>
    %dma_wait3A_334 = arith.constant 0 : i32
    %dma_wait3A_335 = arith.constant 0 : i32
    %dma_wait3A_336 = tpu.memref_slice %arg4[%add3A_74, %dma_wait3A_334, %dma_wait3A_335] : memref<16384x56x128xf32, #tpu.memory_space<hbm>> -> memref<1x50x64xf32, #tpu.memory_space<hbm>>
    %dma_wait3A_337 = tpu.memref_squeeze %dma_wait3A_336 : memref<1x50x64xf32, #tpu.memory_space<hbm>> -> memref<50x64xf32, #tpu.memory_space<hbm>>
    %dma_wait3A_338 = arith.constant 0 : i32
    %dma_wait3A_339 = arith.constant 0 : i32
    %dma_wait3A_340 = tpu.memref_slice %arg4[%add3A_74, %dma_wait3A_338, %dma_wait3A_339] : memref<16384x56x128xf32, #tpu.memory_space<hbm>> -> memref<1x50x64xf32, #tpu.memory_space<hbm>>
    %dma_wait3A_341 = tpu.memref_squeeze %dma_wait3A_340 : memref<1x50x64xf32, #tpu.memory_space<hbm>> -> memref<50x64xf32, #tpu.memory_space<hbm>>
    %dma_wait3A_342 = arith.constant 750 : i32
    %dma_wait3A_343 = arith.constant 0 : i32
    %dma_wait3A_344 = tpu.memref_slice %arg6[%dma_wait3A_329, %dma_wait3A_342, %dma_wait3A_343] : memref<2x800x64xf32, #tpu.memory_space<vmem>> -> memref<1x50x64xf32, #tpu.memory_space<vmem>>
    %dma_wait3A_345 = tpu.memref_squeeze %dma_wait3A_344 : memref<1x50x64xf32, #tpu.memory_space<vmem>> -> memref<50x64xf32, #tpu.memory_space<vmem>>
    tpu.wait_dma2 semaphore(%arg9 : memref<!tpu.dma_semaphore, #tpu.memory_space<semaphore_mem>>) src(%dma_wait3A_345 : memref<50x64xf32, #tpu.memory_space<vmem>>) dst(%dma_wait3A_341 : memref<50x64xf32, #tpu.memory_space<hbm>>)
    %add3A_346 = arith.constant 496 : i32
    %add3A_347 = arith.addi %mul3A_6, %add3A_346 : i32
    %add3A_348 = arith.constant 0 : i32
    %add3A_349 = arith.addi %add3A_347, %add3A_348 : i32
    %add3A_350 = arith.constant 496 : i32
    %add3A_351 = arith.addi %mul3A_6, %add3A_350 : i32
    %add3A_352 = arith.constant 1 : i32
    %add3A_353 = arith.addi %add3A_351, %add3A_352 : i32
    %add3A_354 = arith.constant 496 : i32
    %add3A_355 = arith.addi %mul3A_6, %add3A_354 : i32
    %add3A_356 = arith.constant 2 : i32
    %add3A_357 = arith.addi %add3A_355, %add3A_356 : i32
    %add3A_358 = arith.constant 496 : i32
    %add3A_359 = arith.addi %mul3A_6, %add3A_358 : i32
    %add3A_360 = arith.constant 3 : i32
    %add3A_361 = arith.addi %add3A_359, %add3A_360 : i32
    %add3A_362 = arith.constant 496 : i32
    %add3A_363 = arith.addi %mul3A_6, %add3A_362 : i32
    %add3A_364 = arith.constant 4 : i32
    %add3A_365 = arith.addi %add3A_363, %add3A_364 : i32
    %add3A_366 = arith.constant 496 : i32
    %add3A_367 = arith.addi %mul3A_6, %add3A_366 : i32
    %add3A_368 = arith.constant 5 : i32
    %add3A_369 = arith.addi %add3A_367, %add3A_368 : i32
    %add3A_370 = arith.constant 496 : i32
    %add3A_371 = arith.addi %mul3A_6, %add3A_370 : i32
    %add3A_372 = arith.constant 6 : i32
    %add3A_373 = arith.addi %add3A_371, %add3A_372 : i32
    %add3A_374 = arith.constant 496 : i32
    %add3A_375 = arith.addi %mul3A_6, %add3A_374 : i32
    %add3A_376 = arith.constant 7 : i32
    %add3A_377 = arith.addi %add3A_375, %add3A_376 : i32
    %add3A_378 = arith.constant 496 : i32
    %add3A_379 = arith.addi %mul3A_6, %add3A_378 : i32
    %add3A_380 = arith.constant 8 : i32
    %add3A_381 = arith.addi %add3A_379, %add3A_380 : i32
    %add3A_382 = arith.constant 496 : i32
    %add3A_383 = arith.addi %mul3A_6, %add3A_382 : i32
    %add3A_384 = arith.constant 9 : i32
    %add3A_385 = arith.addi %add3A_383, %add3A_384 : i32
    %add3A_386 = arith.constant 496 : i32
    %add3A_387 = arith.addi %mul3A_6, %add3A_386 : i32
    %add3A_388 = arith.constant 10 : i32
    %add3A_389 = arith.addi %add3A_387, %add3A_388 : i32
    %add3A_390 = arith.constant 496 : i32
    %add3A_391 = arith.addi %mul3A_6, %add3A_390 : i32
    %add3A_392 = arith.constant 11 : i32
    %add3A_393 = arith.addi %add3A_391, %add3A_392 : i32
    %add3A_394 = arith.constant 496 : i32
    %add3A_395 = arith.addi %mul3A_6, %add3A_394 : i32
    %add3A_396 = arith.constant 12 : i32
    %add3A_397 = arith.addi %add3A_395, %add3A_396 : i32
    %add3A_398 = arith.constant 496 : i32
    %add3A_399 = arith.addi %mul3A_6, %add3A_398 : i32
    %add3A_400 = arith.constant 13 : i32
    %add3A_401 = arith.addi %add3A_399, %add3A_400 : i32
    %add3A_402 = arith.constant 496 : i32
    %add3A_403 = arith.addi %mul3A_6, %add3A_402 : i32
    %add3A_404 = arith.constant 14 : i32
    %add3A_405 = arith.addi %add3A_403, %add3A_404 : i32
    %add3A_406 = arith.constant 496 : i32
    %add3A_407 = arith.addi %mul3A_6, %add3A_406 : i32
    %add3A_408 = arith.constant 15 : i32
    %add3A_409 = arith.addi %add3A_407, %add3A_408 : i32
    %dma_wait3A_410 = arith.constant 1 : i32
    %dma_wait3A_411 = arith.constant 0 : i32
    %dma_wait3A_412 = arith.constant 0 : i32
    %dma_wait3A_413 = tpu.memref_slice %arg6[%dma_wait3A_410, %dma_wait3A_411, %dma_wait3A_412] : memref<2x800x64xf32, #tpu.memory_space<vmem>> -> memref<1x50x64xf32, #tpu.memory_space<vmem>>
    %dma_wait3A_414 = tpu.memref_squeeze %dma_wait3A_413 : memref<1x50x64xf32, #tpu.memory_space<vmem>> -> memref<50x64xf32, #tpu.memory_space<vmem>>
    %dma_wait3A_415 = arith.constant 0 : i32
    %dma_wait3A_416 = arith.constant 0 : i32
    %dma_wait3A_417 = tpu.memref_slice %arg4[%add3A_349, %dma_wait3A_415, %dma_wait3A_416] : memref<16384x56x128xf32, #tpu.memory_space<hbm>> -> memref<1x50x64xf32, #tpu.memory_space<hbm>>
    %dma_wait3A_418 = tpu.memref_squeeze %dma_wait3A_417 : memref<1x50x64xf32, #tpu.memory_space<hbm>> -> memref<50x64xf32, #tpu.memory_space<hbm>>
    %dma_wait3A_419 = arith.constant 0 : i32
    %dma_wait3A_420 = arith.constant 0 : i32
    %dma_wait3A_421 = tpu.memref_slice %arg4[%add3A_349, %dma_wait3A_419, %dma_wait3A_420] : memref<16384x56x128xf32, #tpu.memory_space<hbm>> -> memref<1x50x64xf32, #tpu.memory_space<hbm>>
    %dma_wait3A_422 = tpu.memref_squeeze %dma_wait3A_421 : memref<1x50x64xf32, #tpu.memory_space<hbm>> -> memref<50x64xf32, #tpu.memory_space<hbm>>
    %dma_wait3A_423 = arith.constant 0 : i32
    %dma_wait3A_424 = arith.constant 0 : i32
    %dma_wait3A_425 = tpu.memref_slice %arg6[%dma_wait3A_410, %dma_wait3A_423, %dma_wait3A_424] : memref<2x800x64xf32, #tpu.memory_space<vmem>> -> memref<1x50x64xf32, #tpu.memory_space<vmem>>
    %dma_wait3A_426 = tpu.memref_squeeze %dma_wait3A_425 : memref<1x50x64xf32, #tpu.memory_space<vmem>> -> memref<50x64xf32, #tpu.memory_space<vmem>>
    tpu.wait_dma2 semaphore(%arg9 : memref<!tpu.dma_semaphore, #tpu.memory_space<semaphore_mem>>) src(%dma_wait3A_426 : memref<50x64xf32, #tpu.memory_space<vmem>>) dst(%dma_wait3A_422 : memref<50x64xf32, #tpu.memory_space<hbm>>)
    %dma_wait3A_427 = arith.constant 1 : i32
    %dma_wait3A_428 = arith.constant 50 : i32
    %dma_wait3A_429 = arith.constant 0 : i32
    %dma_wait3A_430 = tpu.memref_slice %arg6[%dma_wait3A_427, %dma_wait3A_428, %dma_wait3A_429] : memref<2x800x64xf32, #tpu.memory_space<vmem>> -> memref<1x50x64xf32, #tpu.memory_space<vmem>>
    %dma_wait3A_431 = tpu.memref_squeeze %dma_wait3A_430 : memref<1x50x64xf32, #tpu.memory_space<vmem>> -> memref<50x64xf32, #tpu.memory_space<vmem>>
    %dma_wait3A_432 = arith.constant 0 : i32
    %dma_wait3A_433 = arith.constant 0 : i32
    %dma_wait3A_434 = tpu.memref_slice %arg4[%add3A_353, %dma_wait3A_432, %dma_wait3A_433] : memref<16384x56x128xf32, #tpu.memory_space<hbm>> -> memref<1x50x64xf32, #tpu.memory_space<hbm>>
    %dma_wait3A_435 = tpu.memref_squeeze %dma_wait3A_434 : memref<1x50x64xf32, #tpu.memory_space<hbm>> -> memref<50x64xf32, #tpu.memory_space<hbm>>
    %dma_wait3A_436 = arith.constant 0 : i32
    %dma_wait3A_437 = arith.constant 0 : i32
    %dma_wait3A_438 = tpu.memref_slice %arg4[%add3A_353, %dma_wait3A_436, %dma_wait3A_437] : memref<16384x56x128xf32, #tpu.memory_space<hbm>> -> memref<1x50x64xf32, #tpu.memory_space<hbm>>
    %dma_wait3A_439 = tpu.memref_squeeze %dma_wait3A_438 : memref<1x50x64xf32, #tpu.memory_space<hbm>> -> memref<50x64xf32, #tpu.memory_space<hbm>>
    %dma_wait3A_440 = arith.constant 50 : i32
    %dma_wait3A_441 = arith.constant 0 : i32
    %dma_wait3A_442 = tpu.memref_slice %arg6[%dma_wait3A_427, %dma_wait3A_440, %dma_wait3A_441] : memref<2x800x64xf32, #tpu.memory_space<vmem>> -> memref<1x50x64xf32, #tpu.memory_space<vmem>>
    %dma_wait3A_443 = tpu.memref_squeeze %dma_wait3A_442 : memref<1x50x64xf32, #tpu.memory_space<vmem>> -> memref<50x64xf32, #tpu.memory_space<vmem>>
    tpu.wait_dma2 semaphore(%arg9 : memref<!tpu.dma_semaphore, #tpu.memory_space<semaphore_mem>>) src(%dma_wait3A_443 : memref<50x64xf32, #tpu.memory_space<vmem>>) dst(%dma_wait3A_439 : memref<50x64xf32, #tpu.memory_space<hbm>>)
    %dma_wait3A_444 = arith.constant 1 : i32
    %dma_wait3A_445 = arith.constant 100 : i32
    %dma_wait3A_446 = arith.constant 0 : i32
    %dma_wait3A_447 = tpu.memref_slice %arg6[%dma_wait3A_444, %dma_wait3A_445, %dma_wait3A_446] : memref<2x800x64xf32, #tpu.memory_space<vmem>> -> memref<1x50x64xf32, #tpu.memory_space<vmem>>
    %dma_wait3A_448 = tpu.memref_squeeze %dma_wait3A_447 : memref<1x50x64xf32, #tpu.memory_space<vmem>> -> memref<50x64xf32, #tpu.memory_space<vmem>>
    %dma_wait3A_449 = arith.constant 0 : i32
    %dma_wait3A_450 = arith.constant 0 : i32
    %dma_wait3A_451 = tpu.memref_slice %arg4[%add3A_357, %dma_wait3A_449, %dma_wait3A_450] : memref<16384x56x128xf32, #tpu.memory_space<hbm>> -> memref<1x50x64xf32, #tpu.memory_space<hbm>>
    %dma_wait3A_452 = tpu.memref_squeeze %dma_wait3A_451 : memref<1x50x64xf32, #tpu.memory_space<hbm>> -> memref<50x64xf32, #tpu.memory_space<hbm>>
    %dma_wait3A_453 = arith.constant 0 : i32
    %dma_wait3A_454 = arith.constant 0 : i32
    %dma_wait3A_455 = tpu.memref_slice %arg4[%add3A_357, %dma_wait3A_453, %dma_wait3A_454] : memref<16384x56x128xf32, #tpu.memory_space<hbm>> -> memref<1x50x64xf32, #tpu.memory_space<hbm>>
    %dma_wait3A_456 = tpu.memref_squeeze %dma_wait3A_455 : memref<1x50x64xf32, #tpu.memory_space<hbm>> -> memref<50x64xf32, #tpu.memory_space<hbm>>
    %dma_wait3A_457 = arith.constant 100 : i32
    %dma_wait3A_458 = arith.constant 0 : i32
    %dma_wait3A_459 = tpu.memref_slice %arg6[%dma_wait3A_444, %dma_wait3A_457, %dma_wait3A_458] : memref<2x800x64xf32, #tpu.memory_space<vmem>> -> memref<1x50x64xf32, #tpu.memory_space<vmem>>
    %dma_wait3A_460 = tpu.memref_squeeze %dma_wait3A_459 : memref<1x50x64xf32, #tpu.memory_space<vmem>> -> memref<50x64xf32, #tpu.memory_space<vmem>>
    tpu.wait_dma2 semaphore(%arg9 : memref<!tpu.dma_semaphore, #tpu.memory_space<semaphore_mem>>) src(%dma_wait3A_460 : memref<50x64xf32, #tpu.memory_space<vmem>>) dst(%dma_wait3A_456 : memref<50x64xf32, #tpu.memory_space<hbm>>)
    %dma_wait3A_461 = arith.constant 1 : i32
    %dma_wait3A_462 = arith.constant 150 : i32
    %dma_wait3A_463 = arith.constant 0 : i32
    %dma_wait3A_464 = tpu.memref_slice %arg6[%dma_wait3A_461, %dma_wait3A_462, %dma_wait3A_463] : memref<2x800x64xf32, #tpu.memory_space<vmem>> -> memref<1x50x64xf32, #tpu.memory_space<vmem>>
    %dma_wait3A_465 = tpu.memref_squeeze %dma_wait3A_464 : memref<1x50x64xf32, #tpu.memory_space<vmem>> -> memref<50x64xf32, #tpu.memory_space<vmem>>
    %dma_wait3A_466 = arith.constant 0 : i32
    %dma_wait3A_467 = arith.constant 0 : i32
    %dma_wait3A_468 = tpu.memref_slice %arg4[%add3A_361, %dma_wait3A_466, %dma_wait3A_467] : memref<16384x56x128xf32, #tpu.memory_space<hbm>> -> memref<1x50x64xf32, #tpu.memory_space<hbm>>
    %dma_wait3A_469 = tpu.memref_squeeze %dma_wait3A_468 : memref<1x50x64xf32, #tpu.memory_space<hbm>> -> memref<50x64xf32, #tpu.memory_space<hbm>>
    %dma_wait3A_470 = arith.constant 0 : i32
    %dma_wait3A_471 = arith.constant 0 : i32
    %dma_wait3A_472 = tpu.memref_slice %arg4[%add3A_361, %dma_wait3A_470, %dma_wait3A_471] : memref<16384x56x128xf32, #tpu.memory_space<hbm>> -> memref<1x50x64xf32, #tpu.memory_space<hbm>>
    %dma_wait3A_473 = tpu.memref_squeeze %dma_wait3A_472 : memref<1x50x64xf32, #tpu.memory_space<hbm>> -> memref<50x64xf32, #tpu.memory_space<hbm>>
    %dma_wait3A_474 = arith.constant 150 : i32
    %dma_wait3A_475 = arith.constant 0 : i32
    %dma_wait3A_476 = tpu.memref_slice %arg6[%dma_wait3A_461, %dma_wait3A_474, %dma_wait3A_475] : memref<2x800x64xf32, #tpu.memory_space<vmem>> -> memref<1x50x64xf32, #tpu.memory_space<vmem>>
    %dma_wait3A_477 = tpu.memref_squeeze %dma_wait3A_476 : memref<1x50x64xf32, #tpu.memory_space<vmem>> -> memref<50x64xf32, #tpu.memory_space<vmem>>
    tpu.wait_dma2 semaphore(%arg9 : memref<!tpu.dma_semaphore, #tpu.memory_space<semaphore_mem>>) src(%dma_wait3A_477 : memref<50x64xf32, #tpu.memory_space<vmem>>) dst(%dma_wait3A_473 : memref<50x64xf32, #tpu.memory_space<hbm>>)
    %dma_wait3A_478 = arith.constant 1 : i32
    %dma_wait3A_479 = arith.constant 200 : i32
    %dma_wait3A_480 = arith.constant 0 : i32
    %dma_wait3A_481 = tpu.memref_slice %arg6[%dma_wait3A_478, %dma_wait3A_479, %dma_wait3A_480] : memref<2x800x64xf32, #tpu.memory_space<vmem>> -> memref<1x50x64xf32, #tpu.memory_space<vmem>>
    %dma_wait3A_482 = tpu.memref_squeeze %dma_wait3A_481 : memref<1x50x64xf32, #tpu.memory_space<vmem>> -> memref<50x64xf32, #tpu.memory_space<vmem>>
    %dma_wait3A_483 = arith.constant 0 : i32
    %dma_wait3A_484 = arith.constant 0 : i32
    %dma_wait3A_485 = tpu.memref_slice %arg4[%add3A_365, %dma_wait3A_483, %dma_wait3A_484] : memref<16384x56x128xf32, #tpu.memory_space<hbm>> -> memref<1x50x64xf32, #tpu.memory_space<hbm>>
    %dma_wait3A_486 = tpu.memref_squeeze %dma_wait3A_485 : memref<1x50x64xf32, #tpu.memory_space<hbm>> -> memref<50x64xf32, #tpu.memory_space<hbm>>
    %dma_wait3A_487 = arith.constant 0 : i32
    %dma_wait3A_488 = arith.constant 0 : i32
    %dma_wait3A_489 = tpu.memref_slice %arg4[%add3A_365, %dma_wait3A_487, %dma_wait3A_488] : memref<16384x56x128xf32, #tpu.memory_space<hbm>> -> memref<1x50x64xf32, #tpu.memory_space<hbm>>
    %dma_wait3A_490 = tpu.memref_squeeze %dma_wait3A_489 : memref<1x50x64xf32, #tpu.memory_space<hbm>> -> memref<50x64xf32, #tpu.memory_space<hbm>>
    %dma_wait3A_491 = arith.constant 200 : i32
    %dma_wait3A_492 = arith.constant 0 : i32
    %dma_wait3A_493 = tpu.memref_slice %arg6[%dma_wait3A_478, %dma_wait3A_491, %dma_wait3A_492] : memref<2x800x64xf32, #tpu.memory_space<vmem>> -> memref<1x50x64xf32, #tpu.memory_space<vmem>>
    %dma_wait3A_494 = tpu.memref_squeeze %dma_wait3A_493 : memref<1x50x64xf32, #tpu.memory_space<vmem>> -> memref<50x64xf32, #tpu.memory_space<vmem>>
    tpu.wait_dma2 semaphore(%arg9 : memref<!tpu.dma_semaphore, #tpu.memory_space<semaphore_mem>>) src(%dma_wait3A_494 : memref<50x64xf32, #tpu.memory_space<vmem>>) dst(%dma_wait3A_490 : memref<50x64xf32, #tpu.memory_space<hbm>>)
    %dma_wait3A_495 = arith.constant 1 : i32
    %dma_wait3A_496 = arith.constant 250 : i32
    %dma_wait3A_497 = arith.constant 0 : i32
    %dma_wait3A_498 = tpu.memref_slice %arg6[%dma_wait3A_495, %dma_wait3A_496, %dma_wait3A_497] : memref<2x800x64xf32, #tpu.memory_space<vmem>> -> memref<1x50x64xf32, #tpu.memory_space<vmem>>
    %dma_wait3A_499 = tpu.memref_squeeze %dma_wait3A_498 : memref<1x50x64xf32, #tpu.memory_space<vmem>> -> memref<50x64xf32, #tpu.memory_space<vmem>>
    %dma_wait3A_500 = arith.constant 0 : i32
    %dma_wait3A_501 = arith.constant 0 : i32
    %dma_wait3A_502 = tpu.memref_slice %arg4[%add3A_369, %dma_wait3A_500, %dma_wait3A_501] : memref<16384x56x128xf32, #tpu.memory_space<hbm>> -> memref<1x50x64xf32, #tpu.memory_space<hbm>>
    %dma_wait3A_503 = tpu.memref_squeeze %dma_wait3A_502 : memref<1x50x64xf32, #tpu.memory_space<hbm>> -> memref<50x64xf32, #tpu.memory_space<hbm>>
    %dma_wait3A_504 = arith.constant 0 : i32
    %dma_wait3A_505 = arith.constant 0 : i32
    %dma_wait3A_506 = tpu.memref_slice %arg4[%add3A_369, %dma_wait3A_504, %dma_wait3A_505] : memref<16384x56x128xf32, #tpu.memory_space<hbm>> -> memref<1x50x64xf32, #tpu.memory_space<hbm>>
    %dma_wait3A_507 = tpu.memref_squeeze %dma_wait3A_506 : memref<1x50x64xf32, #tpu.memory_space<hbm>> -> memref<50x64xf32, #tpu.memory_space<hbm>>
    %dma_wait3A_508 = arith.constant 250 : i32
    %dma_wait3A_509 = arith.constant 0 : i32
    %dma_wait3A_510 = tpu.memref_slice %arg6[%dma_wait3A_495, %dma_wait3A_508, %dma_wait3A_509] : memref<2x800x64xf32, #tpu.memory_space<vmem>> -> memref<1x50x64xf32, #tpu.memory_space<vmem>>
    %dma_wait3A_511 = tpu.memref_squeeze %dma_wait3A_510 : memref<1x50x64xf32, #tpu.memory_space<vmem>> -> memref<50x64xf32, #tpu.memory_space<vmem>>
    tpu.wait_dma2 semaphore(%arg9 : memref<!tpu.dma_semaphore, #tpu.memory_space<semaphore_mem>>) src(%dma_wait3A_511 : memref<50x64xf32, #tpu.memory_space<vmem>>) dst(%dma_wait3A_507 : memref<50x64xf32, #tpu.memory_space<hbm>>)
    %dma_wait3A_512 = arith.constant 1 : i32
    %dma_wait3A_513 = arith.constant 300 : i32
    %dma_wait3A_514 = arith.constant 0 : i32
    %dma_wait3A_515 = tpu.memref_slice %arg6[%dma_wait3A_512, %dma_wait3A_513, %dma_wait3A_514] : memref<2x800x64xf32, #tpu.memory_space<vmem>> -> memref<1x50x64xf32, #tpu.memory_space<vmem>>
    %dma_wait3A_516 = tpu.memref_squeeze %dma_wait3A_515 : memref<1x50x64xf32, #tpu.memory_space<vmem>> -> memref<50x64xf32, #tpu.memory_space<vmem>>
    %dma_wait3A_517 = arith.constant 0 : i32
    %dma_wait3A_518 = arith.constant 0 : i32
    %dma_wait3A_519 = tpu.memref_slice %arg4[%add3A_373, %dma_wait3A_517, %dma_wait3A_518] : memref<16384x56x128xf32, #tpu.memory_space<hbm>> -> memref<1x50x64xf32, #tpu.memory_space<hbm>>
    %dma_wait3A_520 = tpu.memref_squeeze %dma_wait3A_519 : memref<1x50x64xf32, #tpu.memory_space<hbm>> -> memref<50x64xf32, #tpu.memory_space<hbm>>
    %dma_wait3A_521 = arith.constant 0 : i32
    %dma_wait3A_522 = arith.constant 0 : i32
    %dma_wait3A_523 = tpu.memref_slice %arg4[%add3A_373, %dma_wait3A_521, %dma_wait3A_522] : memref<16384x56x128xf32, #tpu.memory_space<hbm>> -> memref<1x50x64xf32, #tpu.memory_space<hbm>>
    %dma_wait3A_524 = tpu.memref_squeeze %dma_wait3A_523 : memref<1x50x64xf32, #tpu.memory_space<hbm>> -> memref<50x64xf32, #tpu.memory_space<hbm>>
    %dma_wait3A_525 = arith.constant 300 : i32
    %dma_wait3A_526 = arith.constant 0 : i32
    %dma_wait3A_527 = tpu.memref_slice %arg6[%dma_wait3A_512, %dma_wait3A_525, %dma_wait3A_526] : memref<2x800x64xf32, #tpu.memory_space<vmem>> -> memref<1x50x64xf32, #tpu.memory_space<vmem>>
    %dma_wait3A_528 = tpu.memref_squeeze %dma_wait3A_527 : memref<1x50x64xf32, #tpu.memory_space<vmem>> -> memref<50x64xf32, #tpu.memory_space<vmem>>
    tpu.wait_dma2 semaphore(%arg9 : memref<!tpu.dma_semaphore, #tpu.memory_space<semaphore_mem>>) src(%dma_wait3A_528 : memref<50x64xf32, #tpu.memory_space<vmem>>) dst(%dma_wait3A_524 : memref<50x64xf32, #tpu.memory_space<hbm>>)
    %dma_wait3A_529 = arith.constant 1 : i32
    %dma_wait3A_530 = arith.constant 350 : i32
    %dma_wait3A_531 = arith.constant 0 : i32
    %dma_wait3A_532 = tpu.memref_slice %arg6[%dma_wait3A_529, %dma_wait3A_530, %dma_wait3A_531] : memref<2x800x64xf32, #tpu.memory_space<vmem>> -> memref<1x50x64xf32, #tpu.memory_space<vmem>>
    %dma_wait3A_533 = tpu.memref_squeeze %dma_wait3A_532 : memref<1x50x64xf32, #tpu.memory_space<vmem>> -> memref<50x64xf32, #tpu.memory_space<vmem>>
    %dma_wait3A_534 = arith.constant 0 : i32
    %dma_wait3A_535 = arith.constant 0 : i32
    %dma_wait3A_536 = tpu.memref_slice %arg4[%add3A_377, %dma_wait3A_534, %dma_wait3A_535] : memref<16384x56x128xf32, #tpu.memory_space<hbm>> -> memref<1x50x64xf32, #tpu.memory_space<hbm>>
    %dma_wait3A_537 = tpu.memref_squeeze %dma_wait3A_536 : memref<1x50x64xf32, #tpu.memory_space<hbm>> -> memref<50x64xf32, #tpu.memory_space<hbm>>
    %dma_wait3A_538 = arith.constant 0 : i32
    %dma_wait3A_539 = arith.constant 0 : i32
    %dma_wait3A_540 = tpu.memref_slice %arg4[%add3A_377, %dma_wait3A_538, %dma_wait3A_539] : memref<16384x56x128xf32, #tpu.memory_space<hbm>> -> memref<1x50x64xf32, #tpu.memory_space<hbm>>
    %dma_wait3A_541 = tpu.memref_squeeze %dma_wait3A_540 : memref<1x50x64xf32, #tpu.memory_space<hbm>> -> memref<50x64xf32, #tpu.memory_space<hbm>>
    %dma_wait3A_542 = arith.constant 350 : i32
    %dma_wait3A_543 = arith.constant 0 : i32
    %dma_wait3A_544 = tpu.memref_slice %arg6[%dma_wait3A_529, %dma_wait3A_542, %dma_wait3A_543] : memref<2x800x64xf32, #tpu.memory_space<vmem>> -> memref<1x50x64xf32, #tpu.memory_space<vmem>>
    %dma_wait3A_545 = tpu.memref_squeeze %dma_wait3A_544 : memref<1x50x64xf32, #tpu.memory_space<vmem>> -> memref<50x64xf32, #tpu.memory_space<vmem>>
    tpu.wait_dma2 semaphore(%arg9 : memref<!tpu.dma_semaphore, #tpu.memory_space<semaphore_mem>>) src(%dma_wait3A_545 : memref<50x64xf32, #tpu.memory_space<vmem>>) dst(%dma_wait3A_541 : memref<50x64xf32, #tpu.memory_space<hbm>>)
    %dma_wait3A_546 = arith.constant 1 : i32
    %dma_wait3A_547 = arith.constant 400 : i32
    %dma_wait3A_548 = arith.constant 0 : i32
    %dma_wait3A_549 = tpu.memref_slice %arg6[%dma_wait3A_546, %dma_wait3A_547, %dma_wait3A_548] : memref<2x800x64xf32, #tpu.memory_space<vmem>> -> memref<1x50x64xf32, #tpu.memory_space<vmem>>
    %dma_wait3A_550 = tpu.memref_squeeze %dma_wait3A_549 : memref<1x50x64xf32, #tpu.memory_space<vmem>> -> memref<50x64xf32, #tpu.memory_space<vmem>>
    %dma_wait3A_551 = arith.constant 0 : i32
    %dma_wait3A_552 = arith.constant 0 : i32
    %dma_wait3A_553 = tpu.memref_slice %arg4[%add3A_381, %dma_wait3A_551, %dma_wait3A_552] : memref<16384x56x128xf32, #tpu.memory_space<hbm>> -> memref<1x50x64xf32, #tpu.memory_space<hbm>>
    %dma_wait3A_554 = tpu.memref_squeeze %dma_wait3A_553 : memref<1x50x64xf32, #tpu.memory_space<hbm>> -> memref<50x64xf32, #tpu.memory_space<hbm>>
    %dma_wait3A_555 = arith.constant 0 : i32
    %dma_wait3A_556 = arith.constant 0 : i32
    %dma_wait3A_557 = tpu.memref_slice %arg4[%add3A_381, %dma_wait3A_555, %dma_wait3A_556] : memref<16384x56x128xf32, #tpu.memory_space<hbm>> -> memref<1x50x64xf32, #tpu.memory_space<hbm>>
    %dma_wait3A_558 = tpu.memref_squeeze %dma_wait3A_557 : memref<1x50x64xf32, #tpu.memory_space<hbm>> -> memref<50x64xf32, #tpu.memory_space<hbm>>
    %dma_wait3A_559 = arith.constant 400 : i32
    %dma_wait3A_560 = arith.constant 0 : i32
    %dma_wait3A_561 = tpu.memref_slice %arg6[%dma_wait3A_546, %dma_wait3A_559, %dma_wait3A_560] : memref<2x800x64xf32, #tpu.memory_space<vmem>> -> memref<1x50x64xf32, #tpu.memory_space<vmem>>
    %dma_wait3A_562 = tpu.memref_squeeze %dma_wait3A_561 : memref<1x50x64xf32, #tpu.memory_space<vmem>> -> memref<50x64xf32, #tpu.memory_space<vmem>>
    tpu.wait_dma2 semaphore(%arg9 : memref<!tpu.dma_semaphore, #tpu.memory_space<semaphore_mem>>) src(%dma_wait3A_562 : memref<50x64xf32, #tpu.memory_space<vmem>>) dst(%dma_wait3A_558 : memref<50x64xf32, #tpu.memory_space<hbm>>)
    %dma_wait3A_563 = arith.constant 1 : i32
    %dma_wait3A_564 = arith.constant 450 : i32
    %dma_wait3A_565 = arith.constant 0 : i32
    %dma_wait3A_566 = tpu.memref_slice %arg6[%dma_wait3A_563, %dma_wait3A_564, %dma_wait3A_565] : memref<2x800x64xf32, #tpu.memory_space<vmem>> -> memref<1x50x64xf32, #tpu.memory_space<vmem>>
    %dma_wait3A_567 = tpu.memref_squeeze %dma_wait3A_566 : memref<1x50x64xf32, #tpu.memory_space<vmem>> -> memref<50x64xf32, #tpu.memory_space<vmem>>
    %dma_wait3A_568 = arith.constant 0 : i32
    %dma_wait3A_569 = arith.constant 0 : i32
    %dma_wait3A_570 = tpu.memref_slice %arg4[%add3A_385, %dma_wait3A_568, %dma_wait3A_569] : memref<16384x56x128xf32, #tpu.memory_space<hbm>> -> memref<1x50x64xf32, #tpu.memory_space<hbm>>
    %dma_wait3A_571 = tpu.memref_squeeze %dma_wait3A_570 : memref<1x50x64xf32, #tpu.memory_space<hbm>> -> memref<50x64xf32, #tpu.memory_space<hbm>>
    %dma_wait3A_572 = arith.constant 0 : i32
    %dma_wait3A_573 = arith.constant 0 : i32
    %dma_wait3A_574 = tpu.memref_slice %arg4[%add3A_385, %dma_wait3A_572, %dma_wait3A_573] : memref<16384x56x128xf32, #tpu.memory_space<hbm>> -> memref<1x50x64xf32, #tpu.memory_space<hbm>>
    %dma_wait3A_575 = tpu.memref_squeeze %dma_wait3A_574 : memref<1x50x64xf32, #tpu.memory_space<hbm>> -> memref<50x64xf32, #tpu.memory_space<hbm>>
    %dma_wait3A_576 = arith.constant 450 : i32
    %dma_wait3A_577 = arith.constant 0 : i32
    %dma_wait3A_578 = tpu.memref_slice %arg6[%dma_wait3A_563, %dma_wait3A_576, %dma_wait3A_577] : memref<2x800x64xf32, #tpu.memory_space<vmem>> -> memref<1x50x64xf32, #tpu.memory_space<vmem>>
    %dma_wait3A_579 = tpu.memref_squeeze %dma_wait3A_578 : memref<1x50x64xf32, #tpu.memory_space<vmem>> -> memref<50x64xf32, #tpu.memory_space<vmem>>
    tpu.wait_dma2 semaphore(%arg9 : memref<!tpu.dma_semaphore, #tpu.memory_space<semaphore_mem>>) src(%dma_wait3A_579 : memref<50x64xf32, #tpu.memory_space<vmem>>) dst(%dma_wait3A_575 : memref<50x64xf32, #tpu.memory_space<hbm>>)
    %dma_wait3A_580 = arith.constant 1 : i32
    %dma_wait3A_581 = arith.constant 500 : i32
    %dma_wait3A_582 = arith.constant 0 : i32
    %dma_wait3A_583 = tpu.memref_slice %arg6[%dma_wait3A_580, %dma_wait3A_581, %dma_wait3A_582] : memref<2x800x64xf32, #tpu.memory_space<vmem>> -> memref<1x50x64xf32, #tpu.memory_space<vmem>>
    %dma_wait3A_584 = tpu.memref_squeeze %dma_wait3A_583 : memref<1x50x64xf32, #tpu.memory_space<vmem>> -> memref<50x64xf32, #tpu.memory_space<vmem>>
    %dma_wait3A_585 = arith.constant 0 : i32
    %dma_wait3A_586 = arith.constant 0 : i32
    %dma_wait3A_587 = tpu.memref_slice %arg4[%add3A_389, %dma_wait3A_585, %dma_wait3A_586] : memref<16384x56x128xf32, #tpu.memory_space<hbm>> -> memref<1x50x64xf32, #tpu.memory_space<hbm>>
    %dma_wait3A_588 = tpu.memref_squeeze %dma_wait3A_587 : memref<1x50x64xf32, #tpu.memory_space<hbm>> -> memref<50x64xf32, #tpu.memory_space<hbm>>
    %dma_wait3A_589 = arith.constant 0 : i32
    %dma_wait3A_590 = arith.constant 0 : i32
    %dma_wait3A_591 = tpu.memref_slice %arg4[%add3A_389, %dma_wait3A_589, %dma_wait3A_590] : memref<16384x56x128xf32, #tpu.memory_space<hbm>> -> memref<1x50x64xf32, #tpu.memory_space<hbm>>
    %dma_wait3A_592 = tpu.memref_squeeze %dma_wait3A_591 : memref<1x50x64xf32, #tpu.memory_space<hbm>> -> memref<50x64xf32, #tpu.memory_space<hbm>>
    %dma_wait3A_593 = arith.constant 500 : i32
    %dma_wait3A_594 = arith.constant 0 : i32
    %dma_wait3A_595 = tpu.memref_slice %arg6[%dma_wait3A_580, %dma_wait3A_593, %dma_wait3A_594] : memref<2x800x64xf32, #tpu.memory_space<vmem>> -> memref<1x50x64xf32, #tpu.memory_space<vmem>>
    %dma_wait3A_596 = tpu.memref_squeeze %dma_wait3A_595 : memref<1x50x64xf32, #tpu.memory_space<vmem>> -> memref<50x64xf32, #tpu.memory_space<vmem>>
    tpu.wait_dma2 semaphore(%arg9 : memref<!tpu.dma_semaphore, #tpu.memory_space<semaphore_mem>>) src(%dma_wait3A_596 : memref<50x64xf32, #tpu.memory_space<vmem>>) dst(%dma_wait3A_592 : memref<50x64xf32, #tpu.memory_space<hbm>>)
    %dma_wait3A_597 = arith.constant 1 : i32
    %dma_wait3A_598 = arith.constant 550 : i32
    %dma_wait3A_599 = arith.constant 0 : i32
    %dma_wait3A_600 = tpu.memref_slice %arg6[%dma_wait3A_597, %dma_wait3A_598, %dma_wait3A_599] : memref<2x800x64xf32, #tpu.memory_space<vmem>> -> memref<1x50x64xf32, #tpu.memory_space<vmem>>
    %dma_wait3A_601 = tpu.memref_squeeze %dma_wait3A_600 : memref<1x50x64xf32, #tpu.memory_space<vmem>> -> memref<50x64xf32, #tpu.memory_space<vmem>>
    %dma_wait3A_602 = arith.constant 0 : i32
    %dma_wait3A_603 = arith.constant 0 : i32
    %dma_wait3A_604 = tpu.memref_slice %arg4[%add3A_393, %dma_wait3A_602, %dma_wait3A_603] : memref<16384x56x128xf32, #tpu.memory_space<hbm>> -> memref<1x50x64xf32, #tpu.memory_space<hbm>>
    %dma_wait3A_605 = tpu.memref_squeeze %dma_wait3A_604 : memref<1x50x64xf32, #tpu.memory_space<hbm>> -> memref<50x64xf32, #tpu.memory_space<hbm>>
    %dma_wait3A_606 = arith.constant 0 : i32
    %dma_wait3A_607 = arith.constant 0 : i32
    %dma_wait3A_608 = tpu.memref_slice %arg4[%add3A_393, %dma_wait3A_606, %dma_wait3A_607] : memref<16384x56x128xf32, #tpu.memory_space<hbm>> -> memref<1x50x64xf32, #tpu.memory_space<hbm>>
    %dma_wait3A_609 = tpu.memref_squeeze %dma_wait3A_608 : memref<1x50x64xf32, #tpu.memory_space<hbm>> -> memref<50x64xf32, #tpu.memory_space<hbm>>
    %dma_wait3A_610 = arith.constant 550 : i32
    %dma_wait3A_611 = arith.constant 0 : i32
    %dma_wait3A_612 = tpu.memref_slice %arg6[%dma_wait3A_597, %dma_wait3A_610, %dma_wait3A_611] : memref<2x800x64xf32, #tpu.memory_space<vmem>> -> memref<1x50x64xf32, #tpu.memory_space<vmem>>
    %dma_wait3A_613 = tpu.memref_squeeze %dma_wait3A_612 : memref<1x50x64xf32, #tpu.memory_space<vmem>> -> memref<50x64xf32, #tpu.memory_space<vmem>>
    tpu.wait_dma2 semaphore(%arg9 : memref<!tpu.dma_semaphore, #tpu.memory_space<semaphore_mem>>) src(%dma_wait3A_613 : memref<50x64xf32, #tpu.memory_space<vmem>>) dst(%dma_wait3A_609 : memref<50x64xf32, #tpu.memory_space<hbm>>)
    %dma_wait3A_614 = arith.constant 1 : i32
    %dma_wait3A_615 = arith.constant 600 : i32
    %dma_wait3A_616 = arith.constant 0 : i32
    %dma_wait3A_617 = tpu.memref_slice %arg6[%dma_wait3A_614, %dma_wait3A_615, %dma_wait3A_616] : memref<2x800x64xf32, #tpu.memory_space<vmem>> -> memref<1x50x64xf32, #tpu.memory_space<vmem>>
    %dma_wait3A_618 = tpu.memref_squeeze %dma_wait3A_617 : memref<1x50x64xf32, #tpu.memory_space<vmem>> -> memref<50x64xf32, #tpu.memory_space<vmem>>
    %dma_wait3A_619 = arith.constant 0 : i32
    %dma_wait3A_620 = arith.constant 0 : i32
    %dma_wait3A_621 = tpu.memref_slice %arg4[%add3A_397, %dma_wait3A_619, %dma_wait3A_620] : memref<16384x56x128xf32, #tpu.memory_space<hbm>> -> memref<1x50x64xf32, #tpu.memory_space<hbm>>
    %dma_wait3A_622 = tpu.memref_squeeze %dma_wait3A_621 : memref<1x50x64xf32, #tpu.memory_space<hbm>> -> memref<50x64xf32, #tpu.memory_space<hbm>>
    %dma_wait3A_623 = arith.constant 0 : i32
    %dma_wait3A_624 = arith.constant 0 : i32
    %dma_wait3A_625 = tpu.memref_slice %arg4[%add3A_397, %dma_wait3A_623, %dma_wait3A_624] : memref<16384x56x128xf32, #tpu.memory_space<hbm>> -> memref<1x50x64xf32, #tpu.memory_space<hbm>>
    %dma_wait3A_626 = tpu.memref_squeeze %dma_wait3A_625 : memref<1x50x64xf32, #tpu.memory_space<hbm>> -> memref<50x64xf32, #tpu.memory_space<hbm>>
    %dma_wait3A_627 = arith.constant 600 : i32
    %dma_wait3A_628 = arith.constant 0 : i32
    %dma_wait3A_629 = tpu.memref_slice %arg6[%dma_wait3A_614, %dma_wait3A_627, %dma_wait3A_628] : memref<2x800x64xf32, #tpu.memory_space<vmem>> -> memref<1x50x64xf32, #tpu.memory_space<vmem>>
    %dma_wait3A_630 = tpu.memref_squeeze %dma_wait3A_629 : memref<1x50x64xf32, #tpu.memory_space<vmem>> -> memref<50x64xf32, #tpu.memory_space<vmem>>
    tpu.wait_dma2 semaphore(%arg9 : memref<!tpu.dma_semaphore, #tpu.memory_space<semaphore_mem>>) src(%dma_wait3A_630 : memref<50x64xf32, #tpu.memory_space<vmem>>) dst(%dma_wait3A_626 : memref<50x64xf32, #tpu.memory_space<hbm>>)
    %dma_wait3A_631 = arith.constant 1 : i32
    %dma_wait3A_632 = arith.constant 650 : i32
    %dma_wait3A_633 = arith.constant 0 : i32
    %dma_wait3A_634 = tpu.memref_slice %arg6[%dma_wait3A_631, %dma_wait3A_632, %dma_wait3A_633] : memref<2x800x64xf32, #tpu.memory_space<vmem>> -> memref<1x50x64xf32, #tpu.memory_space<vmem>>
    %dma_wait3A_635 = tpu.memref_squeeze %dma_wait3A_634 : memref<1x50x64xf32, #tpu.memory_space<vmem>> -> memref<50x64xf32, #tpu.memory_space<vmem>>
    %dma_wait3A_636 = arith.constant 0 : i32
    %dma_wait3A_637 = arith.constant 0 : i32
    %dma_wait3A_638 = tpu.memref_slice %arg4[%add3A_401, %dma_wait3A_636, %dma_wait3A_637] : memref<16384x56x128xf32, #tpu.memory_space<hbm>> -> memref<1x50x64xf32, #tpu.memory_space<hbm>>
    %dma_wait3A_639 = tpu.memref_squeeze %dma_wait3A_638 : memref<1x50x64xf32, #tpu.memory_space<hbm>> -> memref<50x64xf32, #tpu.memory_space<hbm>>
    %dma_wait3A_640 = arith.constant 0 : i32
    %dma_wait3A_641 = arith.constant 0 : i32
    %dma_wait3A_642 = tpu.memref_slice %arg4[%add3A_401, %dma_wait3A_640, %dma_wait3A_641] : memref<16384x56x128xf32, #tpu.memory_space<hbm>> -> memref<1x50x64xf32, #tpu.memory_space<hbm>>
    %dma_wait3A_643 = tpu.memref_squeeze %dma_wait3A_642 : memref<1x50x64xf32, #tpu.memory_space<hbm>> -> memref<50x64xf32, #tpu.memory_space<hbm>>
    %dma_wait3A_644 = arith.constant 650 : i32
    %dma_wait3A_645 = arith.constant 0 : i32
    %dma_wait3A_646 = tpu.memref_slice %arg6[%dma_wait3A_631, %dma_wait3A_644, %dma_wait3A_645] : memref<2x800x64xf32, #tpu.memory_space<vmem>> -> memref<1x50x64xf32, #tpu.memory_space<vmem>>
    %dma_wait3A_647 = tpu.memref_squeeze %dma_wait3A_646 : memref<1x50x64xf32, #tpu.memory_space<vmem>> -> memref<50x64xf32, #tpu.memory_space<vmem>>
    tpu.wait_dma2 semaphore(%arg9 : memref<!tpu.dma_semaphore, #tpu.memory_space<semaphore_mem>>) src(%dma_wait3A_647 : memref<50x64xf32, #tpu.memory_space<vmem>>) dst(%dma_wait3A_643 : memref<50x64xf32, #tpu.memory_space<hbm>>)
    %dma_wait3A_648 = arith.constant 1 : i32
    %dma_wait3A_649 = arith.constant 700 : i32
    %dma_wait3A_650 = arith.constant 0 : i32
    %dma_wait3A_651 = tpu.memref_slice %arg6[%dma_wait3A_648, %dma_wait3A_649, %dma_wait3A_650] : memref<2x800x64xf32, #tpu.memory_space<vmem>> -> memref<1x50x64xf32, #tpu.memory_space<vmem>>
    %dma_wait3A_652 = tpu.memref_squeeze %dma_wait3A_651 : memref<1x50x64xf32, #tpu.memory_space<vmem>> -> memref<50x64xf32, #tpu.memory_space<vmem>>
    %dma_wait3A_653 = arith.constant 0 : i32
    %dma_wait3A_654 = arith.constant 0 : i32
    %dma_wait3A_655 = tpu.memref_slice %arg4[%add3A_405, %dma_wait3A_653, %dma_wait3A_654] : memref<16384x56x128xf32, #tpu.memory_space<hbm>> -> memref<1x50x64xf32, #tpu.memory_space<hbm>>
    %dma_wait3A_656 = tpu.memref_squeeze %dma_wait3A_655 : memref<1x50x64xf32, #tpu.memory_space<hbm>> -> memref<50x64xf32, #tpu.memory_space<hbm>>
    %dma_wait3A_657 = arith.constant 0 : i32
    %dma_wait3A_658 = arith.constant 0 : i32
    %dma_wait3A_659 = tpu.memref_slice %arg4[%add3A_405, %dma_wait3A_657, %dma_wait3A_658] : memref<16384x56x128xf32, #tpu.memory_space<hbm>> -> memref<1x50x64xf32, #tpu.memory_space<hbm>>
    %dma_wait3A_660 = tpu.memref_squeeze %dma_wait3A_659 : memref<1x50x64xf32, #tpu.memory_space<hbm>> -> memref<50x64xf32, #tpu.memory_space<hbm>>
    %dma_wait3A_661 = arith.constant 700 : i32
    %dma_wait3A_662 = arith.constant 0 : i32
    %dma_wait3A_663 = tpu.memref_slice %arg6[%dma_wait3A_648, %dma_wait3A_661, %dma_wait3A_662] : memref<2x800x64xf32, #tpu.memory_space<vmem>> -> memref<1x50x64xf32, #tpu.memory_space<vmem>>
    %dma_wait3A_664 = tpu.memref_squeeze %dma_wait3A_663 : memref<1x50x64xf32, #tpu.memory_space<vmem>> -> memref<50x64xf32, #tpu.memory_space<vmem>>
    tpu.wait_dma2 semaphore(%arg9 : memref<!tpu.dma_semaphore, #tpu.memory_space<semaphore_mem>>) src(%dma_wait3A_664 : memref<50x64xf32, #tpu.memory_space<vmem>>) dst(%dma_wait3A_660 : memref<50x64xf32, #tpu.memory_space<hbm>>)
    %dma_wait3A_665 = arith.constant 1 : i32
    %dma_wait3A_666 = arith.constant 750 : i32
    %dma_wait3A_667 = arith.constant 0 : i32
    %dma_wait3A_668 = tpu.memref_slice %arg6[%dma_wait3A_665, %dma_wait3A_666, %dma_wait3A_667] : memref<2x800x64xf32, #tpu.memory_space<vmem>> -> memref<1x50x64xf32, #tpu.memory_space<vmem>>
    %dma_wait3A_669 = tpu.memref_squeeze %dma_wait3A_668 : memref<1x50x64xf32, #tpu.memory_space<vmem>> -> memref<50x64xf32, #tpu.memory_space<vmem>>
    %dma_wait3A_670 = arith.constant 0 : i32
    %dma_wait3A_671 = arith.constant 0 : i32
    %dma_wait3A_672 = tpu.memref_slice %arg4[%add3A_409, %dma_wait3A_670, %dma_wait3A_671] : memref<16384x56x128xf32, #tpu.memory_space<hbm>> -> memref<1x50x64xf32, #tpu.memory_space<hbm>>
    %dma_wait3A_673 = tpu.memref_squeeze %dma_wait3A_672 : memref<1x50x64xf32, #tpu.memory_space<hbm>> -> memref<50x64xf32, #tpu.memory_space<hbm>>
    %dma_wait3A_674 = arith.constant 0 : i32
    %dma_wait3A_675 = arith.constant 0 : i32
    %dma_wait3A_676 = tpu.memref_slice %arg4[%add3A_409, %dma_wait3A_674, %dma_wait3A_675] : memref<16384x56x128xf32, #tpu.memory_space<hbm>> -> memref<1x50x64xf32, #tpu.memory_space<hbm>>
    %dma_wait3A_677 = tpu.memref_squeeze %dma_wait3A_676 : memref<1x50x64xf32, #tpu.memory_space<hbm>> -> memref<50x64xf32, #tpu.memory_space<hbm>>
    %dma_wait3A_678 = arith.constant 750 : i32
    %dma_wait3A_679 = arith.constant 0 : i32
    %dma_wait3A_680 = tpu.memref_slice %arg6[%dma_wait3A_665, %dma_wait3A_678, %dma_wait3A_679] : memref<2x800x64xf32, #tpu.memory_space<vmem>> -> memref<1x50x64xf32, #tpu.memory_space<vmem>>
    %dma_wait3A_681 = tpu.memref_squeeze %dma_wait3A_680 : memref<1x50x64xf32, #tpu.memory_space<vmem>> -> memref<50x64xf32, #tpu.memory_space<vmem>>
    tpu.wait_dma2 semaphore(%arg9 : memref<!tpu.dma_semaphore, #tpu.memory_space<semaphore_mem>>) src(%dma_wait3A_681 : memref<50x64xf32, #tpu.memory_space<vmem>>) dst(%dma_wait3A_677 : memref<50x64xf32, #tpu.memory_space<hbm>>)
    return
  }
}

</mosaic_0001>

<sc_bundles>
// kernel: run.3.cloned.1.call-start
scs
__scs_entry_jumppad:
0x0: {  	(pc) =	sbr.rel $0x88, $3  }
0x1: {  	(tag) =	ssettag $0x0;
	lr =	simm.s32 $0x1  }
0x2: {  	[smem:$0x3F9F] =	sst lr;
	_ =	strace $0xD0000000  }
0x3: {  	_ = 	snop  }
0x4: {  	_ = 	snop  }
0x5: {  	_ = 	snop  }
0x6: {  	_ = 	snop  }
0x7: {  	_ = 	snop  }
__scs_overlays_trampoline_lowered:
0x8: {  	[smem:$0x3FAE] =	sst s0  }
0x9: {  	[smem:$0x3FAF] =	sst s1  }
0xa: {  	[smem:$0x3FB0] =	sst s2  }
0xb: {  	[smem:$0x3FB1] =	sst s3  }
0xc: {  	[smem:$0x3FB2] =	sst s4  }
0xd: {  	[smem:$0x3FB3] =	sst s5  }
0xe: {  	[smem:$0x3FB4] =	sst s6  }
0xf: {  	[smem:$0x3FB5] =	sst s7  }
0x10: {  	[smem:$0x3FB6] =	sst s8  }
0x11: {  	[smem:$0x3FB7] =	sst s9;
	s0 =	simm.s32 @!p0 $0x0  }
0x12: {  	s1 =	sld [smem:$0x3F9D];
	s0 =	simm.s32 @p0 $0x1  }
0x13: {  	[smem:$0x3FB8] =	sst s0;
	s0 =	simm.s32 @!p1 $0x0  }
0x14: {  	s2 =	sld [smem:$0x3F9C];
	s0 =	simm.s32 @p1 $0x1  }
0x15: {  	[smem:$0x3FB9] =	sst s0;
	s0 =	simm.s32 @!p2 $0x0  }
0x16: {  	s3 =	sld [smem:$0x3FDB];
	s0 =	simm.s32 @p2 $0x1  }
0x17: {  	s4 =	simm.s32 $0x1BF5;
	[smem:$0x3FBB] =	sst s0  }
0x18: {  	s0 =	sld [smem:$0x3F9E];
	_ =	swait.ge [sflag:s4], $0x0  }
0x19: {  	s7 =	sld [smem:$0x3F9F]  }
0x1a: {  	s8 =	sadd.s32 $0xFFFFE003, lr  }
0x1b: {  	s9 =	sadd.s32 $0xFFFFFEF7, lr;
	s5 =	simm.s32 $0xFFFFFFFF;
	p2 =	slt.u32 s8, $0xFFFFF086  }
0x1c: {  	p1 =	slt.u32 s9, $0xF7A;
	s5 =	simm.s32 @!p2 $0x0  }
0x1d: {  	s5 =	simm.s32 @p1 $0x1;
	p0 =	seq.s32 s7, s2  }
0x1e: {  	s7 =	smul.u32 @!p0 $0xF7A, s2;
	p2 =	seq.s32 @!p0 s5, $0x0  }
0x1f: {  	s9 =	smul.u32 $0xF7A, s1;
	s8 =	simm.s32 @!p0 $0x1BF5;
	p2 =	por !p2, p0  }
0x20: {  	[sflag:s8] =	ssyncset.s32 @!p0 $0xFFFFF086;
	s6 =	sadd.s32 @!p0 s3, s7;
	s7 =	simm.s32 @!p0 $0x108  }
0x21: {  	s3 =	sadd.s32 s3, s9;
	s6 =	sadd.s32 @!p0 $0x88, s6;
	s7 =	simm.s32 @p2 $0x1082  }
0x22: {  	[simem:s7], [sflag:s8] =	dma.local @!p0 [hbm:s6], $0xF7A  }
0x23: {  	s9 =	sor.u32 $0xD0000000, s2;
	s6 =	simm.s32 $0x108;
	_ =	swait.ge @!p0 [sflag:s8], $0x0  }
0x24: {  	s3 =	sadd.s32 $0x88, s3;
	s6 =	simm.s32 @!p1 $0x1082;
	[sflag:s4] =	ssyncset.s32 $0xFFFFF086  }
0x25: {  	[simem:s6], [sflag:s4] =	dma.local [hbm:s3], $0xF7A  }
0x26: {  	[smem:$0x3F9F] =	sst s1;
	(tag) =	ssettag s2;
	_ =	strace s9  }
0x27: {  	s1 =	sld [smem:$0x3FAF]  }
0x28: {  	s2 =	sld [smem:$0x3FB0]  }
0x29: {  	s4 =	sld [smem:$0x3FB2]  }
0x2a: {  	p0 =	seq.s32 s5, $0x0;
	s5 =	sld [smem:$0x3FB3]  }
0x2b: {  	s6 =	sld [smem:$0x3FB4]  }
0x2c: {  	s7 =	sld [smem:$0x3FB5]  }
0x2d: {  	s3 =	simm.s32 $0x108;
	s8 =	sld [smem:$0x3FB6]  }
0x2e: {  	s3 =	simm.s32 @!p0 $0x1082;
	s9 =	sld [smem:$0x3FB7]  }
0x2f: {  	lr =	sadd.s32 s0, s3;
	s0 =	sld [smem:$0x3FAE]  }
0x30: {  	s3 =	sld [smem:$0x3FB1]  }
0x31: {  	[smem:$0x3FBA] =	sst s10  }
0x32: {  	s10 =	sld [smem:$0x3FB8];
	_ =	sdelay $0x3  }
0x33: {  	p0 =	seq.s32 s10, $0x1;
	s10 =	sld [smem:$0x3FBA];
	_ =	sdelay $0x3  }
0x34: {  	[smem:$0x3FBA] =	sst s10  }
0x35: {  	s10 =	sld [smem:$0x3FB9];
	_ =	sdelay $0x3  }
0x36: {  	p1 =	seq.s32 s10, $0x1;
	s10 =	sld [smem:$0x3FBA];
	_ =	sdelay $0x3  }
0x37: {  	[smem:$0x3FBA] =	sst s10  }
0x38: {  	s10 =	sld [smem:$0x3FBB]  }
0x39: {  	_ = 	snop;
	(pc) =	sbr.ind lr, $3  }
0x3a: {  	_ = 	snop  }
0x3b: {  	_ = 	snop  }
0x3c: {  	p2 =	seq.s32 s10, $0x1;
	s10 =	sld [smem:$0x3FBA]  }
0x3d: {  	_ =	shalt  }
0x3e: {  	_ =	shalt  }
0x3f: {  	_ =	shalt  }
0x40: {  	_ =	shalt  }
0x41: {  	_ =	shalt  }
0x42: {  	_ =	shalt  }
0x43: {  	_ =	shalt  }
0x44: {  	_ =	shalt  }
0x45: {  	_ =	shalt  }
0x46: {  	_ =	shalt  }
0x47: {  	_ =	shalt  }
0x48: {  	_ =	shalt  }
0x49: {  	_ =	shalt  }
0x4a: {  	_ =	shalt  }
0x4b: {  	_ =	shalt  }
0x4c: {  	_ =	shalt  }
0x4d: {  	_ =	shalt  }
0x4e: {  	_ =	shalt  }
0x4f: {  	_ =	shalt  }
0x50: {  	_ =	shalt  }
0x51: {  	_ =	shalt  }
0x52: {  	_ =	shalt  }
0x53: {  	_ =	shalt  }
0x54: {  	_ =	shalt  }
0x55: {  	_ =	shalt  }
0x56: {  	_ =	shalt  }
0x57: {  	_ =	shalt  }
0x58: {  	_ =	shalt  }
0x59: {  	_ =	shalt  }
0x5a: {  	_ =	shalt  }
0x5b: {  	_ =	shalt  }
0x5c: {  	_ =	shalt  }
0x5d: {  	_ =	shalt  }
0x5e: {  	_ =	shalt  }
0x5f: {  	_ =	shalt  }
0x60: {  	_ =	shalt  }
0x61: {  	_ =	shalt  }
0x62: {  	_ =	shalt  }
0x63: {  	_ =	shalt  }
0x64: {  	_ =	shalt  }
0x65: {  	_ =	shalt  }
0x66: {  	_ =	shalt  }
0x67: {  	_ =	shalt  }
0x68: {  	_ =	shalt  }
0x69: {  	_ =	shalt  }
0x6a: {  	_ =	shalt  }
0x6b: {  	_ =	shalt  }
0x6c: {  	_ =	shalt  }
0x6d: {  	_ =	shalt  }
0x6e: {  	_ =	shalt  }
0x6f: {  	_ =	shalt  }
0x70: {  	_ =	shalt  }
0x71: {  	_ =	shalt  }
0x72: {  	_ =	shalt  }
0x73: {  	_ =	shalt  }
0x74: {  	_ =	shalt  }
0x75: {  	_ =	shalt  }
0x76: {  	_ =	shalt  }
0x77: {  	_ =	shalt  }
0x78: {  	_ =	shalt  }
0x79: {  	_ =	shalt  }
0x7a: {  	_ =	shalt  }
0x7b: {  	_ =	shalt  }
0x7c: {  	_ =	shalt  }
0x7d: {  	_ =	shalt  }
0x7e: {  	_ =	shalt  }
0x7f: {  	_ =	shalt  }
0x80: {  	_ =	shalt  }
0x81: {  	_ =	shalt  }
0x82: {  	_ =	shalt  }
0x83: {  	_ =	shalt  }
0x84: {  	_ =	shalt  }
0x85: {  	_ =	shalt  }
0x86: {  	_ =	shalt  }
0x87: {  	_ =	shalt  }
.Lfunc_end0:
.L_simem_size_0:
called_computation.1_lowered:
.L_overlay_start_0:
0x88: {  	s2 =	sld [smem:$0x3FD9]  }
0x89: {  	s3 =	sld [smem:$0x3FFE];
	_ =	sdelay $0x1  }
0x8a: {  	s1 =	srdreg.scid  }
0x8b: {  	s0 =	sand.u32 $0x1, s1  }
0x8c: {  	s17 =	sshll.u32 s0, $0xA;
	s2 =	sadd.s32 s3, s2  }
0x8d: {  	s2 =	sadd.s32 s2, s17  }
0x8e: {  	[smem:$0x3FC6] =	sst s2  }
0x8f: {  	_ = 	snop  }
0x90: {  	s2 =	sld [smem:$0x3FC8];
	(tm) =	ssettm $0x1  }
0x91: {  	s18 =	sld [smem:$0x3FFB];
	_ =	sdelay $0x3  }
0x92: {  	_ =	strace s18  }
0x93: {  	s3 =	sld [smem:$0x3FFC];
	_ =	sdelay $0x3  }
0x94: {  	_ =	strace s3  }
0x95: {  	s3 =	sld [smem:$0x3FFD];
	_ =	sdelay $0x3  }
0x96: {  	_ =	strace s3  }
0x97: {  	_ =	strace $0x8FFFFFFF  }
0x98: {  	s19 =	sld [smem:$0x3FDB];
	_ =	sdelay $0x1  }
0x99: {  	s4 =	simm.s32 $_scs_section_size  }
0x9a: {  	s5 =	simm.s32 $_size__tile_overlayer_lowered;
	s6 =	simm.s32 $_tile_overlayer_lowered  }
0x9b: {  	s22 =	simm.s32 $0x1BFF;
	s21 =	sshll.u32 s6, $0x1;
	s3 =	sadd.s32 s4, s19  }
0x9c: {  	s7 =	simm.s32 $0x0;
	s20 =	sshll.u32 s5, $0x1;
	s5 =	sadd.s32 s21, s3  }
0x9d: {  	[timem:s7], [sflag:s22] =	dma.local [hbm:s5], s20  }
0x9e: {  	_ =	swait.ge [sflag:s22], s20  }
0x9f: {  	s4 =	ssub.s32 $0x0, s20;
	[sflag:s22] =	ssyncset.done $0x0  }
0xa0: {  	[sflag:s22] =	ssyncadd.s32 s4;
	_ =	sdelay $0x1  }
0xa1: {  	s23 =	simm.s32 $0x1B8B  }
0xa2: {  	_ =	swait.ge [sflag:s23], $0x1  }
0xa3: {  	[sflag:s23] =	ssyncset.done $0x0  }
0xa4: {  	s25 =	simm.s32 $0x1B8E;
	s24 =	sld [smem:$0x3FFE];
	[sflag:s23] =	ssyncadd.s32 $0xFFFFFFFF  }
0xa5: {  	s26 =	simm.s32 $execute0_lowered;
	[smem:$0x3FD2] =	sst s25  }
0xa6: {  	s5 =	sshll.u32 s26, $0x1;
	_ =	strace $0x80000046;
	[dreg:$0x1] =	wrdreg $0xFFFFFFFF  }
0xa7: {  	s28 =	simm.s32 $_size_execute0_lowered;
	s3 =	sadd.s32 s3, s5;
	[dreg:$0x0] =	wrdreg $0x0  }
0xa8: {  	s5 =	sshll.u32 s28, $0x1;
	[dreg:$0x2] =	wrdreg s3  }
0xa9: {  	[dreg:$0x3] =	wrdreg s5  }
0xaa: {  	[dreg:$0x4] =	wrdreg $0xC0  }
0xab: {  	_ =	task [dreg:s7], $0x5FFFF  }
0xac: {  	[dreg:$0x1] =	wrdreg $0xFFFFFFFF  }
0xad: {  	[dreg:$0x0] =	wrdreg $0x60  }
0xae: {  	[dreg:$0x2] =	wrdreg s24  }
0xaf: {  	[dreg:$0x3] =	wrdreg s2  }
0xb0: {  	[dreg:$0x4] =	wrdreg $0x9  }
0xb1: {  	_ =	task.clear_ibuf [dreg:s7], $0x5FFFF;
	_ =	strace $0x90000046  }
0xb2: {  	s29 =	simm.s32 $0x9;
	_ =	strace $0x80000048  }
0xb3: {  	_ =	swait.ge [sflag:s29], $0x1  }
0xb4: {  	[sflag:s29] =	ssyncadd.s32 $0xFFFFFFFF  }
0xb5: {  	_ =	strace $0x90000048  }
0xb6: {  	_ =	sfence  }
0xb7: {  	s30 =	sld [smem:$0x0];
	_ =	sdelay $0x2  }
0xb8: {  	s31 =	sshll.u32 s1, $0xD;
	s1 =	sshrl.u32 s1, $0x2  }
0xb9: {  	s3 =	sand.u32 $0x4000, s31;
	s1 =	sadd.s32 s1, s30  }
0xba: {  	s0 =	sor.u32 s3, s0;
	s1 =	sshll.u32 s1, $0x11  }
0xbb: {  	s0 =	sor.u32 s1, s0  }
0xbc: {  	s0 =	sadd.s32 $0x8F2B, s0  }
0xbd: {  	[sflag:s0] =	ssyncadd.remote.s32 $0x1  }
0xbe: {  	_ =	sfence.sel $0xFFFF  }
0xbf: {  	[dreg:$0x0] =	wrdreg $0xFFFFFFFF;
	(pc) =	sbr.abs _section_cstart, $3  }
0xc0: {  	[dreg:$0x1] =	wrdreg $0xFFFFFFFF  }
0xc1: {  	_ =	task.clear_ibuf [dreg:s7], $0x2FFFF;
	_ =	strace $0x9FFFFFFF  }
0xc2: {  	(tm) =	ssettm $0x7FFFFFFF  }
0xc3: {  	_ =	shalt  }
tec
execute0_lowered:
.L_overlay_start_1:
0x0: {  	(tag) =	ssettag $0x1  }
0x1: {  	s0 =	rddreg [dreg:$0x0]  }
0x2: {  	s1 =	srdreg.scid;
	s2 =	simm.s32 $0x0;
	s13 =	stileid.u32  }
0x3: {  	s11 =	simm.s32 $0x0;
	s31 =	simm.s32 $0x640;
	s3 =	smul.u32 $0x700000, s13  }
0x4: {  	s6 =	sand.u32 $0x1, s1;
	[smem:$0x7FF] =	sst s2;
	s7 =	smul.u32 $0xC800, s13  }
0x5: {  	s2 =	sadd.s32 $0xC3E00, s0;
	s1 =	ssub.s32 $0x2, s6;
	s5 =	smul.u32 $0x380000, s6  }
0x6: {  	s24 =	sshll.u32 s13, $0x1;
	s8 =	smul.u32 $0x6400, s6;
	s4 =	sshrl.u32 s1, $0x1  }
0x7: {  	s30 =	sadd.s32 $0x800, s0;
	s1 =	ssub.s32 s1, s4;
	s4 =	sor.u32 s6, s24  }
0x8: {  	s5 =	sadd.s32 s5, s3;
	s3 =	sadd.s32 s8, s7;
	s6 =	smul.u32 $0x70000, s6  }
0x9: {  	s4 =	smul.u32 $0x6400, s4;
	s9 =	sor.u32 $0x1A400, s5;
	s10 =	sor.u32 $0x18800, s5  }
0xa: {  	s12 =	sor.u32 $0x15000, s5;
	s14 =	sor.u32 $0x13400, s5;
	s18 =	sor.u32 $0x11800, s5  }
0xb: {  	s19 =	sor.u32 $0xFC00, s5;
	s20 =	sor.u32 $0xE000, s5;
	s24 =	sor.u32 $0xC400, s5  }
0xc: {  	s25 =	sshrl.u32 s9, $0x3;
	s26 =	sshrl.u32 s10, $0x3;
	s10 =	sor.u32 $0x16C00, s5  }
0xd: {  	s15 =	sshrl.u32 s12, $0x3;
	s16 =	sshrl.u32 s14, $0x3;
	s21 =	sshrl.u32 s19, $0x3  }
0xe: {  	s22 =	sshrl.u32 s20, $0x3;
	s14 =	smul.u32 $0xE0000, s13;
	s19 =	sor.u32 $0x2F400, s5  }
0xf: {  	s20 =	sor.u32 $0x2D800, s5;
	s7 =	sadd.s32 s25, s2;
	s9 =	sadd.s32 s26, s2  }
0x10: {  	s17 =	sadd.s32 s16, s2;
	s23 =	sadd.s32 s22, s2;
	[dreg:$0x3] =	wrdreg s7  }
0x11: {  	s25 =	sor.u32 $0xA800, s5;
	s26 =	sor.u32 $0x8C00, s5;
	[dreg:$0x4] =	wrdreg s9  }
0x12: {  	s16 =	sor.u32 $0x34800, s5;
	s22 =	sor.u32 $0x2A000, s5;
	[dreg:$0x7] =	wrdreg s17  }
0x13: {  	s7 =	sshrl.u32 s10, $0x3;
	[dreg:$0xa] =	wrdreg s23;
	s10 =	sshrl.u32 s25, $0x3  }
0x14: {  	s12 =	sshrl.u32 s26, $0x3;
	s17 =	sor.u32 $0x32C00, s5;
	s23 =	sor.u32 $0x28400, s5  }
0x15: {  	s25 =	sor.u32 $0x24C00, s5;
	s26 =	sor.u32 $0x23000, s5;
	s7 =	sadd.s32 s7, s2  }
0x16: {  	s9 =	sor.u32 $0x320, s3;
	[dreg:$0x5] =	wrdreg s7;
	s7 =	sadd.s32 s15, s2  }
0x17: {  	s15 =	sor.u32 $0x36400, s5;
	[dreg:$0x6] =	wrdreg s7;
	s7 =	sshrl.u32 s18, $0x3  }
0x18: {  	s12 =	sadd.s32 s12, s2;
	s8 =	sshrl.u32 s15, $0x3;
	s7 =	sadd.s32 s7, s2  }
0x19: {  	s15 =	sshrl.u32 s16, $0x3;
	[dreg:$0x8] =	wrdreg s7;
	s7 =	sadd.s32 s21, s2  }
0x1a: {  	s18 =	sor.u32 $0x31000, s5;
	s21 =	sor.u32 $0x2BC00, s5;
	[dreg:$0x9] =	wrdreg s7  }
0x1b: {  	s7 =	sshrl.u32 s24, $0x3;
	s24 =	sor.u32 $0x26800, s5;
	s5 =	sor.u32 $0x21400, s5  }
0x1c: {  	s15 =	sadd.s32 s15, s2;
	s7 =	sadd.s32 s7, s2;
	s5 =	sshrl.u32 s5, $0x3  }
0x1d: {  	[dreg:$0xb] =	wrdreg s7;
	s7 =	sadd.s32 s10, s2;
	s29 =	sadd.s32 s5, s2  }
0x1e: {  	s10 =	smax.u32 s1, $0x1;
	s1 =	simm.s32 $0x80;
	[dreg:$0xc] =	wrdreg s7  }
0x1f: {  	s7 =	sadd.s32 s14, s2;
	s14 =	sadd.s32 s8, s2;
	s8 =	sshrl.u32 s19, $0x3  }
0x20: {  	s13 =	sadd.s32 s6, s7;
	s6 =	sshrl.u32 s17, $0x3;
	s7 =	sshrl.u32 s18, $0x3  }
0x21: {  	s18 =	sadd.s32 s8, s2;
	s8 =	sshrl.u32 s22, $0x3;
	s16 =	sadd.s32 s6, s2  }
0x22: {  	s17 =	sadd.s32 s7, s2;
	s6 =	sshrl.u32 s20, $0x3;
	s7 =	sshrl.u32 s21, $0x3  }
0x23: {  	s21 =	sadd.s32 s8, s2;
	s8 =	sshrl.u32 s25, $0x3;
	s19 =	sadd.s32 s6, s2  }
0x24: {  	s20 =	sadd.s32 s7, s2;
	s6 =	sshrl.u32 s23, $0x3;
	s7 =	sshrl.u32 s24, $0x3  }
0x25: {  	s25 =	sadd.s32 s8, s2;
	s8 =	sshrl.u32 s4, $0x3;
	s24 =	sshrl.u32 s9, $0x3  }
0x26: {  	s4 =	simm.s32 $0x3;
	s22 =	sadd.s32 s6, s2;
	s23 =	sadd.s32 s7, s2  }
0x27: {  	s7 =	rddreg [dreg:$0x1];
	s6 =	sshrl.u32 s26, $0x3;
	_ =	strace $0x80000047  }
.Ltmp0:
0x28: {  	[dreg:$0xe] =	wrdreg s10;
	s26 =	sadd.s32 $0x640, s3;
	(pc) =	sbr.rel .LBB2_1-.Ltmp0, $4  }
0x29: {  	s3 =	simm.s32 $0xCE40;
	s28 =	sadd.s32 s6, s2;
	s0 =	sadd.s32 s7, s8  }
0x2a: {  	[dreg:$0xf] =	wrdreg s26;
	s26 =	simm.s32 $0x40;
	s2 =	simm.s32 $0x1  }
0x2b: {  	s6 =	simm.s32 $0x0;
	[dreg:$0xd] =	wrdreg s0;
	s0 =	sadd.s32 s24, s7  }
0x2c: {  	s24 =	simm.s32 $0x2;
	[dreg:$0x10] =	wrdreg s0;
	s0 =	simm.s32 $0x320  }
.LBB2_4:
0x2d: {  	_ =	swait.ge [sflag:s4], $0xC80  }
0x2e: {  	[sflag:s4] =	ssyncset.done $0x0  }
0x2f: {  	[sflag:s4] =	ssyncadd.s32 $0xFFFFF380  }
0x30: {  	_ =	swait.ge [sflag:s4], $0xC80  }
0x31: {  	[sflag:s4] =	ssyncset.done $0x0  }
0x32: {  	[sflag:s4] =	ssyncadd.s32 $0xFFFFF380  }
0x33: {  	_ =	swait.ge [sflag:s4], $0xC80  }
0x34: {  	[sflag:s4] =	ssyncset.done $0x0  }
0x35: {  	[sflag:s4] =	ssyncadd.s32 $0xFFFFF380  }
0x36: {  	_ =	swait.ge [sflag:s4], $0xC80  }
0x37: {  	[sflag:s4] =	ssyncset.done $0x0  }
0x38: {  	[sflag:s4] =	ssyncadd.s32 $0xFFFFF380  }
0x39: {  	_ =	swait.ge [sflag:s4], $0xC80  }
0x3a: {  	[sflag:s4] =	ssyncset.done $0x0  }
0x3b: {  	[sflag:s4] =	ssyncadd.s32 $0xFFFFF380  }
0x3c: {  	_ =	swait.ge [sflag:s4], $0xC80  }
0x3d: {  	[sflag:s4] =	ssyncset.done $0x0  }
0x3e: {  	[sflag:s4] =	ssyncadd.s32 $0xFFFFF380  }
0x3f: {  	_ =	swait.ge [sflag:s4], $0xC80  }
0x40: {  	[sflag:s4] =	ssyncset.done $0x0  }
0x41: {  	[sflag:s4] =	ssyncadd.s32 $0xFFFFF380  }
0x42: {  	_ =	swait.ge [sflag:s4], $0xC80  }
0x43: {  	[sflag:s4] =	ssyncset.done $0x0  }
0x44: {  	[sflag:s4] =	ssyncadd.s32 $0xFFFFF380  }
0x45: {  	_ =	swait.ge [sflag:s4], $0xC80  }
0x46: {  	[sflag:s4] =	ssyncset.done $0x0  }
0x47: {  	[sflag:s4] =	ssyncadd.s32 $0xFFFFF380  }
0x48: {  	_ =	swait.ge [sflag:s4], $0xC80  }
0x49: {  	[sflag:s4] =	ssyncset.done $0x0  }
0x4a: {  	[sflag:s4] =	ssyncadd.s32 $0xFFFFF380  }
0x4b: {  	_ =	swait.ge [sflag:s4], $0xC80  }
0x4c: {  	[sflag:s4] =	ssyncset.done $0x0  }
0x4d: {  	[sflag:s4] =	ssyncadd.s32 $0xFFFFF380  }
0x4e: {  	_ =	swait.ge [sflag:s4], $0xC80  }
0x4f: {  	[sflag:s4] =	ssyncset.done $0x0  }
0x50: {  	[sflag:s4] =	ssyncadd.s32 $0xFFFFF380  }
0x51: {  	_ =	swait.ge [sflag:s4], $0xC80  }
0x52: {  	[sflag:s4] =	ssyncset.done $0x0  }
0x53: {  	[sflag:s4] =	ssyncadd.s32 $0xFFFFF380  }
0x54: {  	_ =	swait.ge [sflag:s4], $0xC80  }
0x55: {  	[sflag:s4] =	ssyncset.done $0x0  }
0x56: {  	[sflag:s4] =	ssyncadd.s32 $0xFFFFF380  }
0x57: {  	_ =	swait.ge [sflag:s4], $0xC80  }
0x58: {  	[sflag:s4] =	ssyncset.done $0x0  }
0x59: {  	[sflag:s4] =	ssyncadd.s32 $0xFFFFF380  }
0x5a: {  	_ =	swait.ge [sflag:s4], $0xC80  }
0x5b: {  	[sflag:s4] =	ssyncset.done $0x0  }
0x5c: {  	[sflag:s4] =	ssyncadd.s32 $0xFFFFF380  }
0x5d: {  	_ =	swait.ge [sflag:s4], $0xC80  }
0x5e: {  	[sflag:s4] =	ssyncset.done $0x0  }
0x5f: {  	[sflag:s4] =	ssyncadd.s32 $0xFFFFF380  }
0x60: {  	_ =	swait.ge [sflag:s4], $0xC80  }
0x61: {  	[sflag:s4] =	ssyncset.done $0x0  }
0x62: {  	[sflag:s4] =	ssyncadd.s32 $0xFFFFF380  }
0x63: {  	_ =	swait.ge [sflag:s4], $0xC80  }
0x64: {  	[sflag:s4] =	ssyncset.done $0x0  }
0x65: {  	[sflag:s4] =	ssyncadd.s32 $0xFFFFF380  }
0x66: {  	_ =	swait.ge [sflag:s4], $0xC80  }
0x67: {  	[sflag:s4] =	ssyncset.done $0x0  }
0x68: {  	[sflag:s4] =	ssyncadd.s32 $0xFFFFF380  }
0x69: {  	_ =	swait.ge [sflag:s4], $0xC80  }
0x6a: {  	[sflag:s4] =	ssyncset.done $0x0  }
0x6b: {  	[sflag:s4] =	ssyncadd.s32 $0xFFFFF380  }
0x6c: {  	_ =	swait.ge [sflag:s4], $0xC80  }
0x6d: {  	[sflag:s4] =	ssyncset.done $0x0  }
0x6e: {  	[sflag:s4] =	ssyncadd.s32 $0xFFFFF380  }
0x6f: {  	_ =	swait.ge [sflag:s4], $0xC80  }
0x70: {  	[sflag:s4] =	ssyncset.done $0x0  }
0x71: {  	[sflag:s4] =	ssyncadd.s32 $0xFFFFF380  }
0x72: {  	_ =	swait.ge [sflag:s4], $0xC80  }
0x73: {  	[sflag:s4] =	ssyncset.done $0x0  }
0x74: {  	[sflag:s4] =	ssyncadd.s32 $0xFFFFF380  }
0x75: {  	_ =	swait.ge [sflag:s4], $0xC80  }
0x76: {  	[sflag:s4] =	ssyncset.done $0x0  }
0x77: {  	[sflag:s4] =	ssyncadd.s32 $0xFFFFF380  }
0x78: {  	_ =	swait.ge [sflag:s4], $0xC80  }
0x79: {  	[sflag:s4] =	ssyncset.done $0x0  }
0x7a: {  	[sflag:s4] =	ssyncadd.s32 $0xFFFFF380  }
0x7b: {  	_ =	swait.ge [sflag:s4], $0xC80  }
0x7c: {  	[sflag:s4] =	ssyncset.done $0x0  }
0x7d: {  	[sflag:s4] =	ssyncadd.s32 $0xFFFFF380  }
0x7e: {  	_ =	swait.ge [sflag:s4], $0xC80  }
0x7f: {  	[sflag:s4] =	ssyncset.done $0x0  }
0x80: {  	[sflag:s4] =	ssyncadd.s32 $0xFFFFF380  }
0x81: {  	_ =	swait.ge [sflag:s4], $0xC80  }
0x82: {  	[sflag:s4] =	ssyncset.done $0x0  }
0x83: {  	[sflag:s4] =	ssyncadd.s32 $0xFFFFF380  }
0x84: {  	_ =	swait.ge [sflag:s4], $0xC80  }
0x85: {  	[sflag:s4] =	ssyncset.done $0x0  }
0x86: {  	[sflag:s4] =	ssyncadd.s32 $0xFFFFF380  }
0x87: {  	_ =	swait.ge [sflag:s4], $0xC80  }
0x88: {  	[sflag:s4] =	ssyncset.done $0x0  }
0x89: {  	[sflag:s4] =	ssyncadd.s32 $0xFFFFF380  }
0x8a: {  	_ =	swait.ge [sflag:s4], $0xC80  }
0x8b: {  	s6 =	rddreg [dreg:$0x11]  }
0x8c: {  	s5 =	rddreg [dreg:$0xe];
	s6 =	sadd.s32 $0x1, s6  }
0x8d: {  	p0 =	sne.s32 s6, s5  }
.Ltmp1:
0x8e: {  	_ = 	snop;
	(pc) =	sbr.rel @!p0 .LBB2_5-.Ltmp1, $3  }
0x8f: {  	_ =	sdelay $0x1  }
0x90: {  	[sflag:s4] =	ssyncset.done $0x0  }
0x91: {  	[sflag:s4] =	ssyncadd.s32 $0xFFFFF380  }
.LBB2_1:
0x92: {  	s5 =	rddreg [dreg:$0xd]  }
0x93: {  	[tilespmem:s11], [sflag:$0x4] =	stream.linear.gather [hbm4b:s5+s11], $0x320, $0x38;
	[tilespmem:$0x19640] =	vst v63  }
0x94: {  	[dreg:$0x11] =	wrdreg s6;
	s11 =	simm.s32 $0x4  }
0x95: {  	_ =	swait.ge [sflag:s11], $0x320  }
0x96: {  	[sflag:s11] =	ssyncset.done $0x0;
	s5 =	rddreg [dreg:$0x10]  }
0x97: {  	s6 =	simm.s32 $0x0;
	s7 =	rddreg [dreg:$0xf];
	[sflag:s11] =	ssyncadd.s32 $0xFFFFFCE0  }
.LBB2_2:
0x98: {  	s9 =	simm.s32 $0x0;
	p0 =	seq.s32 s6, $0x0  }
0x99: {  	[tilespmem:s0], [sflag:$0x1] =	stream.linear.gather [hbm4b:s5+s9], $0x320, $0x38;
	[tilespmem:$0x19640] =	vst v63  }
0x9a: {  	s8 =	simm.s32 @!p0 $0x3  }
0x9b: {  	_ =	swait.ge @!p0 [sflag:s8], $0xC80  }
0x9c: {  	[sflag:s8] =	ssyncset.done @!p0 $0x0  }
0x9d: {  	[sflag:s8] =	ssyncadd.s32 @!p0 $0xFFFFF380  }
0x9e: {  	_ =	swait.ge @!p0 [sflag:s8], $0xC80  }
0x9f: {  	[sflag:s8] =	ssyncset.done @!p0 $0x0  }
0xa0: {  	[sflag:s8] =	ssyncadd.s32 @!p0 $0xFFFFF380  }
0xa1: {  	_ =	swait.ge @!p0 [sflag:s8], $0xC80  }
0xa2: {  	[sflag:s8] =	ssyncset.done @!p0 $0x0  }
0xa3: {  	[sflag:s8] =	ssyncadd.s32 @!p0 $0xFFFFF380  }
0xa4: {  	_ =	swait.ge @!p0 [sflag:s8], $0xC80  }
0xa5: {  	[sflag:s8] =	ssyncset.done @!p0 $0x0  }
0xa6: {  	[sflag:s8] =	ssyncadd.s32 @!p0 $0xFFFFF380  }
0xa7: {  	_ =	swait.ge @!p0 [sflag:s8], $0xC80  }
0xa8: {  	[sflag:s8] =	ssyncset.done @!p0 $0x0  }
0xa9: {  	[sflag:s8] =	ssyncadd.s32 @!p0 $0xFFFFF380  }
0xaa: {  	_ =	swait.ge @!p0 [sflag:s8], $0xC80  }
0xab: {  	[sflag:s8] =	ssyncset.done @!p0 $0x0  }
0xac: {  	[sflag:s8] =	ssyncadd.s32 @!p0 $0xFFFFF380  }
0xad: {  	_ =	swait.ge @!p0 [sflag:s8], $0xC80  }
0xae: {  	[sflag:s8] =	ssyncset.done @!p0 $0x0  }
0xaf: {  	[sflag:s8] =	ssyncadd.s32 @!p0 $0xFFFFF380  }
0xb0: {  	_ =	swait.ge @!p0 [sflag:s8], $0xC80  }
0xb1: {  	[sflag:s8] =	ssyncset.done @!p0 $0x0  }
0xb2: {  	[sflag:s8] =	ssyncadd.s32 @!p0 $0xFFFFF380  }
0xb3: {  	_ =	swait.ge @!p0 [sflag:s8], $0xC80  }
0xb4: {  	[sflag:s8] =	ssyncset.done @!p0 $0x0  }
0xb5: {  	[sflag:s8] =	ssyncadd.s32 @!p0 $0xFFFFF380  }
0xb6: {  	_ =	swait.ge @!p0 [sflag:s8], $0xC80  }
0xb7: {  	[sflag:s8] =	ssyncset.done @!p0 $0x0  }
0xb8: {  	[sflag:s8] =	ssyncadd.s32 @!p0 $0xFFFFF380  }
0xb9: {  	_ =	swait.ge @!p0 [sflag:s8], $0xC80  }
0xba: {  	[sflag:s8] =	ssyncset.done @!p0 $0x0  }
0xbb: {  	[sflag:s8] =	ssyncadd.s32 @!p0 $0xFFFFF380  }
0xbc: {  	_ =	swait.ge @!p0 [sflag:s8], $0xC80  }
0xbd: {  	[sflag:s8] =	ssyncset.done @!p0 $0x0  }
0xbe: {  	[sflag:s8] =	ssyncadd.s32 @!p0 $0xFFFFF380  }
0xbf: {  	_ =	swait.ge @!p0 [sflag:s8], $0xC80  }
0xc0: {  	[sflag:s8] =	ssyncset.done @!p0 $0x0  }
0xc1: {  	[sflag:s8] =	ssyncadd.s32 @!p0 $0xFFFFF380  }
0xc2: {  	_ =	swait.ge @!p0 [sflag:s8], $0xC80  }
0xc3: {  	[sflag:s8] =	ssyncset.done @!p0 $0x0  }
0xc4: {  	[sflag:s8] =	ssyncadd.s32 @!p0 $0xFFFFF380  }
0xc5: {  	_ =	swait.ge @!p0 [sflag:s8], $0xC80  }
0xc6: {  	[sflag:s8] =	ssyncset.done @!p0 $0x0  }
0xc7: {  	[sflag:s8] =	ssyncadd.s32 @!p0 $0xFFFFF380  }
0xc8: {  	_ =	swait.ge @!p0 [sflag:s8], $0xC80  }
0xc9: {  	[sflag:s8] =	ssyncset.done @!p0 $0x0  }
0xca: {  	[sflag:s8] =	ssyncadd.s32 @!p0 $0xFFFFF380  }
0xcb: {  	[tilespmem:s31], [sflag:$0x2] =	stream.indirect.gather [hbm4b:s30+s0], $0x40, s9, s0, $0xb8;
	[tilespmem:$0x19640] =	vst v63  }
0xcc: {  	_ =	swait.ge [sflag:s24], $0xC800  }
0xcd: {  	[sflag:s24] =	ssyncset.done $0x0  }
0xce: {  	s8 =	sadd.s32 s6, s13;
	[sflag:s24] =	ssyncadd.s32 $0xFFFF3800  }
0xcf: {  	[hbm4b:s8+s26] =	stream.strided.scatter [tilespmem:s31], [sflag:$0x3], $0xC80, s1, s26, $0x38;
	[tilespmem:$0x19640] =	vst v63  }
0xd0: {  	s10 =	simm.s32 $0x12C0;
	s9 =	sadd.s32 $0x380, s8  }
0xd1: {  	[hbm4b:s9+s26] =	stream.strided.scatter [tilespmem:s10], [sflag:$0x3], $0xC80, s1, s26, $0x38;
	[tilespmem:$0x19640] =	vst v63  }
0xd2: {  	s9 =	sadd.s32 $0x700, s8;
	s10 =	simm.s32 $0x1F40  }
0xd3: {  	[hbm4b:s9+s26] =	stream.strided.scatter [tilespmem:s10], [sflag:$0x3], $0xC80, s1, s26, $0x38;
	[tilespmem:$0x19640] =	vst v63  }
0xd4: {  	s9 =	sadd.s32 $0xA80, s8;
	s10 =	simm.s32 $0x2BC0  }
0xd5: {  	[hbm4b:s9+s26] =	stream.strided.scatter [tilespmem:s10], [sflag:$0x3], $0xC80, s1, s26, $0x38;
	[tilespmem:$0x19640] =	vst v63  }
0xd6: {  	s9 =	sadd.s32 $0xE00, s8;
	s10 =	simm.s32 $0x3840  }
0xd7: {  	[hbm4b:s9+s26] =	stream.strided.scatter [tilespmem:s10], [sflag:$0x3], $0xC80, s1, s26, $0x38;
	[tilespmem:$0x19640] =	vst v63  }
0xd8: {  	s9 =	sadd.s32 s6, s12;
	s10 =	simm.s32 $0x44C0  }
0xd9: {  	[hbm4b:s9+s26] =	stream.strided.scatter [tilespmem:s10], [sflag:$0x3], $0xC80, s1, s26, $0x38;
	[tilespmem:$0x19640] =	vst v63  }
0xda: {  	s10 =	rddreg [dreg:$0xc]  }
0xdb: {  	s9 =	sadd.s32 s6, s10;
	s10 =	simm.s32 $0x5140  }
0xdc: {  	[hbm4b:s9+s26] =	stream.strided.scatter [tilespmem:s10], [sflag:$0x3], $0xC80, s1, s26, $0x38;
	[tilespmem:$0x19640] =	vst v63  }
0xdd: {  	s10 =	rddreg [dreg:$0xb]  }
0xde: {  	s9 =	sadd.s32 s6, s10;
	s10 =	simm.s32 $0x5DC0  }
0xdf: {  	[hbm4b:s9+s26] =	stream.strided.scatter [tilespmem:s10], [sflag:$0x3], $0xC80, s1, s26, $0x38;
	[tilespmem:$0x19640] =	vst v63  }
0xe0: {  	s10 =	rddreg [dreg:$0xa]  }
0xe1: {  	s9 =	sadd.s32 s6, s10;
	s10 =	simm.s32 $0x6A40  }
0xe2: {  	[hbm4b:s9+s26] =	stream.strided.scatter [tilespmem:s10], [sflag:$0x3], $0xC80, s1, s26, $0x38;
	[tilespmem:$0x19640] =	vst v63  }
0xe3: {  	s10 =	rddreg [dreg:$0x9]  }
0xe4: {  	s9 =	sadd.s32 s6, s10;
	s10 =	simm.s32 $0x76C0  }
0xe5: {  	[hbm4b:s9+s26] =	stream.strided.scatter [tilespmem:s10], [sflag:$0x3], $0xC80, s1, s26, $0x38;
	[tilespmem:$0x19640] =	vst v63  }
0xe6: {  	s10 =	rddreg [dreg:$0x8]  }
0xe7: {  	s9 =	sadd.s32 s6, s10;
	s10 =	simm.s32 $0x8340  }
0xe8: {  	[hbm4b:s9+s26] =	stream.strided.scatter [tilespmem:s10], [sflag:$0x3], $0xC80, s1, s26, $0x38;
	[tilespmem:$0x19640] =	vst v63  }
0xe9: {  	s10 =	rddreg [dreg:$0x7]  }
0xea: {  	s9 =	sadd.s32 s6, s10;
	s10 =	simm.s32 $0x8FC0  }
0xeb: {  	[hbm4b:s9+s26] =	stream.strided.scatter [tilespmem:s10], [sflag:$0x3], $0xC80, s1, s26, $0x38;
	[tilespmem:$0x19640] =	vst v63  }
0xec: {  	s10 =	rddreg [dreg:$0x6]  }
0xed: {  	s9 =	sadd.s32 s6, s10;
	s10 =	simm.s32 $0x9C40  }
0xee: {  	[hbm4b:s9+s26] =	stream.strided.scatter [tilespmem:s10], [sflag:$0x3], $0xC80, s1, s26, $0x38;
	[tilespmem:$0x19640] =	vst v63  }
0xef: {  	s10 =	rddreg [dreg:$0x5]  }
0xf0: {  	s9 =	sadd.s32 s6, s10;
	s10 =	simm.s32 $0xA8C0  }
0xf1: {  	[hbm4b:s9+s26] =	stream.strided.scatter [tilespmem:s10], [sflag:$0x3], $0xC80, s1, s26, $0x38;
	[tilespmem:$0x19640] =	vst v63  }
0xf2: {  	s10 =	rddreg [dreg:$0x4]  }
0xf3: {  	s9 =	sadd.s32 s6, s10;
	s10 =	simm.s32 $0xB540  }
0xf4: {  	[hbm4b:s9+s26] =	stream.strided.scatter [tilespmem:s10], [sflag:$0x3], $0xC80, s1, s26, $0x38;
	[tilespmem:$0x19640] =	vst v63  }
0xf5: {  	s10 =	rddreg [dreg:$0x3]  }
0xf6: {  	s9 =	sadd.s32 s6, s10;
	s10 =	simm.s32 $0xC1C0  }
0xf7: {  	[hbm4b:s9+s26] =	stream.strided.scatter [tilespmem:s10], [sflag:$0x3], $0xC80, s1, s26, $0x38;
	[tilespmem:$0x19640] =	vst v63  }
0xf8: {  	_ =	swait.ge [sflag:s2], $0x320  }
0xf9: {  	[sflag:s2] =	ssyncset.done $0x0  }
0xfa: {  	p0 =	seq.s32 s6, $0x69000;
	[sflag:s2] =	ssyncadd.s32 $0xFFFFFCE0  }
0xfb: {  	p1 =	seq.s32 @!p0 s6, $0x0;
	s9 =	sshrl.u32 @!p0 s7, $0x3;
	s10 =	rddreg [dreg:$0x1]  }
0xfc: {  	p1 =	por p0, !p1;
	s9 =	sadd.s32 @!p0 s10, s9;
	s10 =	simm.s32 @!p0 $0x0  }
0xfd: {  	[tilespmem:s10], [sflag:$0x1] =	stream.linear.gather @!p0 [hbm4b:s9+s10], $0x320, $0x38;
	[tilespmem:$0x19640] =	vst v63  }
0xfe: {  	_ =	swait.ge @p1 [sflag:s4], $0xC80  }
0xff: {  	[sflag:s4] =	ssyncset.done @p1 $0x0  }
0x100: {  	[sflag:s4] =	ssyncadd.s32 @p1 $0xFFFFF380  }
0x101: {  	_ =	swait.ge @p1 [sflag:s4], $0xC80  }
0x102: {  	[sflag:s4] =	ssyncset.done @p1 $0x0  }
0x103: {  	[sflag:s4] =	ssyncadd.s32 @p1 $0xFFFFF380  }
0x104: {  	_ =	swait.ge @p1 [sflag:s4], $0xC80  }
0x105: {  	[sflag:s4] =	ssyncset.done @p1 $0x0  }
0x106: {  	[sflag:s4] =	ssyncadd.s32 @p1 $0xFFFFF380  }
0x107: {  	_ =	swait.ge @p1 [sflag:s4], $0xC80  }
0x108: {  	[sflag:s4] =	ssyncset.done @p1 $0x0  }
0x109: {  	[sflag:s4] =	ssyncadd.s32 @p1 $0xFFFFF380  }
0x10a: {  	_ =	swait.ge @p1 [sflag:s4], $0xC80  }
0x10b: {  	[sflag:s4] =	ssyncset.done @p1 $0x0  }
0x10c: {  	[sflag:s4] =	ssyncadd.s32 @p1 $0xFFFFF380  }
0x10d: {  	_ =	swait.ge @p1 [sflag:s4], $0xC80  }
0x10e: {  	[sflag:s4] =	ssyncset.done @p1 $0x0  }
0x10f: {  	[sflag:s4] =	ssyncadd.s32 @p1 $0xFFFFF380  }
0x110: {  	_ =	swait.ge @p1 [sflag:s4], $0xC80  }
0x111: {  	[sflag:s4] =	ssyncset.done @p1 $0x0  }
0x112: {  	[sflag:s4] =	ssyncadd.s32 @p1 $0xFFFFF380  }
0x113: {  	_ =	swait.ge @p1 [sflag:s4], $0xC80  }
0x114: {  	[sflag:s4] =	ssyncset.done @p1 $0x0  }
0x115: {  	[sflag:s4] =	ssyncadd.s32 @p1 $0xFFFFF380  }
0x116: {  	_ =	swait.ge @p1 [sflag:s4], $0xC80  }
0x117: {  	[sflag:s4] =	ssyncset.done @p1 $0x0  }
0x118: {  	[sflag:s4] =	ssyncadd.s32 @p1 $0xFFFFF380  }
0x119: {  	_ =	swait.ge @p1 [sflag:s4], $0xC80  }
0x11a: {  	[sflag:s4] =	ssyncset.done @p1 $0x0  }
0x11b: {  	[sflag:s4] =	ssyncadd.s32 @p1 $0xFFFFF380  }
0x11c: {  	_ =	swait.ge @p1 [sflag:s4], $0xC80  }
0x11d: {  	[sflag:s4] =	ssyncset.done @p1 $0x0  }
0x11e: {  	[sflag:s4] =	ssyncadd.s32 @p1 $0xFFFFF380  }
0x11f: {  	_ =	swait.ge @p1 [sflag:s4], $0xC80  }
0x120: {  	[sflag:s4] =	ssyncset.done @p1 $0x0  }
0x121: {  	[sflag:s4] =	ssyncadd.s32 @p1 $0xFFFFF380  }
0x122: {  	_ =	swait.ge @p1 [sflag:s4], $0xC80  }
0x123: {  	[sflag:s4] =	ssyncset.done @p1 $0x0  }
0x124: {  	[sflag:s4] =	ssyncadd.s32 @p1 $0xFFFFF380  }
0x125: {  	_ =	swait.ge @p1 [sflag:s4], $0xC80  }
0x126: {  	[sflag:s4] =	ssyncset.done @p1 $0x0  }
0x127: {  	[sflag:s4] =	ssyncadd.s32 @p1 $0xFFFFF380  }
0x128: {  	_ =	swait.ge @p1 [sflag:s4], $0xC80  }
0x129: {  	[sflag:s4] =	ssyncset.done @p1 $0x0  }
0x12a: {  	[sflag:s4] =	ssyncadd.s32 @p1 $0xFFFFF380  }
0x12b: {  	_ =	swait.ge @p1 [sflag:s4], $0xC80  }
0x12c: {  	[sflag:s4] =	ssyncset.done @p1 $0x0  }
0x12d: {  	[sflag:s4] =	ssyncadd.s32 @p1 $0xFFFFF380  }
0x12e: {  	[tilespmem:s3], [sflag:$0x2] =	stream.indirect.gather [hbm4b:s30+s0], $0x40, s0, s0, $0xb8;
	[tilespmem:$0x19640] =	vst v63  }
0x12f: {  	_ =	swait.ge [sflag:s24], $0xC800  }
0x130: {  	[sflag:s24] =	ssyncset.done $0x0  }
0x131: {  	s10 =	sadd.s32 $0x3800, s8;
	[sflag:s24] =	ssyncadd.s32 $0xFFFF3800  }
0x132: {  	[hbm4b:s10+s26] =	stream.strided.scatter [tilespmem:s3], [sflag:$0x3], $0xC80, s1, s26, $0x38;
	[tilespmem:$0x19640] =	vst v63  }
0x133: {  	s9 =	sadd.s32 $0x3B80, s8;
	s10 =	simm.s32 $0xDAC0  }
0x134: {  	[hbm4b:s9+s26] =	stream.strided.scatter [tilespmem:s10], [sflag:$0x3], $0xC80, s1, s26, $0x38;
	[tilespmem:$0x19640] =	vst v63  }
0x135: {  	s8 =	sadd.s32 $0x3F00, s8;
	s10 =	simm.s32 $0xE740  }
0x136: {  	[hbm4b:s8+s26] =	stream.strided.scatter [tilespmem:s10], [sflag:$0x3], $0xC80, s1, s26, $0x38;
	[tilespmem:$0x19640] =	vst v63  }
0x137: {  	s9 =	sadd.s32 s6, s29;
	s10 =	simm.s32 $0xF3C0  }
0x138: {  	[hbm4b:s9+s26] =	stream.strided.scatter [tilespmem:s10], [sflag:$0x3], $0xC80, s1, s26, $0x38;
	[tilespmem:$0x19640] =	vst v63  }
0x139: {  	s9 =	sadd.s32 s6, s28;
	s10 =	simm.s32 $0x10040  }
0x13a: {  	[hbm4b:s9+s26] =	stream.strided.scatter [tilespmem:s10], [sflag:$0x3], $0xC80, s1, s26, $0x38;
	[tilespmem:$0x19640] =	vst v63  }
0x13b: {  	s9 =	sadd.s32 s6, s25;
	s10 =	simm.s32 $0x10CC0  }
0x13c: {  	[hbm4b:s9+s26] =	stream.strided.scatter [tilespmem:s10], [sflag:$0x3], $0xC80, s1, s26, $0x38;
	[tilespmem:$0x19640] =	vst v63  }
0x13d: {  	s9 =	sadd.s32 s6, s23;
	s10 =	simm.s32 $0x11940  }
0x13e: {  	[hbm4b:s9+s26] =	stream.strided.scatter [tilespmem:s10], [sflag:$0x3], $0xC80, s1, s26, $0x38;
	[tilespmem:$0x19640] =	vst v63  }
0x13f: {  	s9 =	sadd.s32 s6, s22;
	s10 =	simm.s32 $0x125C0  }
0x140: {  	[hbm4b:s9+s26] =	stream.strided.scatter [tilespmem:s10], [sflag:$0x3], $0xC80, s1, s26, $0x38;
	[tilespmem:$0x19640] =	vst v63  }
0x141: {  	s9 =	sadd.s32 s6, s21;
	s10 =	simm.s32 $0x13240  }
0x142: {  	[hbm4b:s9+s26] =	stream.strided.scatter [tilespmem:s10], [sflag:$0x3], $0xC80, s1, s26, $0x38;
	[tilespmem:$0x19640] =	vst v63  }
0x143: {  	s9 =	sadd.s32 s6, s20;
	s10 =	simm.s32 $0x13EC0  }
0x144: {  	[hbm4b:s9+s26] =	stream.strided.scatter [tilespmem:s10], [sflag:$0x3], $0xC80, s1, s26, $0x38;
	[tilespmem:$0x19640] =	vst v63  }
0x145: {  	s9 =	sadd.s32 s6, s19;
	s10 =	simm.s32 $0x14B40  }
0x146: {  	[hbm4b:s9+s26] =	stream.strided.scatter [tilespmem:s10], [sflag:$0x3], $0xC80, s1, s26, $0x38;
	[tilespmem:$0x19640] =	vst v63  }
0x147: {  	s9 =	sadd.s32 s6, s18;
	s10 =	simm.s32 $0x157C0  }
0x148: {  	[hbm4b:s9+s26] =	stream.strided.scatter [tilespmem:s10], [sflag:$0x3], $0xC80, s1, s26, $0x38;
	[tilespmem:$0x19640] =	vst v63  }
0x149: {  	s9 =	sadd.s32 s6, s17;
	s10 =	simm.s32 $0x16440  }
0x14a: {  	[hbm4b:s9+s26] =	stream.strided.scatter [tilespmem:s10], [sflag:$0x3], $0xC80, s1, s26, $0x38;
	[tilespmem:$0x19640] =	vst v63  }
0x14b: {  	s9 =	sadd.s32 s6, s16;
	s10 =	simm.s32 $0x170C0  }
0x14c: {  	[hbm4b:s9+s26] =	stream.strided.scatter [tilespmem:s10], [sflag:$0x3], $0xC80, s1, s26, $0x38;
	[tilespmem:$0x19640] =	vst v63  }
.Ltmp2:
0x14d: {  	_ = 	snop;
	(pc) =	sbr.rel @p0 .LBB2_4-.Ltmp2, $4  }
0x14e: {  	s9 =	sadd.s32 s6, s15;
	s10 =	simm.s32 $0x17D40  }
0x14f: {  	[hbm4b:s9+s26] =	stream.strided.scatter [tilespmem:s10], [sflag:$0x3], $0xC80, s1, s26, $0x38;
	[tilespmem:$0x19640] =	vst v63  }
0x150: {  	s11 =	simm.s32 $0x0;
	s9 =	sadd.s32 s6, s14;
	s10 =	simm.s32 $0x189C0  }
0x151: {  	[hbm4b:s9+s26] =	stream.strided.scatter [tilespmem:s10], [sflag:$0x3], $0xC80, s1, s26, $0x38;
	[tilespmem:$0x19640] =	vst v63  }
.Ltmp3:
0x152: {  	(pc) =	sbr.rel .LBB2_2-.Ltmp3, $4  }
0x153: {  	_ = 	snop  }
0x154: {  	_ =	swait.ge [sflag:s2], $0x320  }
0x155: {  	s7 =	sadd.s32 $0x640, s7;
	[sflag:s2] =	ssyncset.done $0x0  }
0x156: {  	s6 =	sadd.s32 $0x7000, s6;
	s5 =	sadd.s32 $0xC8, s5;
	[sflag:s2] =	ssyncadd.s32 $0xFFFFFCE0  }
.LBB2_5:
0x157: {  	_ =	sfence.sel $0x180000  }
0x158: {  	[bflag:$0x0] =	sbarrier.arrive $0xFFFF  }
0x159: {  	_ =	strace $0x90000047  }
0x15a: {  	s0 =	stileid.u32;
	[bflag:$0x2] =	sbarrier.arrive $0xFFFF  }
0x15b: {  	p0 =	sne.s32 s0, $0x0;
	s0 =	rddreg [dreg:$0x2]  }
0x15c: {  	s0 =	sadd.s32 @!p0 $0x100000, s0  }
0x15d: {  	[sflag:s0] =	ssyncadd.tile.s32 @!p0 $0x1;
	_ =	shalt  }
.Lfunc_end2:
_tile_overlayer_lowered:
.L_overlay_start_2:
0x15e: {  	(tag) =	ssettag $0x2  }
0x15f: {  	s0 =	rddreg [dreg:$0x0];
	s2 =	stileid.u32  }
0x160: {  	s1 =	rddreg [dreg:$0x1];
	p0 =	sne.s32 s2, $0x0  }
0x161: {  	s3 =	rddreg [dreg:$0x2];
	[bflag:$0x3] =	sbarrier.arrive $0xFFFF;
	s2 =	simm.s32 @!p0 $0x1C04  }
0x162: {  	[timem:s3], [sflag:s2] =	dma.local @!p0 [hbm:s0], s1  }
0x163: {  	s0 =	simm.s32 @!p0 $0x4  }
0x164: {  	_ =	swait.ge @!p0 [sflag:s0], s1  }
0x165: {  	s1 =	ssub.s32 @!p0 $0x0, s1;
	[sflag:s0] =	ssyncset.done @!p0 $0x0  }
0x166: {  	[sflag:s0] =	ssyncadd.s32 @!p0 s1  }
0x167: {  	[bflag:$0x3] =	sbarrier.arrive $0xFFFF  }
0x168: {  	_ =	shalt  }

// kernel: sparse-core-data-format-call.cloned.1.call-start
scs
called_computation_lowered:
.L_overlay_start_0:
0x0: {  	s2 =	sld [smem:$0x3FD9]  }
0x1: {  	s3 =	sld [smem:$0x3FFE];
	_ =	sdelay $0x1  }
0x2: {  	s1 =	srdreg.scid  }
0x3: {  	s0 =	sand.u32 $0x1, s1  }
0x4: {  	s18 =	sshll.u32 s0, $0xA;
	s2 =	sadd.s32 s3, s2  }
0x5: {  	s2 =	sadd.s32 s2, s18  }
0x6: {  	[smem:$0x3FC6] =	sst s2  }
0x7: {  	_ = 	snop  }
0x8: {  	s2 =	sld [smem:$0x3FD0];
	(tm) =	ssettm $0x1  }
0x9: {  	s19 =	sld [smem:$0x3FFB];
	_ =	sdelay $0x3  }
0xa: {  	_ =	strace s19  }
0xb: {  	s3 =	sld [smem:$0x3FFC];
	_ =	sdelay $0x3  }
0xc: {  	_ =	strace s3  }
0xd: {  	s3 =	sld [smem:$0x3FFD];
	_ =	sdelay $0x3  }
0xe: {  	_ =	strace s3  }
0xf: {  	_ =	strace $0x8FFFFFFF  }
0x10: {  	s20 =	sld [smem:$0x3FDB];
	_ =	sdelay $0x1  }
0x11: {  	s4 =	simm.s32 $_scs_section_size  }
0x12: {  	s5 =	simm.s32 $_size__tile_overlayer_lowered;
	s6 =	simm.s32 $_tile_overlayer_lowered  }
0x13: {  	s23 =	simm.s32 $0x1BFF;
	s22 =	sshll.u32 s6, $0x1;
	s3 =	sadd.s32 s4, s20  }
0x14: {  	s7 =	simm.s32 $0x0;
	s21 =	sshll.u32 s5, $0x1;
	s5 =	sadd.s32 s22, s3  }
0x15: {  	[timem:s7], [sflag:s23] =	dma.local [hbm:s5], s21  }
0x16: {  	_ =	swait.ge [sflag:s23], s21  }
0x17: {  	s4 =	ssub.s32 $0x0, s21;
	[sflag:s23] =	ssyncset.done $0x0  }
0x18: {  	[sflag:s23] =	ssyncadd.s32 s4;
	_ =	sdelay $0x1  }
0x19: {  	s24 =	simm.s32 $0x1B8B  }
0x1a: {  	_ =	swait.ge [sflag:s24], $0x1  }
0x1b: {  	[sflag:s24] =	ssyncset.done $0x0  }
0x1c: {  	s26 =	simm.s32 $0x1B8E;
	s25 =	sld [smem:$0x3FFE];
	[sflag:s24] =	ssyncadd.s32 $0xFFFFFFFF  }
0x1d: {  	s27 =	simm.s32 $execute0_lowered;
	[smem:$0x3FD2] =	sst s26  }
0x1e: {  	s5 =	sshll.u32 s27, $0x1;
	_ =	strace $0x80000049;
	[dreg:$0x1] =	wrdreg $0xFFFFFFFF  }
0x1f: {  	s28 =	simm.s32 $_size_execute0_lowered;
	s3 =	sadd.s32 s3, s5;
	[dreg:$0x0] =	wrdreg $0x0  }
0x20: {  	s5 =	sshll.u32 s28, $0x1;
	[dreg:$0x2] =	wrdreg s3  }
0x21: {  	[dreg:$0x3] =	wrdreg s5  }
0x22: {  	[dreg:$0x4] =	wrdreg $0xC0  }
0x23: {  	_ =	task [dreg:s7], $0x5FFFF  }
0x24: {  	[dreg:$0x1] =	wrdreg $0xFFFFFFFF  }
0x25: {  	[dreg:$0x0] =	wrdreg $0x60  }
0x26: {  	[dreg:$0x2] =	wrdreg s25  }
0x27: {  	[dreg:$0x3] =	wrdreg s2  }
0x28: {  	[dreg:$0x4] =	wrdreg $0x9  }
0x29: {  	_ =	task.clear_ibuf [dreg:s7], $0x5FFFF;
	_ =	strace $0x90000049  }
0x2a: {  	s29 =	simm.s32 $0x9;
	_ =	strace $0x8000004B  }
0x2b: {  	_ =	swait.ge [sflag:s29], $0x1  }
0x2c: {  	[sflag:s29] =	ssyncadd.s32 $0xFFFFFFFF  }
0x2d: {  	_ =	strace $0x9000004B  }
0x2e: {  	_ =	sfence  }
0x2f: {  	s30 =	sld [smem:$0x0];
	_ =	sdelay $0x2  }
0x30: {  	s31 =	sshll.u32 s1, $0xD;
	s1 =	sshrl.u32 s1, $0x2  }
0x31: {  	s3 =	sand.u32 $0x4000, s31;
	s1 =	sadd.s32 s1, s30  }
0x32: {  	s0 =	sor.u32 s3, s0;
	s1 =	sshll.u32 s1, $0x11  }
0x33: {  	s0 =	sor.u32 s1, s0  }
0x34: {  	s0 =	sadd.s32 $0x8F2B, s0  }
0x35: {  	[sflag:s0] =	ssyncadd.remote.s32 $0x1  }
0x36: {  	_ =	sfence.sel $0xFFFF  }
0x37: {  	[dreg:$0x0] =	wrdreg $0xFFFFFFFF;
	(pc) =	sbr.abs _section_cstart, $3  }
0x38: {  	[dreg:$0x1] =	wrdreg $0xFFFFFFFF  }
0x39: {  	_ =	task.clear_ibuf [dreg:s7], $0x2FFFF;
	_ =	strace $0x9FFFFFFF  }
0x3a: {  	(tm) =	ssettm $0x7FFFFFFF  }
0x3b: {  	_ =	shalt  }
tec
execute0_lowered:
.L_overlay_start_1:
0x0: {  	(tag) =	ssettag $0x1  }
0x1: {  	s0 =	srdreg.scid  }
0x2: {  	s1 =	sshll.u32 s0, $0x4  }
0x3: {  	s0 =	stileid.u32;
	s1 =	sand.u32 $0x10, s1  }
0x4: {  	s1 =	sor.u32 s0, s1  }
0x5: {  	s6 =	rddreg [dreg:$0x0];
	s4 =	simm.s32 $0x1;
	s2 =	sshll.u32 s1, $0x7  }
0x6: {  	s7 =	simm.s32 $0x2;
	s12 =	simm.s32 $0x0;
	s1 =	ssub.s32 $0x4000, s2  }
0x7: {  	s8 =	simm.s32 $0x20000;
	s13 =	simm.s32 $0x0;
	s3 =	sand.u32 $0xF80, s1  }
0x8: {  	s9 =	simm.s32 $0x0;
	s5 =	sshrl.u32 s1, $0xC;
	p0 =	sne.s32 s3, $0x0  }
.Ltmp0:
0x9: {  	s1 =	rddreg [dreg:$0x2];
	s4 =	simm.s32 @!p0 $0x0;
	(pc) =	sbr.rel .LBB1_1-.Ltmp0, $4  }
0xa: {  	s11 =	simm.s32 $0x0;
	s3 =	rddreg [dreg:$0x1];
	s5 =	sadd.s32 s4, s5  }
0xb: {  	_ =	strace $0x8000004A;
	s4 =	simm.s32 $0x1;
	s5 =	smul.u32 $0x32, s5  }
0xc: {  	s6 =	sadd.s32 $0xC3E00, s6;
	s10 =	smov.u32 s2;
	[sflag:s4] =	ssyncpa.u1 $0x0  }
0xd: {  	p0 =	por $0x0, $0x0;
	[sflag:s7] =	ssyncpa.u1 $0x0;
	s7 =	sor.u32 $0x1, s5  }
.LBB1_4:
0xe: {  	s16 =	sshll.u32 s13, $0x3;
	s17 =	sand.u32 $0x78, s13  }
0xf: {  	s30 =	sand.u32 $0x1F800, s13;
	s12 =	sshll.u32 s12, $0x11;
	s16 =	sand.u32 $0x3C00, s16  }
0x10: {  	[tilespmem:s15+$0x810 ss:$0x81] =	vst.msk $0xffff, v2;
	s31 =	sand.u32 $0x7, s13;
	s16 =	sor.u32 s17, s16;
	s17 =	sadd.s32 s3, s30  }
0x11: {  	[tilespmem:s15+$0x1020 ss:$0x81] =	vst.msk $0xffff, v0;
	s13 =	sshll.u32 s31, $0x12;
	s12 =	sadd.s32 s12, s17;
	s16 =	sshrl.u32 s16, $0x3  }
0x12: {  	[tilespmem:s15+$0x0 ss:$0x81] =	vst.msk $0xffff, v1;
	s13 =	sor.u32 $0x400, s13;
	s12 =	sadd.s32 s16, s12  }
0x13: {  	[hbm4b:s12+s13] =	stream.strided.scatter [tilespmem:s14], [sflag:$0x2], $0x2000, s8, s13, $0x20;
	[tilespmem:$0x8080] =	vst v63  }
.LBB1_5:
0x14: {  	s14 =	sadd.s32 $0x1, s9  }
0x15: {  	s12 =	sadd.s32 $0x1000, s10;
	s16 =	smov.u32 s10;
	p2 =	sgt.s32 s14, $0x31  }
0x16: {  	s16 =	smov.u32 @p2 s12  }
0x17: {  	s14 =	simm.s32 @p2 $0x0;
	p2 =	sgt.s32 s16, $0x3FFF  }
0x18: {  	s16 =	smov.u32 @p2 s2;
	p2 =	sne.s32 s11, s7  }
.Ltmp1:
0x19: {  	p1 =	slt.u32 s11, $0x2;
	(pc) =	sbr.rel @!p2 .LBB1_6-.Ltmp1, $4  }
0x1a: {  	s15 =	simm.s32 @!p1 $0x2  }
0x1b: {  	s13 =	smov.u32 s10;
	p0 =	por !p0, !p0;
	_ =	swait.ge @!p1 [sflag:s15], $0x2000  }
0x1c: {  	s12 =	smov.u32 s9;
	[sflag:s15] =	ssyncset.done @!p1 $0x0;
	s9 =	smov.u32 s14  }
0x1d: {  	s11 =	sadd.s32 $0x1, s11;
	[sflag:s15] =	ssyncadd.s32 @!p1 $0xFFFFE000;
	s10 =	smov.u32 s16  }
.LBB1_1:
0x1e: {  	p1 =	sge.u32 s11, s5  }
0x1f: {  	s14 =	sand.u32 @!p1 $0x1FFFFFF, s9  }
0x20: {  	s15 =	smulhi.u32 @!p1 $0x4924925, s14;
	_ =	sdelay $0x1  }
0x21: {  	s15 =	smul.u32 @!p1 $0x38, s15  }
0x22: {  	s16 =	sxor.u32 @!p1 $0xFFFFFFFF, s11;
	s17 =	smul.u32 @!p1 $0x380, s10  }
0x23: {  	s31 =	sadd.s32 $0xFFFFFFFF, s11;
	s16 =	sshll.u32 @!p1 s16, $0xD;
	s14 =	ssub.s32 @!p1 s14, s15  }
0x24: {  	s15 =	sand.u32 @!p1 $0x2000, s16;
	s16 =	sadd.s32 @!p1 s6, s17;
	s14 =	sshll.u32 @!p1 s14, $0x4  }
0x25: {  	s17 =	simm.s32 @!p1 $0x1C00;
	s14 =	sadd.s32 @!p1 s14, s16;
	s16 =	simm.s32 @!p1 $0x40  }
0x26: {  	[tilespmem:s15], [sflag:$0x1] =	stream.strided.gather @!p1 [hbm4b:s14+s16], $0x2000, s17, s16, $0x38;
	[tilespmem:$0x8080] =	vst v63  }
0x27: {  	p1 =	sge.u32 s31, s5  }
.Ltmp2:
0x28: {  	_ = 	snop;
	(pc) =	sbr.rel @p1 .LBB1_5-.Ltmp2, $1  }
0x29: {  	_ =	sdelay $0x3  }
0x2a: {  	s14 =	simm.s32 $0x1  }
0x2b: {  	_ =	swait.ge [sflag:s4], $0x2000;
	s14 =	simm.s32 @!p0 $0x0  }
0x2c: {  	[sflag:s4] =	ssyncset.done $0x0;
	s15 =	sshll.u32 s14, $0xD  }
0x2d: {  	[sflag:s4] =	ssyncadd.s32 $0xFFFFE000;
	s18 =	sor.u32 $0x20, s15  }
0x2e: {  	s14 =	smul.u32 $0x8100, s14;
	v3 =	vld [tilespmem:s18+$0x10]  }
0x2f: {  	s30 =	sand.u32 $0x1, s11;
	v2 =	vld [tilespmem:s18+$0xFFFFFFF0]  }
0x30: {  	s15 =	smul.u32 $0x8100, s30;
	s14 =	sshrl.u32 s14, $0x2;
	v0 =	vld [tilespmem:s18+$0x0]  }
0x31: {  	v1 =	vld [tilespmem:s18+$0xFFFFFFE0];
	s16 =	sor.u32 $0x4000, s14  }
0x32: {  	s31 =	sshrl.u32 s15, $0x2;
	s15 =	sadd.s32 $0x0, s16  }
0x33: {  	s17 =	simm.s32 $0x4;
	s18 =	sadd.s32 $0x40, s18;
	s14 =	sor.u32 $0x4000, s31;
	[tilespmem:s15+$0x1830 ss:$0x81] =	vst.msk $0xffff, v3  }
.LBB1_3:
0x34: {  	v3 =	vld [tilespmem:s18+$0x10];
	p1 =	sne.s32 s17, $0x1FC;
	[tilespmem:s15+$0x810 ss:$0x81] =	vst.msk $0xffff, v2;
	s19 =	smov.u32 s17;
	s17 =	sadd.s32 $0x4, s17  }
.Ltmp3:
0x35: {  	v2 =	vld [tilespmem:s18+$0xFFFFFFF0];
	[tilespmem:s15+$0x1020 ss:$0x81] =	vst.msk $0xffff, v0;
	(pc) =	sbr.rel @p1 .LBB1_3-.Ltmp3, $4  }
0x36: {  	v0 =	vld [tilespmem:s18+$0x0];
	[tilespmem:s15+$0x0 ss:$0x81] =	vst.msk $0xffff, v1  }
0x37: {  	s15 =	sshra.s32 s19, $0x2;
	v1 =	vld [tilespmem:s18+$0xFFFFFFE0]  }
0x38: {  	s15 =	sadd.s32 s15, s16  }
0x39: {  	s18 =	sadd.s32 $0x40, s18;
	[tilespmem:s15+$0x1830 ss:$0x81] =	vst.msk $0xffff, v3  }
.Ltmp4:
0x3a: {  	_ = 	snop;
	(pc) =	sbr.rel .LBB1_4-.Ltmp4, $1  }
0x3b: {  	_ =	sdelay $0x3  }
.LBB1_6:
0x3c: {  	_ =	sfence.sel $0x180000  }
0x3d: {  	s2 =	simm.s32 $0x1;
	[bflag:$0x0] =	sbarrier.arrive $0xFFFF  }
0x3e: {  	s31 =	simm.s32 $0x2;
	[sflag:s2] =	ssyncpa.u1 $0x1  }
0x3f: {  	[sflag:s31] =	ssyncpa.u1 $0x1  }
0x40: {  	p0 =	sne.s32 s0, $0x0;
	_ =	strace $0x9000004A  }
0x41: {  	s0 =	sadd.s32 @!p0 $0x100000, s1;
	[bflag:$0x2] =	sbarrier.arrive $0xFFFF  }
0x42: {  	[sflag:s0] =	ssyncadd.tile.s32 @!p0 $0x1;
	_ =	shalt  }
.Lfunc_end1:
_tile_overlayer_lowered:
.L_overlay_start_2:
0x43: {  	(tag) =	ssettag $0x2  }
0x44: {  	s0 =	rddreg [dreg:$0x0];
	s2 =	stileid.u32  }
0x45: {  	s1 =	rddreg [dreg:$0x1];
	p0 =	sne.s32 s2, $0x0  }
0x46: {  	s3 =	rddreg [dreg:$0x2];
	[bflag:$0x3] =	sbarrier.arrive $0xFFFF;
	s2 =	simm.s32 @!p0 $0x1C01  }
0x47: {  	[timem:s3], [sflag:s2] =	dma.local @!p0 [hbm:s0], s1  }
0x48: {  	s0 =	simm.s32 @!p0 $0x1  }
0x49: {  	_ =	swait.ge @!p0 [sflag:s0], s1  }
0x4a: {  	s1 =	ssub.s32 @!p0 $0x0, s1;
	[sflag:s0] =	ssyncset.done @!p0 $0x0  }
0x4b: {  	[sflag:s0] =	ssyncadd.s32 @!p0 s1  }
0x4c: {  	[bflag:$0x3] =	sbarrier.arrive $0xFFFF  }
0x4d: {  	_ =	shalt  }

</sc_bundles>
